<compile_context>
chip_gen: v7x
topology: tpu7x:2x2x1
jax: 0.10.2.dev20260603
libtpu: 0.0.44.dev20260713+nightly
codegen_flags: <defaults>
</compile_context>

<pallas_src>
import functools
import math

import jax
import jax.numpy as jnp
from jax import lax
from jax.experimental import pallas as pl
from jax.experimental.pallas import tpu as pltpu
from jax.experimental.pallas import tpu_sc as plsc

TB = 1024
BLK = 512


def _gelu_exact(h):
    return h * 0.5 * (1.0 + lax.erf(h * (1.0 / math.sqrt(2.0))))


def _router_body(ridx_ref, z_ref, c_ref, tau_ref,
                 d0_ref, d1_ref, rw0_ref, rw1_ref, ew_ref,
                 bexp_ref, bact_ref, carry_ref, off_ref,
                 i0s_ref, i1s_ref, s0s_ref, s1s_ref, cnts_ref,
                 *, E, B, MAXB, NB):
    i = pl.program_id(0)
    tok = lax.rem(i, NB) * TB

    @pl.when(i == 0)
    def _():
        carry_ref[...] = jnp.zeros_like(carry_ref)

    @pl.when(i < NB)
    def _():
        zb = z_ref[...]
        c = c_ref[0]
        t = tau_ref[ridx_ref[0], 0]
        tau = jnp.maximum(t, 0.0) + jnp.log1p(jnp.exp(-jnp.abs(t))) + 1e-6
        d2_cols = []
        for e in range(E):
            diff = zb - c[e:e + 1, :]
            d2_cols.append(jnp.sum(diff * diff, axis=1, keepdims=True))
        dist = jnp.sqrt(jnp.concatenate(d2_cols, axis=1))
        scores = jnp.exp(-dist / tau)

        e_iota = lax.broadcasted_iota(jnp.int32, scores.shape, 1)
        s0 = jnp.max(scores, axis=1, keepdims=True)
        i0 = jnp.argmax(scores, axis=1)[:, None]
        masked = jnp.where(e_iota == i0, -jnp.inf, scores)
        s1 = jnp.max(masked, axis=1, keepdims=True)
        i1 = jnp.argmax(masked, axis=1)[:, None]
        onehot0 = (i0 == e_iota).astype(jnp.float32)
        onehot1 = (i1 == e_iota).astype(jnp.float32)
        cnt = onehot0 + onehot1
        i0s_ref[pl.ds(tok, TB), :] = i0
        i1s_ref[pl.ds(tok, TB), :] = i1
        s0s_ref[pl.ds(tok, TB), :] = s0
        s1s_ref[pl.ds(tok, TB), :] = s1
        cnts_ref[pl.ds(tok, TB), :] = cnt
        carry_ref[...] += jnp.sum(cnt, axis=0, keepdims=True)

    @pl.when(i == NB)
    def _():
        counts = carry_ref[...]
        ew_ref[...] = counts / (B * 2.0)
        ci = counts.astype(jnp.int32)
        nb = lax.shift_right_logical(ci + (BLK - 1), int(math.log2(BLK)))
        er = lax.broadcasted_iota(jnp.int32, (E, E), 0)
        ec = lax.broadcasted_iota(jnp.int32, (E, E), 1)
        tri_e = (er < ec).astype(jnp.float32)
        cumx = lax.dot_general(nb.astype(jnp.float32), tri_e,
                               (((1,), (0,)), ((), ())),
                               preferred_element_type=jnp.float32)
        cumx = cumx.astype(jnp.int32)
        off_ref[...] = (cumx * BLK).astype(jnp.float32)
        total_nb = cumx[0, E - 1] + nb[0, E - 1]
        biota = lax.broadcasted_iota(jnp.int32, (1, MAXB), 1)
        eb = jnp.zeros((1, MAXB), jnp.int32)
        for e in range(E):
            eb = eb + (biota >= cumx[0, e]).astype(jnp.int32)
        eb = eb - 1
        act = (biota < total_nb).astype(jnp.int32)
        bexp_ref[...] = jnp.where(act == 1, eb, E - 1)
        bact_ref[...] = act
        carry_ref[...] = jnp.zeros_like(carry_ref)

    @pl.when(i >= NB)
    def _():
        i0 = i0s_ref[pl.ds(tok, TB), :]
        i1 = i1s_ref[pl.ds(tok, TB), :]
        s0 = s0s_ref[pl.ds(tok, TB), :]
        s1 = s1s_ref[pl.ds(tok, TB), :]
        cnt = cnts_ref[pl.ds(tok, TB), :]
        e_iota = lax.broadcasted_iota(jnp.int32, (TB, E), 1)
        onehot0 = (i0 == e_iota).astype(jnp.float32)
        onehot1 = (i1 == e_iota).astype(jnp.float32)
        w0 = 1.0 / (1.0 + jnp.exp(s1 - s0))
        rw0_ref[...] = w0
        rw1_ref[...] = 1.0 - w0
        base = carry_ref[...] + off_ref[...]
        r_iota = lax.broadcasted_iota(jnp.int32, (TB, TB), 0)
        c_iota = lax.broadcasted_iota(jnp.int32, (TB, TB), 1)
        tri = (c_iota < r_iota).astype(jnp.float32)
        pre = lax.dot_general(tri, cnt, (((1,), (0,)), ((), ())),
                              preferred_element_type=jnp.float32)
        pre = pre + base
        rank0 = jnp.sum(pre * onehot0, axis=1, keepdims=True)
        rank1 = jnp.sum(pre * onehot1, axis=1, keepdims=True)
        d0_ref[...] = rank0.astype(jnp.int32)
        d1_ref[...] = rank1.astype(jnp.int32)
        carry_ref[...] += jnp.sum(cnt, axis=0, keepdims=True)


def _run_router(z, router_idx, centroids, tau_raw, E, B, D, R, MAXB):
    NB = B // TB
    ridx = jnp.asarray(router_idx, jnp.int32).reshape((1,))
    body = functools.partial(_router_body, E=E, B=B, MAXB=MAXB, NB=NB)
    grid_spec = pltpu.PrefetchScalarGridSpec(
        num_scalar_prefetch=1,
        grid=(2 * NB,),
        in_specs=[
            pl.BlockSpec((TB, D), lambda i, r: (jnp.minimum(i, NB - 1), 0)),
            pl.BlockSpec((1, E, D), lambda i, r: (r[0], 0, 0)),
            pl.BlockSpec(memory_space=pltpu.SMEM),
        ],
        out_specs=[
            pl.BlockSpec((TB, 1), lambda i, r: (lax.rem(i, NB), 0)),
            pl.BlockSpec((TB, 1), lambda i, r: (lax.rem(i, NB), 0)),
            pl.BlockSpec((TB, 1), lambda i, r: (lax.rem(i, NB), 0)),
            pl.BlockSpec((TB, 1), lambda i, r: (lax.rem(i, NB), 0)),
            pl.BlockSpec((1, E), lambda i, r: (0, 0)),
            pl.BlockSpec((1, MAXB), lambda i, r: (0, 0)),
            pl.BlockSpec((1, MAXB), lambda i, r: (0, 0)),
        ],
        scratch_shapes=[pltpu.VMEM((1, E), jnp.float32),
                        pltpu.VMEM((1, E), jnp.float32),
                        pltpu.VMEM((B, 1), jnp.int32),
                        pltpu.VMEM((B, 1), jnp.int32),
                        pltpu.VMEM((B, 1), jnp.float32),
                        pltpu.VMEM((B, 1), jnp.float32),
                        pltpu.VMEM((B, E), jnp.float32)],
    )
    return pl.pallas_call(
        body,
        grid_spec=grid_spec,
        out_shape=[
            jax.ShapeDtypeStruct((B, 1), jnp.int32),
            jax.ShapeDtypeStruct((B, 1), jnp.int32),
            jax.ShapeDtypeStruct((B, 1), jnp.float32),
            jax.ShapeDtypeStruct((B, 1), jnp.float32),
            jax.ShapeDtypeStruct((1, E), jnp.float32),
            jax.ShapeDtypeStruct((1, MAXB), jnp.int32),
            jax.ShapeDtypeStruct((1, MAXB), jnp.int32),
        ],
    )(ridx, z, centroids, tau_raw.reshape(R, 1))


def _sc_dispatch(z, d0, d1, NROWS):
    B, D = z.shape
    info = plsc.get_sparse_core_info()
    NC, NS = info.num_cores, info.num_subcores
    NW = NC * NS
    per_w = B // NW
    CH = 64
    NCH = per_w // CH
    mesh = plsc.VectorSubcoreMesh(core_axis_name="c", subcore_axis_name="s")

    @functools.partial(
        pl.kernel, mesh=mesh,
        out_type=jax.ShapeDtypeStruct((NROWS, D), jnp.float32),
        compiler_params=pltpu.CompilerParams(use_tc_tiling_on_sc=True),
        scratch_types=[
            pltpu.VMEM((CH, D), jnp.float32),
            pltpu.VMEM((CH, D), jnp.float32),
            pltpu.VMEM((NCH, CH), jnp.int32),
            pltpu.VMEM((NCH, CH), jnp.int32),
            pltpu.SemaphoreType.DMA,
            pltpu.SemaphoreType.DMA,
        ],
    )
    def k(z_hbm, d0_hbm, d1_hbm, xs_hbm, rows_a, rows_b, i0_v, i1_v,
          sem_l, sem_s):
        wid = lax.axis_index("s") * NC + lax.axis_index("c")
        base = wid * per_w
        pltpu.sync_copy(d0_hbm.at[pl.ds(wid * NCH, NCH)], i0_v)
        pltpu.sync_copy(d1_hbm.at[pl.ds(wid * NCH, NCH)], i1_v)
        bufs = [rows_a, rows_b]
        loads = {}
        loads[0] = pltpu.async_copy(z_hbm.at[pl.ds(base, CH)], bufs[0],
                                    sem_l)
        loads[1] = pltpu.async_copy(z_hbm.at[pl.ds(base + CH, CH)], bufs[1],
                                    sem_l)
        for j in range(NCH):
            loads[j].wait()
            c0 = pltpu.async_copy(bufs[j % 2], xs_hbm.at[i0_v.at[j]], sem_s)
            c1 = pltpu.async_copy(bufs[j % 2], xs_hbm.at[i1_v.at[j]], sem_s)
            c0.wait()
            c1.wait()
            if j + 2 < NCH:
                loads[j + 2] = pltpu.async_copy(
                    z_hbm.at[pl.ds(base + (j + 2) * CH, CH)],
                    bufs[j % 2], sem_l)

    return k(z, d0.reshape(B // CH, CH), d1.reshape(B // CH, CH))


def _expert_body(be_ref, ba_ref, xs_ref, w1_ref, b1_ref, w2_ref, b2_ref,
                 os_ref):
    b = pl.program_id(0)

    @pl.when(ba_ref[b] == 1)
    def _():
        e = be_ref[b]
        xb = xs_ref[...].astype(jnp.bfloat16)
        h = lax.dot_general(xb, w1_ref[pl.ds(e, 1)][0],
                            (((1,), (0,)), ((), ())),
                            preferred_element_type=jnp.float32)
        h = _gelu_exact(h + b1_ref[pl.ds(e, 1)][0])
        o = lax.dot_general(h.astype(jnp.bfloat16), w2_ref[pl.ds(e, 1)][0],
                            (((1,), (0,)), ((), ())),
                            preferred_element_type=jnp.float32)
        os_ref[...] = o + b2_ref[pl.ds(e, 1)][0]


def _run_experts(xs, W1bf, b1, W2bf, b2, bexp, bact, E, D, H, NROWS, MAXB):
    grid_spec = pltpu.PrefetchScalarGridSpec(
        num_scalar_prefetch=2,
        grid=(MAXB,),
        in_specs=[
            pl.BlockSpec((BLK, D), lambda b, be, ba: (b, 0)),
            pl.BlockSpec((E, D, H), lambda b, be, ba: (0, 0, 0)),
            pl.BlockSpec((E, 1, H), lambda b, be, ba: (0, 0, 0)),
            pl.BlockSpec((E, H, D), lambda b, be, ba: (0, 0, 0)),
            pl.BlockSpec((E, 1, D), lambda b, be, ba: (0, 0, 0)),
        ],
        out_specs=pl.BlockSpec((BLK, D), lambda b, be, ba: (b, 0)),
    )
    return pl.pallas_call(
        _expert_body,
        grid_spec=grid_spec,
        out_shape=jax.ShapeDtypeStruct((NROWS, D), jnp.float32),
    )(bexp, bact, xs, W1bf, b1, W2bf, b2)


def _sc_gather(os_rows, d0, d1):
    B = d0.shape[0]
    W = os_rows.shape[1]
    info = plsc.get_sparse_core_info()
    NC, NS = info.num_cores, info.num_subcores
    NW = NC * NS
    per_w = B // NW
    CH = 64
    NCH = per_w // CH
    mesh = plsc.VectorSubcoreMesh(core_axis_name="c", subcore_axis_name="s")

    @functools.partial(
        pl.kernel, mesh=mesh,
        out_type=[jax.ShapeDtypeStruct((B, W), jnp.float32),
                  jax.ShapeDtypeStruct((B, W), jnp.float32)],
        compiler_params=pltpu.CompilerParams(use_tc_tiling_on_sc=True),
        scratch_types=[
            pltpu.VMEM((CH, W), jnp.float32),
            pltpu.VMEM((CH, W), jnp.float32),
            pltpu.VMEM((NCH, CH), jnp.int32),
            pltpu.VMEM((NCH, CH), jnp.int32),
            pltpu.SemaphoreType.DMA,
            pltpu.SemaphoreType.DMA,
        ],
    )
    def k(os_hbm, d0_hbm, d1_hbm, g0_hbm, g1_hbm, r0_v, r1_v, i0_v, i1_v,
          sem_g, sem_st):
        wid = lax.axis_index("s") * NC + lax.axis_index("c")
        pltpu.sync_copy(d0_hbm.at[pl.ds(wid * NCH, NCH)], i0_v)
        pltpu.sync_copy(d1_hbm.at[pl.ds(wid * NCH, NCH)], i1_v)
        for j in range(NCH):
            base = wid * per_w + j * CH
            cp0 = pltpu.async_copy(os_hbm.at[i0_v.at[j]], r0_v, sem_g)
            cp1 = pltpu.async_copy(os_hbm.at[i1_v.at[j]], r1_v, sem_g)
            cp0.wait()
            cp1.wait()
            s0 = pltpu.async_copy(r0_v, g0_hbm.at[pl.ds(base, CH)], sem_st)
            s1 = pltpu.async_copy(r1_v, g1_hbm.at[pl.ds(base, CH)], sem_st)
            s0.wait()
            s1.wait()

    return k(os_rows, d0.reshape(B // CH, CH), d1.reshape(B // CH, CH))


def _combine_body(z_ref, g0_ref, g1_ref, w0_ref, w1_ref, gamma_ref,
                  beta_ref, out_ref):
    y = z_ref[...] + w0_ref[...] * g0_ref[...] + w1_ref[...] * g1_ref[...]
    mean = jnp.mean(y, axis=1, keepdims=True)
    yc = y - mean
    var = jnp.mean(yc * yc, axis=1, keepdims=True)
    out_ref[...] = yc * lax.rsqrt(var + 1e-5) * gamma_ref[...] + beta_ref[...]


def _run_combine(z, g0, g1, rw0, rw1, gamma, beta, B, D):
    NB = B // TB
    return pl.pallas_call(
        _combine_body,
        grid=(NB,),
        in_specs=[
            pl.BlockSpec((TB, D), lambda i: (i, 0)),
            pl.BlockSpec((TB, D), lambda i: (i, 0)),
            pl.BlockSpec((TB, D), lambda i: (i, 0)),
            pl.BlockSpec((TB, 1), lambda i: (i, 0)),
            pl.BlockSpec((TB, 1), lambda i: (i, 0)),
            pl.BlockSpec((1, D), lambda i: (0, 0)),
            pl.BlockSpec((1, D), lambda i: (0, 0)),
        ],
        out_specs=pl.BlockSpec((TB, D), lambda i: (i, 0)),
        out_shape=jax.ShapeDtypeStruct((B, D), jnp.float32),
    )(z, g0, g1, rw0, rw1, gamma.reshape(1, D), beta.reshape(1, D))


def _pipeline(z, router_idx, W1bf, b1r, W2bf, b2r, centroids, tau_raw,
              gamma, beta):
    B, D = z.shape
    E, _, H = W1bf.shape
    R = centroids.shape[0]
    MAXB = (B * 2) // BLK + E
    NROWS = (MAXB + 1) * BLK

    d0, d1, rw0, rw1, ew, bexp, bact = _run_router(
        z, router_idx, centroids, tau_raw, E, B, D, R, MAXB)

    xs = _sc_dispatch(z, d0.reshape(B), d1.reshape(B), NROWS)

    os_rows = _run_experts(xs, W1bf, b1r, W2bf, b2r,
                           bexp.reshape(MAXB), bact.reshape(MAXB),
                           E, D, H, NROWS, MAXB)

    g0, g1 = _sc_gather(os_rows, d0.reshape(B), d1.reshape(B))

    y_moe = _run_combine(z, g0, g1, rw0, rw1, gamma, beta, B, D)
    return y_moe, ew


def kernel(z, router_idx, W1, b1, W2, b2, centroids, tau_raw, gamma, beta):
    B, D = z.shape
    E, _, H = W1.shape
    W1bf = W1.astype(jnp.bfloat16)
    W2bf = W2.astype(jnp.bfloat16)
    b1r = b1.reshape(E, 1, H)
    b2r = b2.reshape(E, 1, D)
    y_moe, ew = _pipeline(z, router_idx, W1bf, b1r, W2bf, b2r,
                          centroids, tau_raw, gamma, beta)
    return y_moe, ew.reshape(E)

# --- scband reference (transcript-rebuilt; emitter-appended) ---
"""Pipeline reference for scband-fuse-mo-e-62405874811358 (READ-ONLY COPY).

The authoritative reference and input builder live on the scoring server;
editing this copy changes nothing except your own understanding.
"""

import jax, jax.numpy as jnp
import numpy as np

B = 8192
D = 768
H = 768
E = 8
K = 2
R = 5

def setup_inputs(seed: int = 0) -> dict:
    key = jax.random.key(seed)
    ks = jax.random.split(key, 8)
    z = jax.random.normal(ks[0], (B, D), dtype=jnp.float32)
    W1 = jax.random.normal(ks[1], (E, D, H), dtype=jnp.float32) * 0.02
    b1 = jnp.zeros((E, H), dtype=jnp.float32)
    W2 = jax.random.normal(ks[2], (E, H, D), dtype=jnp.float32) * 0.02
    b2 = jnp.zeros((E, D), dtype=jnp.float32)
    centroids = jax.random.normal(ks[3], (R, E, D), dtype=jnp.float32) * 0.5
    tau_raw = jnp.ones((R,), dtype=jnp.float32) * np.float32(np.log(np.exp(1.0) - 1.0))
    gamma = jnp.ones((D,), dtype=jnp.float32)
    beta = jnp.zeros((D,), dtype=jnp.float32)
    return {"z": z, "router_idx": 2, "W1": W1, "b1": b1, "W2": W2, "b2": b2,
            "centroids": centroids, "tau_raw": tau_raw, "gamma": gamma, "beta": beta}

def reference(z, router_idx, W1, b1, W2, b2, centroids, tau_raw, gamma, beta):
    c = centroids[router_idx]                      # (E, D)
    tau = jax.nn.softplus(tau_raw[router_idx]) + 1e-06
    # Laplace-kernel gating: euclidean distance to centroids
    diff = z[:, None, :] - c[None, :, :]           # (B, E, D)
    distances = jnp.sqrt(jnp.sum(diff * diff, axis=-1))  # (B, E)
    scores = jnp.exp(-distances / tau)             # (B, E)
    top_k_scores, top_k_indices = jax.lax.top_k(scores, K)  # (B, K)
    weights = jax.nn.softmax(top_k_scores, axis=-1)          # (B, K)
    # expert computation with top-k dispatch (dense-masked, math-faithful)
    expert_outputs = jnp.zeros_like(z)
    for e_idx in range(E):
        h = jax.nn.gelu(z @ W1[e_idx] + b1[e_idx], approximate=False)
        o = h @ W2[e_idx] + b2[e_idx]
        coef = jnp.zeros((z.shape[0],), dtype=z.dtype)
        for k in range(K):
            coef = coef + weights[:, k] * (top_k_indices[:, k] == e_idx).astype(z.dtype)
        expert_outputs = expert_outputs + coef[:, None] * o
    # residual + LayerNorm
    y = z + expert_outputs
    mean = jnp.mean(y, axis=-1, keepdims=True)
    var = jnp.var(y, axis=-1, keepdims=True)
    y_moe = (y - mean) / jnp.sqrt(var + 1e-05) * gamma + beta
    # expert utilization (load-balance stats)
    counts = jnp.bincount(top_k_indices.reshape(-1), length=E).astype(jnp.float32)
    expert_weights = counts / (z.shape[0] * K)
    return (y_moe, expert_weights)

if __name__ == "__main__":
    import jax
    _d = setup_inputs()
    print(jax.jit(kernel)(*tuple(_d.values())))

</pallas_src>

<mosaic_0001>
#map = affine_map<(d0, d1) -> (0, 0)>
module attributes {stable_mosaic.version = 14 : i64} {
  func.func @k(%arg0: i32, %arg1: i32, %arg2: memref<20992x768xf32, #tpu.memory_space<hbm>>, %arg3: memref<128x64xi32, #tpu.memory_space<hbm>>, %arg4: memref<128x64xi32, #tpu.memory_space<hbm>>, %arg5: memref<8192x768xf32, #tpu.memory_space<hbm>>, %arg6: memref<8192x768xf32, #tpu.memory_space<hbm>>, %arg7: memref<64x768xf32, #tpu.memory_space<vmem>>, %arg8: memref<64x768xf32, #tpu.memory_space<vmem>>, %arg9: memref<4x64xi32, #tpu.memory_space<vmem>>, %arg10: memref<4x64xi32, #tpu.memory_space<vmem>>, %arg11: memref<!tpu.dma_semaphore, #tpu.memory_space<semaphore_mem>>, %arg12: memref<!tpu.dma_semaphore, #tpu.memory_space<semaphore_mem>>) attributes {dimension_semantics = [#tpu.dimension_semantics<core_parallel>, #tpu.dimension_semantics<subcore_parallel>], iteration_bounds = array<i64: 2, 16>, scalar_prefetch = 0 : i64, scratch_operands = 6 : i64, tpu.core_type = #tpu.core_type<sc_vector_subcore>, window_params = [{transform_indices = #map}, {transform_indices = #map}, {transform_indices = #map}, {transform_indices = #map}, {transform_indices = #map}]} {
    %mul3A = arith.constant 2 : i32
    %mul3A_0 = arith.muli %arg1, %mul3A : i32
    %add3A = arith.addi %mul3A_0, %arg0 : i32
    %mul3A_1 = arith.constant 4 : i32
    %mul3A_2 = arith.muli %add3A, %mul3A_1 : i32
    "tpu.region"() ({
      %run_scoped3A = tpu.sem_alloc : memref<!tpu.dma_semaphore, #tpu.memory_space<semaphore_mem>>
      %dma_start3A_195 = arith.constant 0 : i32
      %dma_start3A_196 = tpu.memref_slice %arg3[%mul3A_2, %dma_start3A_195] : memref<128x64xi32, #tpu.memory_space<hbm>> -> memref<4x64xi32, #tpu.memory_space<hbm>>
      %dma_start3A_197 = arith.constant 0 : i32
      %dma_start3A_198 = tpu.memref_slice %arg3[%mul3A_2, %dma_start3A_197] : memref<128x64xi32, #tpu.memory_space<hbm>> -> memref<4x64xi32, #tpu.memory_space<hbm>>
      tpu.enqueue_dma source(%dma_start3A_198 : memref<4x64xi32, #tpu.memory_space<hbm>>) target(%arg9 : memref<4x64xi32, #tpu.memory_space<vmem>>) target_semaphore(%run_scoped3A : memref<!tpu.dma_semaphore, #tpu.memory_space<semaphore_mem>>)
      %dma_wait3A_199 = arith.constant 0 : i32
      %dma_wait3A_200 = tpu.memref_slice %arg3[%mul3A_2, %dma_wait3A_199] : memref<128x64xi32, #tpu.memory_space<hbm>> -> memref<4x64xi32, #tpu.memory_space<hbm>>
      %dma_wait3A_201 = arith.constant 0 : i32
      %dma_wait3A_202 = tpu.memref_slice %arg3[%mul3A_2, %dma_wait3A_201] : memref<128x64xi32, #tpu.memory_space<hbm>> -> memref<4x64xi32, #tpu.memory_space<hbm>>
      tpu.wait_dma2 semaphore(%run_scoped3A : memref<!tpu.dma_semaphore, #tpu.memory_space<semaphore_mem>>) src(%dma_wait3A_202 : memref<4x64xi32, #tpu.memory_space<hbm>>) dst(%arg9 : memref<4x64xi32, #tpu.memory_space<vmem>>)
      tpu.yield
    }) : () -> ()
    %mul3A_3 = arith.constant 4 : i32
    %mul3A_4 = arith.muli %add3A, %mul3A_3 : i32
    "tpu.region"() ({
      %run_scoped3A = tpu.sem_alloc : memref<!tpu.dma_semaphore, #tpu.memory_space<semaphore_mem>>
      %dma_start3A_195 = arith.constant 0 : i32
      %dma_start3A_196 = tpu.memref_slice %arg4[%mul3A_4, %dma_start3A_195] : memref<128x64xi32, #tpu.memory_space<hbm>> -> memref<4x64xi32, #tpu.memory_space<hbm>>
      %dma_start3A_197 = arith.constant 0 : i32
      %dma_start3A_198 = tpu.memref_slice %arg4[%mul3A_4, %dma_start3A_197] : memref<128x64xi32, #tpu.memory_space<hbm>> -> memref<4x64xi32, #tpu.memory_space<hbm>>
      tpu.enqueue_dma source(%dma_start3A_198 : memref<4x64xi32, #tpu.memory_space<hbm>>) target(%arg10 : memref<4x64xi32, #tpu.memory_space<vmem>>) target_semaphore(%run_scoped3A : memref<!tpu.dma_semaphore, #tpu.memory_space<semaphore_mem>>)
      %dma_wait3A_199 = arith.constant 0 : i32
      %dma_wait3A_200 = tpu.memref_slice %arg4[%mul3A_4, %dma_wait3A_199] : memref<128x64xi32, #tpu.memory_space<hbm>> -> memref<4x64xi32, #tpu.memory_space<hbm>>
      %dma_wait3A_201 = arith.constant 0 : i32
      %dma_wait3A_202 = tpu.memref_slice %arg4[%mul3A_4, %dma_wait3A_201] : memref<128x64xi32, #tpu.memory_space<hbm>> -> memref<4x64xi32, #tpu.memory_space<hbm>>
      tpu.wait_dma2 semaphore(%run_scoped3A : memref<!tpu.dma_semaphore, #tpu.memory_space<semaphore_mem>>) src(%dma_wait3A_202 : memref<4x64xi32, #tpu.memory_space<hbm>>) dst(%arg10 : memref<4x64xi32, #tpu.memory_space<vmem>>)
      tpu.yield
    }) : () -> ()
    %mul3A_5 = arith.constant 256 : i32
    %mul3A_6 = arith.muli %add3A, %mul3A_5 : i32
    %add3A_7 = arith.constant 0 : i32
    %add3A_8 = arith.addi %mul3A_6, %add3A_7 : i32
    %dma_start3A = arith.constant 0 : i32
    %dma_start3A_9 = arith.constant 0 : i32
    %dma_start3A_10 = tpu.memref_slice %arg9[%dma_start3A, %dma_start3A_9] : memref<4x64xi32, #tpu.memory_space<vmem>> -> memref<1x64xi32, #tpu.memory_space<vmem>>
    %dma_start3A_11 = tpu.memref_squeeze %dma_start3A_10 : memref<1x64xi32, #tpu.memory_space<vmem>> -> memref<64xi32, #tpu.memory_space<vmem>>
    %dma_start3A_12 = arith.constant 0 : i32
    %dma_start3A_13 = arith.constant 0 : i32
    %dma_start3A_14 = tpu.memref_slice %arg2[%dma_start3A_12, %dma_start3A_13] : memref<20992x768xf32, #tpu.memory_space<hbm>> -> memref<20992x768xf32, #tpu.memory_space<hbm>>
    tpu.enqueue_indirect_dma source(%dma_start3A_14 : memref<20992x768xf32, #tpu.memory_space<hbm>>) target(%arg7 : memref<64x768xf32, #tpu.memory_space<vmem>>) offsets(%dma_start3A_11 : memref<64xi32, #tpu.memory_space<vmem>>) semaphore(%arg11 : memref<!tpu.dma_semaphore, #tpu.memory_space<semaphore_mem>>)
    %dma_start3A_15 = arith.constant 0 : i32
    %dma_start3A_16 = arith.constant 0 : i32
    %dma_start3A_17 = tpu.memref_slice %arg10[%dma_start3A_15, %dma_start3A_16] : memref<4x64xi32, #tpu.memory_space<vmem>> -> memref<1x64xi32, #tpu.memory_space<vmem>>
    %dma_start3A_18 = tpu.memref_squeeze %dma_start3A_17 : memref<1x64xi32, #tpu.memory_space<vmem>> -> memref<64xi32, #tpu.memory_space<vmem>>
    %dma_start3A_19 = arith.constant 0 : i32
    %dma_start3A_20 = arith.constant 0 : i32
    %dma_start3A_21 = tpu.memref_slice %arg2[%dma_start3A_19, %dma_start3A_20] : memref<20992x768xf32, #tpu.memory_space<hbm>> -> memref<20992x768xf32, #tpu.memory_space<hbm>>
    tpu.enqueue_indirect_dma source(%dma_start3A_21 : memref<20992x768xf32, #tpu.memory_space<hbm>>) target(%arg8 : memref<64x768xf32, #tpu.memory_space<vmem>>) offsets(%dma_start3A_18 : memref<64xi32, #tpu.memory_space<vmem>>) semaphore(%arg11 : memref<!tpu.dma_semaphore, #tpu.memory_space<semaphore_mem>>)
    %dma_wait3A = arith.constant 0 : i32
    %dma_wait3A_22 = arith.constant 0 : i32
    %dma_wait3A_23 = tpu.memref_slice %arg9[%dma_wait3A, %dma_wait3A_22] : memref<4x64xi32, #tpu.memory_space<vmem>> -> memref<1x64xi32, #tpu.memory_space<vmem>>
    %dma_wait3A_24 = tpu.memref_squeeze %dma_wait3A_23 : memref<1x64xi32, #tpu.memory_space<vmem>> -> memref<64xi32, #tpu.memory_space<vmem>>
    %dma_wait3A_25 = arith.constant 0 : i32
    %dma_wait3A_26 = arith.constant 0 : i32
    %dma_wait3A_27 = tpu.memref_slice %arg2[%dma_wait3A_25, %dma_wait3A_26] : memref<20992x768xf32, #tpu.memory_space<hbm>> -> memref<20992x768xf32, #tpu.memory_space<hbm>>
    tpu.wait_indirect_dma semaphore(%arg11 : memref<!tpu.dma_semaphore, #tpu.memory_space<semaphore_mem>>) src(%dma_wait3A_27 : memref<20992x768xf32, #tpu.memory_space<hbm>>) dst(%arg7 : memref<64x768xf32, #tpu.memory_space<vmem>>)
    %dma_wait3A_28 = arith.constant 0 : i32
    %dma_wait3A_29 = arith.constant 0 : i32
    %dma_wait3A_30 = tpu.memref_slice %arg10[%dma_wait3A_28, %dma_wait3A_29] : memref<4x64xi32, #tpu.memory_space<vmem>> -> memref<1x64xi32, #tpu.memory_space<vmem>>
    %dma_wait3A_31 = tpu.memref_squeeze %dma_wait3A_30 : memref<1x64xi32, #tpu.memory_space<vmem>> -> memref<64xi32, #tpu.memory_space<vmem>>
    %dma_wait3A_32 = arith.constant 0 : i32
    %dma_wait3A_33 = arith.constant 0 : i32
    %dma_wait3A_34 = tpu.memref_slice %arg2[%dma_wait3A_32, %dma_wait3A_33] : memref<20992x768xf32, #tpu.memory_space<hbm>> -> memref<20992x768xf32, #tpu.memory_space<hbm>>
    tpu.wait_indirect_dma semaphore(%arg11 : memref<!tpu.dma_semaphore, #tpu.memory_space<semaphore_mem>>) src(%dma_wait3A_34 : memref<20992x768xf32, #tpu.memory_space<hbm>>) dst(%arg8 : memref<64x768xf32, #tpu.memory_space<vmem>>)
    %dma_start3A_35 = arith.constant 0 : i32
    %dma_start3A_36 = tpu.memref_slice %arg5[%add3A_8, %dma_start3A_35] : memref<8192x768xf32, #tpu.memory_space<hbm>> -> memref<64x768xf32, #tpu.memory_space<hbm>>
    %dma_start3A_37 = arith.constant 0 : i32
    %dma_start3A_38 = tpu.memref_slice %arg5[%add3A_8, %dma_start3A_37] : memref<8192x768xf32, #tpu.memory_space<hbm>> -> memref<64x768xf32, #tpu.memory_space<hbm>>
    tpu.enqueue_dma source(%arg7 : memref<64x768xf32, #tpu.memory_space<vmem>>) target(%dma_start3A_38 : memref<64x768xf32, #tpu.memory_space<hbm>>) target_semaphore(%arg12 : memref<!tpu.dma_semaphore, #tpu.memory_space<semaphore_mem>>)
    %dma_start3A_39 = arith.constant 0 : i32
    %dma_start3A_40 = tpu.memref_slice %arg6[%add3A_8, %dma_start3A_39] : memref<8192x768xf32, #tpu.memory_space<hbm>> -> memref<64x768xf32, #tpu.memory_space<hbm>>
    %dma_start3A_41 = arith.constant 0 : i32
    %dma_start3A_42 = tpu.memref_slice %arg6[%add3A_8, %dma_start3A_41] : memref<8192x768xf32, #tpu.memory_space<hbm>> -> memref<64x768xf32, #tpu.memory_space<hbm>>
    tpu.enqueue_dma source(%arg8 : memref<64x768xf32, #tpu.memory_space<vmem>>) target(%dma_start3A_42 : memref<64x768xf32, #tpu.memory_space<hbm>>) target_semaphore(%arg12 : memref<!tpu.dma_semaphore, #tpu.memory_space<semaphore_mem>>)
    %dma_wait3A_43 = arith.constant 0 : i32
    %dma_wait3A_44 = tpu.memref_slice %arg5[%add3A_8, %dma_wait3A_43] : memref<8192x768xf32, #tpu.memory_space<hbm>> -> memref<64x768xf32, #tpu.memory_space<hbm>>
    %dma_wait3A_45 = arith.constant 0 : i32
    %dma_wait3A_46 = tpu.memref_slice %arg5[%add3A_8, %dma_wait3A_45] : memref<8192x768xf32, #tpu.memory_space<hbm>> -> memref<64x768xf32, #tpu.memory_space<hbm>>
    tpu.wait_dma2 semaphore(%arg12 : memref<!tpu.dma_semaphore, #tpu.memory_space<semaphore_mem>>) src(%arg7 : memref<64x768xf32, #tpu.memory_space<vmem>>) dst(%dma_wait3A_46 : memref<64x768xf32, #tpu.memory_space<hbm>>)
    %dma_wait3A_47 = arith.constant 0 : i32
    %dma_wait3A_48 = tpu.memref_slice %arg6[%add3A_8, %dma_wait3A_47] : memref<8192x768xf32, #tpu.memory_space<hbm>> -> memref<64x768xf32, #tpu.memory_space<hbm>>
    %dma_wait3A_49 = arith.constant 0 : i32
    %dma_wait3A_50 = tpu.memref_slice %arg6[%add3A_8, %dma_wait3A_49] : memref<8192x768xf32, #tpu.memory_space<hbm>> -> memref<64x768xf32, #tpu.memory_space<hbm>>
    tpu.wait_dma2 semaphore(%arg12 : memref<!tpu.dma_semaphore, #tpu.memory_space<semaphore_mem>>) src(%arg8 : memref<64x768xf32, #tpu.memory_space<vmem>>) dst(%dma_wait3A_50 : memref<64x768xf32, #tpu.memory_space<hbm>>)
    %mul3A_51 = arith.constant 256 : i32
    %mul3A_52 = arith.muli %add3A, %mul3A_51 : i32
    %add3A_53 = arith.constant 64 : i32
    %add3A_54 = arith.addi %mul3A_52, %add3A_53 : i32
    %dma_start3A_55 = arith.constant 1 : i32
    %dma_start3A_56 = arith.constant 0 : i32
    %dma_start3A_57 = tpu.memref_slice %arg9[%dma_start3A_55, %dma_start3A_56] : memref<4x64xi32, #tpu.memory_space<vmem>> -> memref<1x64xi32, #tpu.memory_space<vmem>>
    %dma_start3A_58 = tpu.memref_squeeze %dma_start3A_57 : memref<1x64xi32, #tpu.memory_space<vmem>> -> memref<64xi32, #tpu.memory_space<vmem>>
    %dma_start3A_59 = arith.constant 0 : i32
    %dma_start3A_60 = arith.constant 0 : i32
    %dma_start3A_61 = tpu.memref_slice %arg2[%dma_start3A_59, %dma_start3A_60] : memref<20992x768xf32, #tpu.memory_space<hbm>> -> memref<20992x768xf32, #tpu.memory_space<hbm>>
    tpu.enqueue_indirect_dma source(%dma_start3A_61 : memref<20992x768xf32, #tpu.memory_space<hbm>>) target(%arg7 : memref<64x768xf32, #tpu.memory_space<vmem>>) offsets(%dma_start3A_58 : memref<64xi32, #tpu.memory_space<vmem>>) semaphore(%arg11 : memref<!tpu.dma_semaphore, #tpu.memory_space<semaphore_mem>>)
    %dma_start3A_62 = arith.constant 1 : i32
    %dma_start3A_63 = arith.constant 0 : i32
    %dma_start3A_64 = tpu.memref_slice %arg10[%dma_start3A_62, %dma_start3A_63] : memref<4x64xi32, #tpu.memory_space<vmem>> -> memref<1x64xi32, #tpu.memory_space<vmem>>
    %dma_start3A_65 = tpu.memref_squeeze %dma_start3A_64 : memref<1x64xi32, #tpu.memory_space<vmem>> -> memref<64xi32, #tpu.memory_space<vmem>>
    %dma_start3A_66 = arith.constant 0 : i32
    %dma_start3A_67 = arith.constant 0 : i32
    %dma_start3A_68 = tpu.memref_slice %arg2[%dma_start3A_66, %dma_start3A_67] : memref<20992x768xf32, #tpu.memory_space<hbm>> -> memref<20992x768xf32, #tpu.memory_space<hbm>>
    tpu.enqueue_indirect_dma source(%dma_start3A_68 : memref<20992x768xf32, #tpu.memory_space<hbm>>) target(%arg8 : memref<64x768xf32, #tpu.memory_space<vmem>>) offsets(%dma_start3A_65 : memref<64xi32, #tpu.memory_space<vmem>>) semaphore(%arg11 : memref<!tpu.dma_semaphore, #tpu.memory_space<semaphore_mem>>)
    %dma_wait3A_69 = arith.constant 1 : i32
    %dma_wait3A_70 = arith.constant 0 : i32
    %dma_wait3A_71 = tpu.memref_slice %arg9[%dma_wait3A_69, %dma_wait3A_70] : memref<4x64xi32, #tpu.memory_space<vmem>> -> memref<1x64xi32, #tpu.memory_space<vmem>>
    %dma_wait3A_72 = tpu.memref_squeeze %dma_wait3A_71 : memref<1x64xi32, #tpu.memory_space<vmem>> -> memref<64xi32, #tpu.memory_space<vmem>>
    %dma_wait3A_73 = arith.constant 0 : i32
    %dma_wait3A_74 = arith.constant 0 : i32
    %dma_wait3A_75 = tpu.memref_slice %arg2[%dma_wait3A_73, %dma_wait3A_74] : memref<20992x768xf32, #tpu.memory_space<hbm>> -> memref<20992x768xf32, #tpu.memory_space<hbm>>
    tpu.wait_indirect_dma semaphore(%arg11 : memref<!tpu.dma_semaphore, #tpu.memory_space<semaphore_mem>>) src(%dma_wait3A_75 : memref<20992x768xf32, #tpu.memory_space<hbm>>) dst(%arg7 : memref<64x768xf32, #tpu.memory_space<vmem>>)
    %dma_wait3A_76 = arith.constant 1 : i32
    %dma_wait3A_77 = arith.constant 0 : i32
    %dma_wait3A_78 = tpu.memref_slice %arg10[%dma_wait3A_76, %dma_wait3A_77] : memref<4x64xi32, #tpu.memory_space<vmem>> -> memref<1x64xi32, #tpu.memory_space<vmem>>
    %dma_wait3A_79 = tpu.memref_squeeze %dma_wait3A_78 : memref<1x64xi32, #tpu.memory_space<vmem>> -> memref<64xi32, #tpu.memory_space<vmem>>
    %dma_wait3A_80 = arith.constant 0 : i32
    %dma_wait3A_81 = arith.constant 0 : i32
    %dma_wait3A_82 = tpu.memref_slice %arg2[%dma_wait3A_80, %dma_wait3A_81] : memref<20992x768xf32, #tpu.memory_space<hbm>> -> memref<20992x768xf32, #tpu.memory_space<hbm>>
    tpu.wait_indirect_dma semaphore(%arg11 : memref<!tpu.dma_semaphore, #tpu.memory_space<semaphore_mem>>) src(%dma_wait3A_82 : memref<20992x768xf32, #tpu.memory_space<hbm>>) dst(%arg8 : memref<64x768xf32, #tpu.memory_space<vmem>>)
    %dma_start3A_83 = arith.constant 0 : i32
    %dma_start3A_84 = tpu.memref_slice %arg5[%add3A_54, %dma_start3A_83] : memref<8192x768xf32, #tpu.memory_space<hbm>> -> memref<64x768xf32, #tpu.memory_space<hbm>>
    %dma_start3A_85 = arith.constant 0 : i32
    %dma_start3A_86 = tpu.memref_slice %arg5[%add3A_54, %dma_start3A_85] : memref<8192x768xf32, #tpu.memory_space<hbm>> -> memref<64x768xf32, #tpu.memory_space<hbm>>
    tpu.enqueue_dma source(%arg7 : memref<64x768xf32, #tpu.memory_space<vmem>>) target(%dma_start3A_86 : memref<64x768xf32, #tpu.memory_space<hbm>>) target_semaphore(%arg12 : memref<!tpu.dma_semaphore, #tpu.memory_space<semaphore_mem>>)
    %dma_start3A_87 = arith.constant 0 : i32
    %dma_start3A_88 = tpu.memref_slice %arg6[%add3A_54, %dma_start3A_87] : memref<8192x768xf32, #tpu.memory_space<hbm>> -> memref<64x768xf32, #tpu.memory_space<hbm>>
    %dma_start3A_89 = arith.constant 0 : i32
    %dma_start3A_90 = tpu.memref_slice %arg6[%add3A_54, %dma_start3A_89] : memref<8192x768xf32, #tpu.memory_space<hbm>> -> memref<64x768xf32, #tpu.memory_space<hbm>>
    tpu.enqueue_dma source(%arg8 : memref<64x768xf32, #tpu.memory_space<vmem>>) target(%dma_start3A_90 : memref<64x768xf32, #tpu.memory_space<hbm>>) target_semaphore(%arg12 : memref<!tpu.dma_semaphore, #tpu.memory_space<semaphore_mem>>)
    %dma_wait3A_91 = arith.constant 0 : i32
    %dma_wait3A_92 = tpu.memref_slice %arg5[%add3A_54, %dma_wait3A_91] : memref<8192x768xf32, #tpu.memory_space<hbm>> -> memref<64x768xf32, #tpu.memory_space<hbm>>
    %dma_wait3A_93 = arith.constant 0 : i32
    %dma_wait3A_94 = tpu.memref_slice %arg5[%add3A_54, %dma_wait3A_93] : memref<8192x768xf32, #tpu.memory_space<hbm>> -> memref<64x768xf32, #tpu.memory_space<hbm>>
    tpu.wait_dma2 semaphore(%arg12 : memref<!tpu.dma_semaphore, #tpu.memory_space<semaphore_mem>>) src(%arg7 : memref<64x768xf32, #tpu.memory_space<vmem>>) dst(%dma_wait3A_94 : memref<64x768xf32, #tpu.memory_space<hbm>>)
    %dma_wait3A_95 = arith.constant 0 : i32
    %dma_wait3A_96 = tpu.memref_slice %arg6[%add3A_54, %dma_wait3A_95] : memref<8192x768xf32, #tpu.memory_space<hbm>> -> memref<64x768xf32, #tpu.memory_space<hbm>>
    %dma_wait3A_97 = arith.constant 0 : i32
    %dma_wait3A_98 = tpu.memref_slice %arg6[%add3A_54, %dma_wait3A_97] : memref<8192x768xf32, #tpu.memory_space<hbm>> -> memref<64x768xf32, #tpu.memory_space<hbm>>
    tpu.wait_dma2 semaphore(%arg12 : memref<!tpu.dma_semaphore, #tpu.memory_space<semaphore_mem>>) src(%arg8 : memref<64x768xf32, #tpu.memory_space<vmem>>) dst(%dma_wait3A_98 : memref<64x768xf32, #tpu.memory_space<hbm>>)
    %mul3A_99 = arith.constant 256 : i32
    %mul3A_100 = arith.muli %add3A, %mul3A_99 : i32
    %add3A_101 = arith.constant 128 : i32
    %add3A_102 = arith.addi %mul3A_100, %add3A_101 : i32
    %dma_start3A_103 = arith.constant 2 : i32
    %dma_start3A_104 = arith.constant 0 : i32
    %dma_start3A_105 = tpu.memref_slice %arg9[%dma_start3A_103, %dma_start3A_104] : memref<4x64xi32, #tpu.memory_space<vmem>> -> memref<1x64xi32, #tpu.memory_space<vmem>>
    %dma_start3A_106 = tpu.memref_squeeze %dma_start3A_105 : memref<1x64xi32, #tpu.memory_space<vmem>> -> memref<64xi32, #tpu.memory_space<vmem>>
    %dma_start3A_107 = arith.constant 0 : i32
    %dma_start3A_108 = arith.constant 0 : i32
    %dma_start3A_109 = tpu.memref_slice %arg2[%dma_start3A_107, %dma_start3A_108] : memref<20992x768xf32, #tpu.memory_space<hbm>> -> memref<20992x768xf32, #tpu.memory_space<hbm>>
    tpu.enqueue_indirect_dma source(%dma_start3A_109 : memref<20992x768xf32, #tpu.memory_space<hbm>>) target(%arg7 : memref<64x768xf32, #tpu.memory_space<vmem>>) offsets(%dma_start3A_106 : memref<64xi32, #tpu.memory_space<vmem>>) semaphore(%arg11 : memref<!tpu.dma_semaphore, #tpu.memory_space<semaphore_mem>>)
    %dma_start3A_110 = arith.constant 2 : i32
    %dma_start3A_111 = arith.constant 0 : i32
    %dma_start3A_112 = tpu.memref_slice %arg10[%dma_start3A_110, %dma_start3A_111] : memref<4x64xi32, #tpu.memory_space<vmem>> -> memref<1x64xi32, #tpu.memory_space<vmem>>
    %dma_start3A_113 = tpu.memref_squeeze %dma_start3A_112 : memref<1x64xi32, #tpu.memory_space<vmem>> -> memref<64xi32, #tpu.memory_space<vmem>>
    %dma_start3A_114 = arith.constant 0 : i32
    %dma_start3A_115 = arith.constant 0 : i32
    %dma_start3A_116 = tpu.memref_slice %arg2[%dma_start3A_114, %dma_start3A_115] : memref<20992x768xf32, #tpu.memory_space<hbm>> -> memref<20992x768xf32, #tpu.memory_space<hbm>>
    tpu.enqueue_indirect_dma source(%dma_start3A_116 : memref<20992x768xf32, #tpu.memory_space<hbm>>) target(%arg8 : memref<64x768xf32, #tpu.memory_space<vmem>>) offsets(%dma_start3A_113 : memref<64xi32, #tpu.memory_space<vmem>>) semaphore(%arg11 : memref<!tpu.dma_semaphore, #tpu.memory_space<semaphore_mem>>)
    %dma_wait3A_117 = arith.constant 2 : i32
    %dma_wait3A_118 = arith.constant 0 : i32
    %dma_wait3A_119 = tpu.memref_slice %arg9[%dma_wait3A_117, %dma_wait3A_118] : memref<4x64xi32, #tpu.memory_space<vmem>> -> memref<1x64xi32, #tpu.memory_space<vmem>>
    %dma_wait3A_120 = tpu.memref_squeeze %dma_wait3A_119 : memref<1x64xi32, #tpu.memory_space<vmem>> -> memref<64xi32, #tpu.memory_space<vmem>>
    %dma_wait3A_121 = arith.constant 0 : i32
    %dma_wait3A_122 = arith.constant 0 : i32
    %dma_wait3A_123 = tpu.memref_slice %arg2[%dma_wait3A_121, %dma_wait3A_122] : memref<20992x768xf32, #tpu.memory_space<hbm>> -> memref<20992x768xf32, #tpu.memory_space<hbm>>
    tpu.wait_indirect_dma semaphore(%arg11 : memref<!tpu.dma_semaphore, #tpu.memory_space<semaphore_mem>>) src(%dma_wait3A_123 : memref<20992x768xf32, #tpu.memory_space<hbm>>) dst(%arg7 : memref<64x768xf32, #tpu.memory_space<vmem>>)
    %dma_wait3A_124 = arith.constant 2 : i32
    %dma_wait3A_125 = arith.constant 0 : i32
    %dma_wait3A_126 = tpu.memref_slice %arg10[%dma_wait3A_124, %dma_wait3A_125] : memref<4x64xi32, #tpu.memory_space<vmem>> -> memref<1x64xi32, #tpu.memory_space<vmem>>
    %dma_wait3A_127 = tpu.memref_squeeze %dma_wait3A_126 : memref<1x64xi32, #tpu.memory_space<vmem>> -> memref<64xi32, #tpu.memory_space<vmem>>
    %dma_wait3A_128 = arith.constant 0 : i32
    %dma_wait3A_129 = arith.constant 0 : i32
    %dma_wait3A_130 = tpu.memref_slice %arg2[%dma_wait3A_128, %dma_wait3A_129] : memref<20992x768xf32, #tpu.memory_space<hbm>> -> memref<20992x768xf32, #tpu.memory_space<hbm>>
    tpu.wait_indirect_dma semaphore(%arg11 : memref<!tpu.dma_semaphore, #tpu.memory_space<semaphore_mem>>) src(%dma_wait3A_130 : memref<20992x768xf32, #tpu.memory_space<hbm>>) dst(%arg8 : memref<64x768xf32, #tpu.memory_space<vmem>>)
    %dma_start3A_131 = arith.constant 0 : i32
    %dma_start3A_132 = tpu.memref_slice %arg5[%add3A_102, %dma_start3A_131] : memref<8192x768xf32, #tpu.memory_space<hbm>> -> memref<64x768xf32, #tpu.memory_space<hbm>>
    %dma_start3A_133 = arith.constant 0 : i32
    %dma_start3A_134 = tpu.memref_slice %arg5[%add3A_102, %dma_start3A_133] : memref<8192x768xf32, #tpu.memory_space<hbm>> -> memref<64x768xf32, #tpu.memory_space<hbm>>
    tpu.enqueue_dma source(%arg7 : memref<64x768xf32, #tpu.memory_space<vmem>>) target(%dma_start3A_134 : memref<64x768xf32, #tpu.memory_space<hbm>>) target_semaphore(%arg12 : memref<!tpu.dma_semaphore, #tpu.memory_space<semaphore_mem>>)
    %dma_start3A_135 = arith.constant 0 : i32
    %dma_start3A_136 = tpu.memref_slice %arg6[%add3A_102, %dma_start3A_135] : memref<8192x768xf32, #tpu.memory_space<hbm>> -> memref<64x768xf32, #tpu.memory_space<hbm>>
    %dma_start3A_137 = arith.constant 0 : i32
    %dma_start3A_138 = tpu.memref_slice %arg6[%add3A_102, %dma_start3A_137] : memref<8192x768xf32, #tpu.memory_space<hbm>> -> memref<64x768xf32, #tpu.memory_space<hbm>>
    tpu.enqueue_dma source(%arg8 : memref<64x768xf32, #tpu.memory_space<vmem>>) target(%dma_start3A_138 : memref<64x768xf32, #tpu.memory_space<hbm>>) target_semaphore(%arg12 : memref<!tpu.dma_semaphore, #tpu.memory_space<semaphore_mem>>)
    %dma_wait3A_139 = arith.constant 0 : i32
    %dma_wait3A_140 = tpu.memref_slice %arg5[%add3A_102, %dma_wait3A_139] : memref<8192x768xf32, #tpu.memory_space<hbm>> -> memref<64x768xf32, #tpu.memory_space<hbm>>
    %dma_wait3A_141 = arith.constant 0 : i32
    %dma_wait3A_142 = tpu.memref_slice %arg5[%add3A_102, %dma_wait3A_141] : memref<8192x768xf32, #tpu.memory_space<hbm>> -> memref<64x768xf32, #tpu.memory_space<hbm>>
    tpu.wait_dma2 semaphore(%arg12 : memref<!tpu.dma_semaphore, #tpu.memory_space<semaphore_mem>>) src(%arg7 : memref<64x768xf32, #tpu.memory_space<vmem>>) dst(%dma_wait3A_142 : memref<64x768xf32, #tpu.memory_space<hbm>>)
    %dma_wait3A_143 = arith.constant 0 : i32
    %dma_wait3A_144 = tpu.memref_slice %arg6[%add3A_102, %dma_wait3A_143] : memref<8192x768xf32, #tpu.memory_space<hbm>> -> memref<64x768xf32, #tpu.memory_space<hbm>>
    %dma_wait3A_145 = arith.constant 0 : i32
    %dma_wait3A_146 = tpu.memref_slice %arg6[%add3A_102, %dma_wait3A_145] : memref<8192x768xf32, #tpu.memory_space<hbm>> -> memref<64x768xf32, #tpu.memory_space<hbm>>
    tpu.wait_dma2 semaphore(%arg12 : memref<!tpu.dma_semaphore, #tpu.memory_space<semaphore_mem>>) src(%arg8 : memref<64x768xf32, #tpu.memory_space<vmem>>) dst(%dma_wait3A_146 : memref<64x768xf32, #tpu.memory_space<hbm>>)
    %mul3A_147 = arith.constant 256 : i32
    %mul3A_148 = arith.muli %add3A, %mul3A_147 : i32
    %add3A_149 = arith.constant 192 : i32
    %add3A_150 = arith.addi %mul3A_148, %add3A_149 : i32
    %dma_start3A_151 = arith.constant 3 : i32
    %dma_start3A_152 = arith.constant 0 : i32
    %dma_start3A_153 = tpu.memref_slice %arg9[%dma_start3A_151, %dma_start3A_152] : memref<4x64xi32, #tpu.memory_space<vmem>> -> memref<1x64xi32, #tpu.memory_space<vmem>>
    %dma_start3A_154 = tpu.memref_squeeze %dma_start3A_153 : memref<1x64xi32, #tpu.memory_space<vmem>> -> memref<64xi32, #tpu.memory_space<vmem>>
    %dma_start3A_155 = arith.constant 0 : i32
    %dma_start3A_156 = arith.constant 0 : i32
    %dma_start3A_157 = tpu.memref_slice %arg2[%dma_start3A_155, %dma_start3A_156] : memref<20992x768xf32, #tpu.memory_space<hbm>> -> memref<20992x768xf32, #tpu.memory_space<hbm>>
    tpu.enqueue_indirect_dma source(%dma_start3A_157 : memref<20992x768xf32, #tpu.memory_space<hbm>>) target(%arg7 : memref<64x768xf32, #tpu.memory_space<vmem>>) offsets(%dma_start3A_154 : memref<64xi32, #tpu.memory_space<vmem>>) semaphore(%arg11 : memref<!tpu.dma_semaphore, #tpu.memory_space<semaphore_mem>>)
    %dma_start3A_158 = arith.constant 3 : i32
    %dma_start3A_159 = arith.constant 0 : i32
    %dma_start3A_160 = tpu.memref_slice %arg10[%dma_start3A_158, %dma_start3A_159] : memref<4x64xi32, #tpu.memory_space<vmem>> -> memref<1x64xi32, #tpu.memory_space<vmem>>
    %dma_start3A_161 = tpu.memref_squeeze %dma_start3A_160 : memref<1x64xi32, #tpu.memory_space<vmem>> -> memref<64xi32, #tpu.memory_space<vmem>>
    %dma_start3A_162 = arith.constant 0 : i32
    %dma_start3A_163 = arith.constant 0 : i32
    %dma_start3A_164 = tpu.memref_slice %arg2[%dma_start3A_162, %dma_start3A_163] : memref<20992x768xf32, #tpu.memory_space<hbm>> -> memref<20992x768xf32, #tpu.memory_space<hbm>>
    tpu.enqueue_indirect_dma source(%dma_start3A_164 : memref<20992x768xf32, #tpu.memory_space<hbm>>) target(%arg8 : memref<64x768xf32, #tpu.memory_space<vmem>>) offsets(%dma_start3A_161 : memref<64xi32, #tpu.memory_space<vmem>>) semaphore(%arg11 : memref<!tpu.dma_semaphore, #tpu.memory_space<semaphore_mem>>)
    %dma_wait3A_165 = arith.constant 3 : i32
    %dma_wait3A_166 = arith.constant 0 : i32
    %dma_wait3A_167 = tpu.memref_slice %arg9[%dma_wait3A_165, %dma_wait3A_166] : memref<4x64xi32, #tpu.memory_space<vmem>> -> memref<1x64xi32, #tpu.memory_space<vmem>>
    %dma_wait3A_168 = tpu.memref_squeeze %dma_wait3A_167 : memref<1x64xi32, #tpu.memory_space<vmem>> -> memref<64xi32, #tpu.memory_space<vmem>>
    %dma_wait3A_169 = arith.constant 0 : i32
    %dma_wait3A_170 = arith.constant 0 : i32
    %dma_wait3A_171 = tpu.memref_slice %arg2[%dma_wait3A_169, %dma_wait3A_170] : memref<20992x768xf32, #tpu.memory_space<hbm>> -> memref<20992x768xf32, #tpu.memory_space<hbm>>
    tpu.wait_indirect_dma semaphore(%arg11 : memref<!tpu.dma_semaphore, #tpu.memory_space<semaphore_mem>>) src(%dma_wait3A_171 : memref<20992x768xf32, #tpu.memory_space<hbm>>) dst(%arg7 : memref<64x768xf32, #tpu.memory_space<vmem>>)
    %dma_wait3A_172 = arith.constant 3 : i32
    %dma_wait3A_173 = arith.constant 0 : i32
    %dma_wait3A_174 = tpu.memref_slice %arg10[%dma_wait3A_172, %dma_wait3A_173] : memref<4x64xi32, #tpu.memory_space<vmem>> -> memref<1x64xi32, #tpu.memory_space<vmem>>
    %dma_wait3A_175 = tpu.memref_squeeze %dma_wait3A_174 : memref<1x64xi32, #tpu.memory_space<vmem>> -> memref<64xi32, #tpu.memory_space<vmem>>
    %dma_wait3A_176 = arith.constant 0 : i32
    %dma_wait3A_177 = arith.constant 0 : i32
    %dma_wait3A_178 = tpu.memref_slice %arg2[%dma_wait3A_176, %dma_wait3A_177] : memref<20992x768xf32, #tpu.memory_space<hbm>> -> memref<20992x768xf32, #tpu.memory_space<hbm>>
    tpu.wait_indirect_dma semaphore(%arg11 : memref<!tpu.dma_semaphore, #tpu.memory_space<semaphore_mem>>) src(%dma_wait3A_178 : memref<20992x768xf32, #tpu.memory_space<hbm>>) dst(%arg8 : memref<64x768xf32, #tpu.memory_space<vmem>>)
    %dma_start3A_179 = arith.constant 0 : i32
    %dma_start3A_180 = tpu.memref_slice %arg5[%add3A_150, %dma_start3A_179] : memref<8192x768xf32, #tpu.memory_space<hbm>> -> memref<64x768xf32, #tpu.memory_space<hbm>>
    %dma_start3A_181 = arith.constant 0 : i32
    %dma_start3A_182 = tpu.memref_slice %arg5[%add3A_150, %dma_start3A_181] : memref<8192x768xf32, #tpu.memory_space<hbm>> -> memref<64x768xf32, #tpu.memory_space<hbm>>
    tpu.enqueue_dma source(%arg7 : memref<64x768xf32, #tpu.memory_space<vmem>>) target(%dma_start3A_182 : memref<64x768xf32, #tpu.memory_space<hbm>>) target_semaphore(%arg12 : memref<!tpu.dma_semaphore, #tpu.memory_space<semaphore_mem>>)
    %dma_start3A_183 = arith.constant 0 : i32
    %dma_start3A_184 = tpu.memref_slice %arg6[%add3A_150, %dma_start3A_183] : memref<8192x768xf32, #tpu.memory_space<hbm>> -> memref<64x768xf32, #tpu.memory_space<hbm>>
    %dma_start3A_185 = arith.constant 0 : i32
    %dma_start3A_186 = tpu.memref_slice %arg6[%add3A_150, %dma_start3A_185] : memref<8192x768xf32, #tpu.memory_space<hbm>> -> memref<64x768xf32, #tpu.memory_space<hbm>>
    tpu.enqueue_dma source(%arg8 : memref<64x768xf32, #tpu.memory_space<vmem>>) target(%dma_start3A_186 : memref<64x768xf32, #tpu.memory_space<hbm>>) target_semaphore(%arg12 : memref<!tpu.dma_semaphore, #tpu.memory_space<semaphore_mem>>)
    %dma_wait3A_187 = arith.constant 0 : i32
    %dma_wait3A_188 = tpu.memref_slice %arg5[%add3A_150, %dma_wait3A_187] : memref<8192x768xf32, #tpu.memory_space<hbm>> -> memref<64x768xf32, #tpu.memory_space<hbm>>
    %dma_wait3A_189 = arith.constant 0 : i32
    %dma_wait3A_190 = tpu.memref_slice %arg5[%add3A_150, %dma_wait3A_189] : memref<8192x768xf32, #tpu.memory_space<hbm>> -> memref<64x768xf32, #tpu.memory_space<hbm>>
    tpu.wait_dma2 semaphore(%arg12 : memref<!tpu.dma_semaphore, #tpu.memory_space<semaphore_mem>>) src(%arg7 : memref<64x768xf32, #tpu.memory_space<vmem>>) dst(%dma_wait3A_190 : memref<64x768xf32, #tpu.memory_space<hbm>>)
    %dma_wait3A_191 = arith.constant 0 : i32
    %dma_wait3A_192 = tpu.memref_slice %arg6[%add3A_150, %dma_wait3A_191] : memref<8192x768xf32, #tpu.memory_space<hbm>> -> memref<64x768xf32, #tpu.memory_space<hbm>>
    %dma_wait3A_193 = arith.constant 0 : i32
    %dma_wait3A_194 = tpu.memref_slice %arg6[%add3A_150, %dma_wait3A_193] : memref<8192x768xf32, #tpu.memory_space<hbm>> -> memref<64x768xf32, #tpu.memory_space<hbm>>
    tpu.wait_dma2 semaphore(%arg12 : memref<!tpu.dma_semaphore, #tpu.memory_space<semaphore_mem>>) src(%arg8 : memref<64x768xf32, #tpu.memory_space<vmem>>) dst(%dma_wait3A_194 : memref<64x768xf32, #tpu.memory_space<hbm>>)
    return
  }
}

#map = affine_map<(d0, d1) -> (0, 0)>
module attributes {stable_mosaic.version = 14 : i64} {
  func.func @k(%arg0: i32, %arg1: i32, %arg2: memref<8192x768xf32, #tpu.memory_space<hbm>>, %arg3: memref<128x64xi32, #tpu.memory_space<hbm>>, %arg4: memref<128x64xi32, #tpu.memory_space<hbm>>, %arg5: memref<20992x768xf32, #tpu.memory_space<hbm>>, %arg6: memref<64x768xf32, #tpu.memory_space<vmem>>, %arg7: memref<64x768xf32, #tpu.memory_space<vmem>>, %arg8: memref<4x64xi32, #tpu.memory_space<vmem>>, %arg9: memref<4x64xi32, #tpu.memory_space<vmem>>, %arg10: memref<!tpu.dma_semaphore, #tpu.memory_space<semaphore_mem>>, %arg11: memref<!tpu.dma_semaphore, #tpu.memory_space<semaphore_mem>>) attributes {dimension_semantics = [#tpu.dimension_semantics<core_parallel>, #tpu.dimension_semantics<subcore_parallel>], iteration_bounds = array<i64: 2, 16>, scalar_prefetch = 0 : i64, scratch_operands = 6 : i64, tpu.core_type = #tpu.core_type<sc_vector_subcore>, window_params = [{transform_indices = #map}, {transform_indices = #map}, {transform_indices = #map}, {transform_indices = #map}]} {
    %mul3A = arith.constant 2 : i32
    %mul3A_0 = arith.muli %arg1, %mul3A : i32
    %add3A = arith.addi %mul3A_0, %arg0 : i32
    %mul3A_1 = arith.constant 256 : i32
    %mul3A_2 = arith.muli %add3A, %mul3A_1 : i32
    %mul3A_3 = arith.constant 4 : i32
    %mul3A_4 = arith.muli %add3A, %mul3A_3 : i32
    "tpu.region"() ({
      %run_scoped3A = tpu.sem_alloc : memref<!tpu.dma_semaphore, #tpu.memory_space<semaphore_mem>>
      %dma_start3A_155 = arith.constant 0 : i32
      %dma_start3A_156 = tpu.memref_slice %arg3[%mul3A_4, %dma_start3A_155] : memref<128x64xi32, #tpu.memory_space<hbm>> -> memref<4x64xi32, #tpu.memory_space<hbm>>
      %dma_start3A_157 = arith.constant 0 : i32
      %dma_start3A_158 = tpu.memref_slice %arg3[%mul3A_4, %dma_start3A_157] : memref<128x64xi32, #tpu.memory_space<hbm>> -> memref<4x64xi32, #tpu.memory_space<hbm>>
      tpu.enqueue_dma source(%dma_start3A_158 : memref<4x64xi32, #tpu.memory_space<hbm>>) target(%arg8 : memref<4x64xi32, #tpu.memory_space<vmem>>) target_semaphore(%run_scoped3A : memref<!tpu.dma_semaphore, #tpu.memory_space<semaphore_mem>>)
      %dma_wait3A_159 = arith.constant 0 : i32
      %dma_wait3A_160 = tpu.memref_slice %arg3[%mul3A_4, %dma_wait3A_159] : memref<128x64xi32, #tpu.memory_space<hbm>> -> memref<4x64xi32, #tpu.memory_space<hbm>>
      %dma_wait3A_161 = arith.constant 0 : i32
      %dma_wait3A_162 = tpu.memref_slice %arg3[%mul3A_4, %dma_wait3A_161] : memref<128x64xi32, #tpu.memory_space<hbm>> -> memref<4x64xi32, #tpu.memory_space<hbm>>
      tpu.wait_dma2 semaphore(%run_scoped3A : memref<!tpu.dma_semaphore, #tpu.memory_space<semaphore_mem>>) src(%dma_wait3A_162 : memref<4x64xi32, #tpu.memory_space<hbm>>) dst(%arg8 : memref<4x64xi32, #tpu.memory_space<vmem>>)
      tpu.yield
    }) : () -> ()
    %mul3A_5 = arith.constant 4 : i32
    %mul3A_6 = arith.muli %add3A, %mul3A_5 : i32
    "tpu.region"() ({
      %run_scoped3A = tpu.sem_alloc : memref<!tpu.dma_semaphore, #tpu.memory_space<semaphore_mem>>
      %dma_start3A_155 = arith.constant 0 : i32
      %dma_start3A_156 = tpu.memref_slice %arg4[%mul3A_6, %dma_start3A_155] : memref<128x64xi32, #tpu.memory_space<hbm>> -> memref<4x64xi32, #tpu.memory_space<hbm>>
      %dma_start3A_157 = arith.constant 0 : i32
      %dma_start3A_158 = tpu.memref_slice %arg4[%mul3A_6, %dma_start3A_157] : memref<128x64xi32, #tpu.memory_space<hbm>> -> memref<4x64xi32, #tpu.memory_space<hbm>>
      tpu.enqueue_dma source(%dma_start3A_158 : memref<4x64xi32, #tpu.memory_space<hbm>>) target(%arg9 : memref<4x64xi32, #tpu.memory_space<vmem>>) target_semaphore(%run_scoped3A : memref<!tpu.dma_semaphore, #tpu.memory_space<semaphore_mem>>)
      %dma_wait3A_159 = arith.constant 0 : i32
      %dma_wait3A_160 = tpu.memref_slice %arg4[%mul3A_6, %dma_wait3A_159] : memref<128x64xi32, #tpu.memory_space<hbm>> -> memref<4x64xi32, #tpu.memory_space<hbm>>
      %dma_wait3A_161 = arith.constant 0 : i32
      %dma_wait3A_162 = tpu.memref_slice %arg4[%mul3A_6, %dma_wait3A_161] : memref<128x64xi32, #tpu.memory_space<hbm>> -> memref<4x64xi32, #tpu.memory_space<hbm>>
      tpu.wait_dma2 semaphore(%run_scoped3A : memref<!tpu.dma_semaphore, #tpu.memory_space<semaphore_mem>>) src(%dma_wait3A_162 : memref<4x64xi32, #tpu.memory_space<hbm>>) dst(%arg9 : memref<4x64xi32, #tpu.memory_space<vmem>>)
      tpu.yield
    }) : () -> ()
    %dma_start3A = arith.constant 0 : i32
    %dma_start3A_7 = tpu.memref_slice %arg2[%mul3A_2, %dma_start3A] : memref<8192x768xf32, #tpu.memory_space<hbm>> -> memref<64x768xf32, #tpu.memory_space<hbm>>
    %dma_start3A_8 = arith.constant 0 : i32
    %dma_start3A_9 = tpu.memref_slice %arg2[%mul3A_2, %dma_start3A_8] : memref<8192x768xf32, #tpu.memory_space<hbm>> -> memref<64x768xf32, #tpu.memory_space<hbm>>
    tpu.enqueue_dma source(%dma_start3A_9 : memref<64x768xf32, #tpu.memory_space<hbm>>) target(%arg6 : memref<64x768xf32, #tpu.memory_space<vmem>>) target_semaphore(%arg10 : memref<!tpu.dma_semaphore, #tpu.memory_space<semaphore_mem>>)
    %add3A_10 = arith.constant 64 : i32
    %add3A_11 = arith.addi %mul3A_2, %add3A_10 : i32
    %dma_start3A_12 = arith.constant 0 : i32
    %dma_start3A_13 = tpu.memref_slice %arg2[%add3A_11, %dma_start3A_12] : memref<8192x768xf32, #tpu.memory_space<hbm>> -> memref<64x768xf32, #tpu.memory_space<hbm>>
    %dma_start3A_14 = arith.constant 0 : i32
    %dma_start3A_15 = tpu.memref_slice %arg2[%add3A_11, %dma_start3A_14] : memref<8192x768xf32, #tpu.memory_space<hbm>> -> memref<64x768xf32, #tpu.memory_space<hbm>>
    tpu.enqueue_dma source(%dma_start3A_15 : memref<64x768xf32, #tpu.memory_space<hbm>>) target(%arg7 : memref<64x768xf32, #tpu.memory_space<vmem>>) target_semaphore(%arg10 : memref<!tpu.dma_semaphore, #tpu.memory_space<semaphore_mem>>)
    %dma_wait3A = arith.constant 0 : i32
    %dma_wait3A_16 = tpu.memref_slice %arg2[%mul3A_2, %dma_wait3A] : memref<8192x768xf32, #tpu.memory_space<hbm>> -> memref<64x768xf32, #tpu.memory_space<hbm>>
    %dma_wait3A_17 = arith.constant 0 : i32
    %dma_wait3A_18 = tpu.memref_slice %arg2[%mul3A_2, %dma_wait3A_17] : memref<8192x768xf32, #tpu.memory_space<hbm>> -> memref<64x768xf32, #tpu.memory_space<hbm>>
    tpu.wait_dma2 semaphore(%arg10 : memref<!tpu.dma_semaphore, #tpu.memory_space<semaphore_mem>>) src(%dma_wait3A_18 : memref<64x768xf32, #tpu.memory_space<hbm>>) dst(%arg6 : memref<64x768xf32, #tpu.memory_space<vmem>>)
    %dma_start3A_19 = arith.constant 0 : i32
    %dma_start3A_20 = arith.constant 0 : i32
    %dma_start3A_21 = tpu.memref_slice %arg8[%dma_start3A_19, %dma_start3A_20] : memref<4x64xi32, #tpu.memory_space<vmem>> -> memref<1x64xi32, #tpu.memory_space<vmem>>
    %dma_start3A_22 = tpu.memref_squeeze %dma_start3A_21 : memref<1x64xi32, #tpu.memory_space<vmem>> -> memref<64xi32, #tpu.memory_space<vmem>>
    %dma_start3A_23 = arith.constant 0 : i32
    %dma_start3A_24 = arith.constant 0 : i32
    %dma_start3A_25 = tpu.memref_slice %arg5[%dma_start3A_23, %dma_start3A_24] : memref<20992x768xf32, #tpu.memory_space<hbm>> -> memref<20992x768xf32, #tpu.memory_space<hbm>>
    tpu.enqueue_indirect_dma source(%arg6 : memref<64x768xf32, #tpu.memory_space<vmem>>) target(%dma_start3A_25 : memref<20992x768xf32, #tpu.memory_space<hbm>>) offsets(%dma_start3A_22 : memref<64xi32, #tpu.memory_space<vmem>>) semaphore(%arg11 : memref<!tpu.dma_semaphore, #tpu.memory_space<semaphore_mem>>)
    %dma_start3A_26 = arith.constant 0 : i32
    %dma_start3A_27 = arith.constant 0 : i32
    %dma_start3A_28 = tpu.memref_slice %arg9[%dma_start3A_26, %dma_start3A_27] : memref<4x64xi32, #tpu.memory_space<vmem>> -> memref<1x64xi32, #tpu.memory_space<vmem>>
    %dma_start3A_29 = tpu.memref_squeeze %dma_start3A_28 : memref<1x64xi32, #tpu.memory_space<vmem>> -> memref<64xi32, #tpu.memory_space<vmem>>
    %dma_start3A_30 = arith.constant 0 : i32
    %dma_start3A_31 = arith.constant 0 : i32
    %dma_start3A_32 = tpu.memref_slice %arg5[%dma_start3A_30, %dma_start3A_31] : memref<20992x768xf32, #tpu.memory_space<hbm>> -> memref<20992x768xf32, #tpu.memory_space<hbm>>
    tpu.enqueue_indirect_dma source(%arg6 : memref<64x768xf32, #tpu.memory_space<vmem>>) target(%dma_start3A_32 : memref<20992x768xf32, #tpu.memory_space<hbm>>) offsets(%dma_start3A_29 : memref<64xi32, #tpu.memory_space<vmem>>) semaphore(%arg11 : memref<!tpu.dma_semaphore, #tpu.memory_space<semaphore_mem>>)
    %dma_wait3A_33 = arith.constant 0 : i32
    %dma_wait3A_34 = arith.constant 0 : i32
    %dma_wait3A_35 = tpu.memref_slice %arg8[%dma_wait3A_33, %dma_wait3A_34] : memref<4x64xi32, #tpu.memory_space<vmem>> -> memref<1x64xi32, #tpu.memory_space<vmem>>
    %dma_wait3A_36 = tpu.memref_squeeze %dma_wait3A_35 : memref<1x64xi32, #tpu.memory_space<vmem>> -> memref<64xi32, #tpu.memory_space<vmem>>
    %dma_wait3A_37 = arith.constant 0 : i32
    %dma_wait3A_38 = arith.constant 0 : i32
    %dma_wait3A_39 = tpu.memref_slice %arg5[%dma_wait3A_37, %dma_wait3A_38] : memref<20992x768xf32, #tpu.memory_space<hbm>> -> memref<20992x768xf32, #tpu.memory_space<hbm>>
    tpu.wait_indirect_dma semaphore(%arg11 : memref<!tpu.dma_semaphore, #tpu.memory_space<semaphore_mem>>) src(%arg6 : memref<64x768xf32, #tpu.memory_space<vmem>>) dst(%dma_wait3A_39 : memref<20992x768xf32, #tpu.memory_space<hbm>>)
    %dma_wait3A_40 = arith.constant 0 : i32
    %dma_wait3A_41 = arith.constant 0 : i32
    %dma_wait3A_42 = tpu.memref_slice %arg9[%dma_wait3A_40, %dma_wait3A_41] : memref<4x64xi32, #tpu.memory_space<vmem>> -> memref<1x64xi32, #tpu.memory_space<vmem>>
    %dma_wait3A_43 = tpu.memref_squeeze %dma_wait3A_42 : memref<1x64xi32, #tpu.memory_space<vmem>> -> memref<64xi32, #tpu.memory_space<vmem>>
    %dma_wait3A_44 = arith.constant 0 : i32
    %dma_wait3A_45 = arith.constant 0 : i32
    %dma_wait3A_46 = tpu.memref_slice %arg5[%dma_wait3A_44, %dma_wait3A_45] : memref<20992x768xf32, #tpu.memory_space<hbm>> -> memref<20992x768xf32, #tpu.memory_space<hbm>>
    tpu.wait_indirect_dma semaphore(%arg11 : memref<!tpu.dma_semaphore, #tpu.memory_space<semaphore_mem>>) src(%arg6 : memref<64x768xf32, #tpu.memory_space<vmem>>) dst(%dma_wait3A_46 : memref<20992x768xf32, #tpu.memory_space<hbm>>)
    %add3A_47 = arith.constant 128 : i32
    %add3A_48 = arith.addi %mul3A_2, %add3A_47 : i32
    %dma_start3A_49 = arith.constant 0 : i32
    %dma_start3A_50 = tpu.memref_slice %arg2[%add3A_48, %dma_start3A_49] : memref<8192x768xf32, #tpu.memory_space<hbm>> -> memref<64x768xf32, #tpu.memory_space<hbm>>
    %dma_start3A_51 = arith.constant 0 : i32
    %dma_start3A_52 = tpu.memref_slice %arg2[%add3A_48, %dma_start3A_51] : memref<8192x768xf32, #tpu.memory_space<hbm>> -> memref<64x768xf32, #tpu.memory_space<hbm>>
    tpu.enqueue_dma source(%dma_start3A_52 : memref<64x768xf32, #tpu.memory_space<hbm>>) target(%arg6 : memref<64x768xf32, #tpu.memory_space<vmem>>) target_semaphore(%arg10 : memref<!tpu.dma_semaphore, #tpu.memory_space<semaphore_mem>>)
    %dma_wait3A_53 = arith.constant 0 : i32
    %dma_wait3A_54 = tpu.memref_slice %arg2[%add3A_11, %dma_wait3A_53] : memref<8192x768xf32, #tpu.memory_space<hbm>> -> memref<64x768xf32, #tpu.memory_space<hbm>>
    %dma_wait3A_55 = arith.constant 0 : i32
    %dma_wait3A_56 = tpu.memref_slice %arg2[%add3A_11, %dma_wait3A_55] : memref<8192x768xf32, #tpu.memory_space<hbm>> -> memref<64x768xf32, #tpu.memory_space<hbm>>
    tpu.wait_dma2 semaphore(%arg10 : memref<!tpu.dma_semaphore, #tpu.memory_space<semaphore_mem>>) src(%dma_wait3A_56 : memref<64x768xf32, #tpu.memory_space<hbm>>) dst(%arg7 : memref<64x768xf32, #tpu.memory_space<vmem>>)
    %dma_start3A_57 = arith.constant 1 : i32
    %dma_start3A_58 = arith.constant 0 : i32
    %dma_start3A_59 = tpu.memref_slice %arg8[%dma_start3A_57, %dma_start3A_58] : memref<4x64xi32, #tpu.memory_space<vmem>> -> memref<1x64xi32, #tpu.memory_space<vmem>>
    %dma_start3A_60 = tpu.memref_squeeze %dma_start3A_59 : memref<1x64xi32, #tpu.memory_space<vmem>> -> memref<64xi32, #tpu.memory_space<vmem>>
    %dma_start3A_61 = arith.constant 0 : i32
    %dma_start3A_62 = arith.constant 0 : i32
    %dma_start3A_63 = tpu.memref_slice %arg5[%dma_start3A_61, %dma_start3A_62] : memref<20992x768xf32, #tpu.memory_space<hbm>> -> memref<20992x768xf32, #tpu.memory_space<hbm>>
    tpu.enqueue_indirect_dma source(%arg7 : memref<64x768xf32, #tpu.memory_space<vmem>>) target(%dma_start3A_63 : memref<20992x768xf32, #tpu.memory_space<hbm>>) offsets(%dma_start3A_60 : memref<64xi32, #tpu.memory_space<vmem>>) semaphore(%arg11 : memref<!tpu.dma_semaphore, #tpu.memory_space<semaphore_mem>>)
    %dma_start3A_64 = arith.constant 1 : i32
    %dma_start3A_65 = arith.constant 0 : i32
    %dma_start3A_66 = tpu.memref_slice %arg9[%dma_start3A_64, %dma_start3A_65] : memref<4x64xi32, #tpu.memory_space<vmem>> -> memref<1x64xi32, #tpu.memory_space<vmem>>
    %dma_start3A_67 = tpu.memref_squeeze %dma_start3A_66 : memref<1x64xi32, #tpu.memory_space<vmem>> -> memref<64xi32, #tpu.memory_space<vmem>>
    %dma_start3A_68 = arith.constant 0 : i32
    %dma_start3A_69 = arith.constant 0 : i32
    %dma_start3A_70 = tpu.memref_slice %arg5[%dma_start3A_68, %dma_start3A_69] : memref<20992x768xf32, #tpu.memory_space<hbm>> -> memref<20992x768xf32, #tpu.memory_space<hbm>>
    tpu.enqueue_indirect_dma source(%arg7 : memref<64x768xf32, #tpu.memory_space<vmem>>) target(%dma_start3A_70 : memref<20992x768xf32, #tpu.memory_space<hbm>>) offsets(%dma_start3A_67 : memref<64xi32, #tpu.memory_space<vmem>>) semaphore(%arg11 : memref<!tpu.dma_semaphore, #tpu.memory_space<semaphore_mem>>)
    %dma_wait3A_71 = arith.constant 1 : i32
    %dma_wait3A_72 = arith.constant 0 : i32
    %dma_wait3A_73 = tpu.memref_slice %arg8[%dma_wait3A_71, %dma_wait3A_72] : memref<4x64xi32, #tpu.memory_space<vmem>> -> memref<1x64xi32, #tpu.memory_space<vmem>>
    %dma_wait3A_74 = tpu.memref_squeeze %dma_wait3A_73 : memref<1x64xi32, #tpu.memory_space<vmem>> -> memref<64xi32, #tpu.memory_space<vmem>>
    %dma_wait3A_75 = arith.constant 0 : i32
    %dma_wait3A_76 = arith.constant 0 : i32
    %dma_wait3A_77 = tpu.memref_slice %arg5[%dma_wait3A_75, %dma_wait3A_76] : memref<20992x768xf32, #tpu.memory_space<hbm>> -> memref<20992x768xf32, #tpu.memory_space<hbm>>
    tpu.wait_indirect_dma semaphore(%arg11 : memref<!tpu.dma_semaphore, #tpu.memory_space<semaphore_mem>>) src(%arg7 : memref<64x768xf32, #tpu.memory_space<vmem>>) dst(%dma_wait3A_77 : memref<20992x768xf32, #tpu.memory_space<hbm>>)
    %dma_wait3A_78 = arith.constant 1 : i32
    %dma_wait3A_79 = arith.constant 0 : i32
    %dma_wait3A_80 = tpu.memref_slice %arg9[%dma_wait3A_78, %dma_wait3A_79] : memref<4x64xi32, #tpu.memory_space<vmem>> -> memref<1x64xi32, #tpu.memory_space<vmem>>
    %dma_wait3A_81 = tpu.memref_squeeze %dma_wait3A_80 : memref<1x64xi32, #tpu.memory_space<vmem>> -> memref<64xi32, #tpu.memory_space<vmem>>
    %dma_wait3A_82 = arith.constant 0 : i32
    %dma_wait3A_83 = arith.constant 0 : i32
    %dma_wait3A_84 = tpu.memref_slice %arg5[%dma_wait3A_82, %dma_wait3A_83] : memref<20992x768xf32, #tpu.memory_space<hbm>> -> memref<20992x768xf32, #tpu.memory_space<hbm>>
    tpu.wait_indirect_dma semaphore(%arg11 : memref<!tpu.dma_semaphore, #tpu.memory_space<semaphore_mem>>) src(%arg7 : memref<64x768xf32, #tpu.memory_space<vmem>>) dst(%dma_wait3A_84 : memref<20992x768xf32, #tpu.memory_space<hbm>>)
    %add3A_85 = arith.constant 192 : i32
    %add3A_86 = arith.addi %mul3A_2, %add3A_85 : i32
    %dma_start3A_87 = arith.constant 0 : i32
    %dma_start3A_88 = tpu.memref_slice %arg2[%add3A_86, %dma_start3A_87] : memref<8192x768xf32, #tpu.memory_space<hbm>> -> memref<64x768xf32, #tpu.memory_space<hbm>>
    %dma_start3A_89 = arith.constant 0 : i32
    %dma_start3A_90 = tpu.memref_slice %arg2[%add3A_86, %dma_start3A_89] : memref<8192x768xf32, #tpu.memory_space<hbm>> -> memref<64x768xf32, #tpu.memory_space<hbm>>
    tpu.enqueue_dma source(%dma_start3A_90 : memref<64x768xf32, #tpu.memory_space<hbm>>) target(%arg7 : memref<64x768xf32, #tpu.memory_space<vmem>>) target_semaphore(%arg10 : memref<!tpu.dma_semaphore, #tpu.memory_space<semaphore_mem>>)
    %dma_wait3A_91 = arith.constant 0 : i32
    %dma_wait3A_92 = tpu.memref_slice %arg2[%add3A_48, %dma_wait3A_91] : memref<8192x768xf32, #tpu.memory_space<hbm>> -> memref<64x768xf32, #tpu.memory_space<hbm>>
    %dma_wait3A_93 = arith.constant 0 : i32
    %dma_wait3A_94 = tpu.memref_slice %arg2[%add3A_48, %dma_wait3A_93] : memref<8192x768xf32, #tpu.memory_space<hbm>> -> memref<64x768xf32, #tpu.memory_space<hbm>>
    tpu.wait_dma2 semaphore(%arg10 : memref<!tpu.dma_semaphore, #tpu.memory_space<semaphore_mem>>) src(%dma_wait3A_94 : memref<64x768xf32, #tpu.memory_space<hbm>>) dst(%arg6 : memref<64x768xf32, #tpu.memory_space<vmem>>)
    %dma_start3A_95 = arith.constant 2 : i32
    %dma_start3A_96 = arith.constant 0 : i32
    %dma_start3A_97 = tpu.memref_slice %arg8[%dma_start3A_95, %dma_start3A_96] : memref<4x64xi32, #tpu.memory_space<vmem>> -> memref<1x64xi32, #tpu.memory_space<vmem>>
    %dma_start3A_98 = tpu.memref_squeeze %dma_start3A_97 : memref<1x64xi32, #tpu.memory_space<vmem>> -> memref<64xi32, #tpu.memory_space<vmem>>
    %dma_start3A_99 = arith.constant 0 : i32
    %dma_start3A_100 = arith.constant 0 : i32
    %dma_start3A_101 = tpu.memref_slice %arg5[%dma_start3A_99, %dma_start3A_100] : memref<20992x768xf32, #tpu.memory_space<hbm>> -> memref<20992x768xf32, #tpu.memory_space<hbm>>
    tpu.enqueue_indirect_dma source(%arg6 : memref<64x768xf32, #tpu.memory_space<vmem>>) target(%dma_start3A_101 : memref<20992x768xf32, #tpu.memory_space<hbm>>) offsets(%dma_start3A_98 : memref<64xi32, #tpu.memory_space<vmem>>) semaphore(%arg11 : memref<!tpu.dma_semaphore, #tpu.memory_space<semaphore_mem>>)
    %dma_start3A_102 = arith.constant 2 : i32
    %dma_start3A_103 = arith.constant 0 : i32
    %dma_start3A_104 = tpu.memref_slice %arg9[%dma_start3A_102, %dma_start3A_103] : memref<4x64xi32, #tpu.memory_space<vmem>> -> memref<1x64xi32, #tpu.memory_space<vmem>>
    %dma_start3A_105 = tpu.memref_squeeze %dma_start3A_104 : memref<1x64xi32, #tpu.memory_space<vmem>> -> memref<64xi32, #tpu.memory_space<vmem>>
    %dma_start3A_106 = arith.constant 0 : i32
    %dma_start3A_107 = arith.constant 0 : i32
    %dma_start3A_108 = tpu.memref_slice %arg5[%dma_start3A_106, %dma_start3A_107] : memref<20992x768xf32, #tpu.memory_space<hbm>> -> memref<20992x768xf32, #tpu.memory_space<hbm>>
    tpu.enqueue_indirect_dma source(%arg6 : memref<64x768xf32, #tpu.memory_space<vmem>>) target(%dma_start3A_108 : memref<20992x768xf32, #tpu.memory_space<hbm>>) offsets(%dma_start3A_105 : memref<64xi32, #tpu.memory_space<vmem>>) semaphore(%arg11 : memref<!tpu.dma_semaphore, #tpu.memory_space<semaphore_mem>>)
    %dma_wait3A_109 = arith.constant 2 : i32
    %dma_wait3A_110 = arith.constant 0 : i32
    %dma_wait3A_111 = tpu.memref_slice %arg8[%dma_wait3A_109, %dma_wait3A_110] : memref<4x64xi32, #tpu.memory_space<vmem>> -> memref<1x64xi32, #tpu.memory_space<vmem>>
    %dma_wait3A_112 = tpu.memref_squeeze %dma_wait3A_111 : memref<1x64xi32, #tpu.memory_space<vmem>> -> memref<64xi32, #tpu.memory_space<vmem>>
    %dma_wait3A_113 = arith.constant 0 : i32
    %dma_wait3A_114 = arith.constant 0 : i32
    %dma_wait3A_115 = tpu.memref_slice %arg5[%dma_wait3A_113, %dma_wait3A_114] : memref<20992x768xf32, #tpu.memory_space<hbm>> -> memref<20992x768xf32, #tpu.memory_space<hbm>>
    tpu.wait_indirect_dma semaphore(%arg11 : memref<!tpu.dma_semaphore, #tpu.memory_space<semaphore_mem>>) src(%arg6 : memref<64x768xf32, #tpu.memory_space<vmem>>) dst(%dma_wait3A_115 : memref<20992x768xf32, #tpu.memory_space<hbm>>)
    %dma_wait3A_116 = arith.constant 2 : i32
    %dma_wait3A_117 = arith.constant 0 : i32
    %dma_wait3A_118 = tpu.memref_slice %arg9[%dma_wait3A_116, %dma_wait3A_117] : memref<4x64xi32, #tpu.memory_space<vmem>> -> memref<1x64xi32, #tpu.memory_space<vmem>>
    %dma_wait3A_119 = tpu.memref_squeeze %dma_wait3A_118 : memref<1x64xi32, #tpu.memory_space<vmem>> -> memref<64xi32, #tpu.memory_space<vmem>>
    %dma_wait3A_120 = arith.constant 0 : i32
    %dma_wait3A_121 = arith.constant 0 : i32
    %dma_wait3A_122 = tpu.memref_slice %arg5[%dma_wait3A_120, %dma_wait3A_121] : memref<20992x768xf32, #tpu.memory_space<hbm>> -> memref<20992x768xf32, #tpu.memory_space<hbm>>
    tpu.wait_indirect_dma semaphore(%arg11 : memref<!tpu.dma_semaphore, #tpu.memory_space<semaphore_mem>>) src(%arg6 : memref<64x768xf32, #tpu.memory_space<vmem>>) dst(%dma_wait3A_122 : memref<20992x768xf32, #tpu.memory_space<hbm>>)
    %dma_wait3A_123 = arith.constant 0 : i32
    %dma_wait3A_124 = tpu.memref_slice %arg2[%add3A_86, %dma_wait3A_123] : memref<8192x768xf32, #tpu.memory_space<hbm>> -> memref<64x768xf32, #tpu.memory_space<hbm>>
    %dma_wait3A_125 = arith.constant 0 : i32
    %dma_wait3A_126 = tpu.memref_slice %arg2[%add3A_86, %dma_wait3A_125] : memref<8192x768xf32, #tpu.memory_space<hbm>> -> memref<64x768xf32, #tpu.memory_space<hbm>>
    tpu.wait_dma2 semaphore(%arg10 : memref<!tpu.dma_semaphore, #tpu.memory_space<semaphore_mem>>) src(%dma_wait3A_126 : memref<64x768xf32, #tpu.memory_space<hbm>>) dst(%arg7 : memref<64x768xf32, #tpu.memory_space<vmem>>)
    %dma_start3A_127 = arith.constant 3 : i32
    %dma_start3A_128 = arith.constant 0 : i32
    %dma_start3A_129 = tpu.memref_slice %arg8[%dma_start3A_127, %dma_start3A_128] : memref<4x64xi32, #tpu.memory_space<vmem>> -> memref<1x64xi32, #tpu.memory_space<vmem>>
    %dma_start3A_130 = tpu.memref_squeeze %dma_start3A_129 : memref<1x64xi32, #tpu.memory_space<vmem>> -> memref<64xi32, #tpu.memory_space<vmem>>
    %dma_start3A_131 = arith.constant 0 : i32
    %dma_start3A_132 = arith.constant 0 : i32
    %dma_start3A_133 = tpu.memref_slice %arg5[%dma_start3A_131, %dma_start3A_132] : memref<20992x768xf32, #tpu.memory_space<hbm>> -> memref<20992x768xf32, #tpu.memory_space<hbm>>
    tpu.enqueue_indirect_dma source(%arg7 : memref<64x768xf32, #tpu.memory_space<vmem>>) target(%dma_start3A_133 : memref<20992x768xf32, #tpu.memory_space<hbm>>) offsets(%dma_start3A_130 : memref<64xi32, #tpu.memory_space<vmem>>) semaphore(%arg11 : memref<!tpu.dma_semaphore, #tpu.memory_space<semaphore_mem>>)
    %dma_start3A_134 = arith.constant 3 : i32
    %dma_start3A_135 = arith.constant 0 : i32
    %dma_start3A_136 = tpu.memref_slice %arg9[%dma_start3A_134, %dma_start3A_135] : memref<4x64xi32, #tpu.memory_space<vmem>> -> memref<1x64xi32, #tpu.memory_space<vmem>>
    %dma_start3A_137 = tpu.memref_squeeze %dma_start3A_136 : memref<1x64xi32, #tpu.memory_space<vmem>> -> memref<64xi32, #tpu.memory_space<vmem>>
    %dma_start3A_138 = arith.constant 0 : i32
    %dma_start3A_139 = arith.constant 0 : i32
    %dma_start3A_140 = tpu.memref_slice %arg5[%dma_start3A_138, %dma_start3A_139] : memref<20992x768xf32, #tpu.memory_space<hbm>> -> memref<20992x768xf32, #tpu.memory_space<hbm>>
    tpu.enqueue_indirect_dma source(%arg7 : memref<64x768xf32, #tpu.memory_space<vmem>>) target(%dma_start3A_140 : memref<20992x768xf32, #tpu.memory_space<hbm>>) offsets(%dma_start3A_137 : memref<64xi32, #tpu.memory_space<vmem>>) semaphore(%arg11 : memref<!tpu.dma_semaphore, #tpu.memory_space<semaphore_mem>>)
    %dma_wait3A_141 = arith.constant 3 : i32
    %dma_wait3A_142 = arith.constant 0 : i32
    %dma_wait3A_143 = tpu.memref_slice %arg8[%dma_wait3A_141, %dma_wait3A_142] : memref<4x64xi32, #tpu.memory_space<vmem>> -> memref<1x64xi32, #tpu.memory_space<vmem>>
    %dma_wait3A_144 = tpu.memref_squeeze %dma_wait3A_143 : memref<1x64xi32, #tpu.memory_space<vmem>> -> memref<64xi32, #tpu.memory_space<vmem>>
    %dma_wait3A_145 = arith.constant 0 : i32
    %dma_wait3A_146 = arith.constant 0 : i32
    %dma_wait3A_147 = tpu.memref_slice %arg5[%dma_wait3A_145, %dma_wait3A_146] : memref<20992x768xf32, #tpu.memory_space<hbm>> -> memref<20992x768xf32, #tpu.memory_space<hbm>>
    tpu.wait_indirect_dma semaphore(%arg11 : memref<!tpu.dma_semaphore, #tpu.memory_space<semaphore_mem>>) src(%arg7 : memref<64x768xf32, #tpu.memory_space<vmem>>) dst(%dma_wait3A_147 : memref<20992x768xf32, #tpu.memory_space<hbm>>)
    %dma_wait3A_148 = arith.constant 3 : i32
    %dma_wait3A_149 = arith.constant 0 : i32
    %dma_wait3A_150 = tpu.memref_slice %arg9[%dma_wait3A_148, %dma_wait3A_149] : memref<4x64xi32, #tpu.memory_space<vmem>> -> memref<1x64xi32, #tpu.memory_space<vmem>>
    %dma_wait3A_151 = tpu.memref_squeeze %dma_wait3A_150 : memref<1x64xi32, #tpu.memory_space<vmem>> -> memref<64xi32, #tpu.memory_space<vmem>>
    %dma_wait3A_152 = arith.constant 0 : i32
    %dma_wait3A_153 = arith.constant 0 : i32
    %dma_wait3A_154 = tpu.memref_slice %arg5[%dma_wait3A_152, %dma_wait3A_153] : memref<20992x768xf32, #tpu.memory_space<hbm>> -> memref<20992x768xf32, #tpu.memory_space<hbm>>
    tpu.wait_indirect_dma semaphore(%arg11 : memref<!tpu.dma_semaphore, #tpu.memory_space<semaphore_mem>>) src(%arg7 : memref<64x768xf32, #tpu.memory_space<vmem>>) dst(%dma_wait3A_154 : memref<20992x768xf32, #tpu.memory_space<hbm>>)
    return
  }
}

module attributes {stable_mosaic.version = 14 : i64} {
  func.func @_router_body(%arg0: i32, %arg1: memref<1xi32, #tpu.memory_space<smem>>, %arg2: memref<1024x768xf32, #tpu.memory_space<vmem>>, %arg3: memref<1x8x768xf32, #tpu.memory_space<vmem>>, %arg4: memref<5x1xf32, #tpu.memory_space<smem>>, %arg5: memref<1024x1xi32, #tpu.memory_space<vmem>>, %arg6: memref<1024x1xi32, #tpu.memory_space<vmem>>, %arg7: memref<1024x1xf32, #tpu.memory_space<vmem>>, %arg8: memref<1024x1xf32, #tpu.memory_space<vmem>>, %arg9: memref<1x8xf32, #tpu.memory_space<vmem>>, %arg10: memref<1x40xi32, #tpu.memory_space<vmem>>, %arg11: memref<1x40xi32, #tpu.memory_space<vmem>>, %arg12: memref<1x8xf32, #tpu.memory_space<vmem>>, %arg13: memref<1x8xf32, #tpu.memory_space<vmem>>, %arg14: memref<8192x1xi32, #tpu.memory_space<vmem>>, %arg15: memref<8192x1xi32, #tpu.memory_space<vmem>>, %arg16: memref<8192x1xf32, #tpu.memory_space<vmem>>, %arg17: memref<8192x1xf32, #tpu.memory_space<vmem>>, %arg18: memref<8192x8xf32, #tpu.memory_space<vmem>>) attributes {dimension_semantics = [#tpu.dimension_semantics<arbitrary>], iteration_bounds = array<i64: 16>, scalar_prefetch = 1 : i64, scratch_operands = 7 : i64, tpu.core_type = #tpu.core_type<tc>, window_params = [{transform_indices = @transform_0, window_bounds = array<i64: 1024, 768>}, {transform_indices = @transform_1, window_bounds = array<i64: 1, 8, 768>}, {transform_indices = @transform_2, window_bounds = array<i64: 5, 1>}, {transform_indices = @transform_3, window_bounds = array<i64: 1024, 1>}, {transform_indices = @transform_4, window_bounds = array<i64: 1024, 1>}, {transform_indices = @transform_5, window_bounds = array<i64: 1024, 1>}, {transform_indices = @transform_6, window_bounds = array<i64: 1024, 1>}, {pipeline_mode = #tpu.pipeline_mode<synchronous>, transform_indices = @transform_7, window_bounds = array<i64: 1, 8>}, {pipeline_mode = #tpu.pipeline_mode<synchronous>, transform_indices = @transform_8, window_bounds = array<i64: 1, 40>}, {pipeline_mode = #tpu.pipeline_mode<synchronous>, transform_indices = @transform_9, window_bounds = array<i64: 1, 40>}]} {
    %rem3A = arith.constant 8 : i32
    %rem3A_0 = arith.remsi %arg0, %rem3A : i32
    %mul3A = arith.constant 1024 : i32
    %mul3A_1 = arith.muli %rem3A_0, %mul3A : i32
    %eq3A = arith.constant 0 : i32
    %eq3A_2 = arith.cmpi eq, %arg0, %eq3A : i32
    %convert_element_type3A = arith.extui %eq3A_2 : i1 to i32
    %cond3A = arith.constant 0 : i32
    %cond3A_3 = arith.cmpi ne, %convert_element_type3A, %cond3A : i32
    scf.if %cond3A_3 {
      %broadcast_in_dim3A = arith.constant 0.000000e+00 : f32
      %broadcast_in_dim3A_17 = vector.broadcast %broadcast_in_dim3A : f32 to vector<1x8xf32>
      %swap3A = arith.constant 0 : index
      %swap3A_18 = arith.constant 0 : index
      %swap3A_19 = vector.load %arg12[%swap3A, %swap3A_18] : memref<1x8xf32, #tpu.memory_space<vmem>>, vector<1x8xf32>
      tpu.vector_store %arg12[%swap3A, %swap3A_18], %broadcast_in_dim3A_17 {strides = array<i32>} : memref<1x8xf32, #tpu.memory_space<vmem>>, vector<1x8xf32>,
    } else {
    }
    %lt3A = arith.constant 8 : i32
    %lt3A_4 = arith.cmpi slt, %arg0, %lt3A : i32
    %convert_element_type3A_5 = arith.extui %lt3A_4 : i1 to i32
    %cond3A_6 = arith.constant 0 : i32
    %cond3A_7 = arith.cmpi ne, %convert_element_type3A_5, %cond3A_6 : i32
    scf.if %cond3A_7 {
      %get3A = arith.constant 0 : index
      %get3A_17 = arith.constant 0 : index
      %get3A_18 = vector.load %arg2[%get3A, %get3A_17] : memref<1024x768xf32, #tpu.memory_space<vmem>>, vector<1024x768xf32>
      %get3A_19 = arith.constant 0 : index
      %get3A_20 = arith.constant 0 : index
      %get3A_21 = arith.constant 0 : index
      %get3A_22 = vector.load %arg3[%get3A_19, %get3A_20, %get3A_21] : memref<1x8x768xf32, #tpu.memory_space<vmem>>, vector<1x8x768xf32>
      %get3A_23 = vector.shape_cast %get3A_22 : vector<1x8x768xf32> to vector<8x768xf32>
      %get3A_24 = arith.constant 0 : index
      %get3A_25 = memref.load %arg1[%get3A_24] : memref<1xi32, #tpu.memory_space<smem>>
      %get3A_26 = arith.index_cast %get3A_25 : i32 to index
      %get3A_27 = arith.constant 0 : index
      %get3A_28 = memref.load %arg4[%get3A_26, %get3A_27] : memref<5x1xf32, #tpu.memory_space<smem>>
      %max3A = arith.constant 0.000000e+00 : f32
      %max3A_29 = arith.maximumf %get3A_28, %max3A : f32
      %abs3A = math.absf %get3A_28 : f32
      %neg3A = arith.constant 0.000000e+00 : f32
      %neg3A_30 = arith.subf %neg3A, %abs3A : f32
      %exp3A = math.exp %neg3A_30 : f32
      %log1p3A = math.log1p %exp3A : f32
      %add3A = arith.addf %max3A_29, %log1p3A : f32
      %add3A_31 = arith.constant 9.99999997E-7 : f32
      %add3A_32 = arith.addf %add3A, %add3A_31 : f32
      %slice3A = vector.extract_strided_slice %get3A_23 {offsets = [0, 0], sizes = [1, 768], strides = [1, 1]} : vector<8x768xf32> to vector<1x768xf32>
      %sub3A = vector.broadcast %slice3A : vector<1x768xf32> to vector<1024x768xf32>
      %sub3A_33 = arith.subf %get3A_18, %sub3A : vector<1024x768xf32>
      %mul3A_34 = arith.mulf %sub3A_33, %sub3A_33 : vector<1024x768xf32>
      %reduce_sum3A = arith.constant dense<0.000000e+00> : vector<1024xf32>
      %reduce_sum3A_35 = vector.multi_reduction <add>, %mul3A_34, %reduce_sum3A [1] : vector<1024x768xf32> to vector<1024xf32>
      %broadcast_in_dim3A = vector.shape_cast %reduce_sum3A_35 : vector<1024xf32> to vector<1024x1xf32>
      %slice3A_36 = vector.extract_strided_slice %get3A_23 {offsets = [1, 0], sizes = [1, 768], strides = [1, 1]} : vector<8x768xf32> to vector<1x768xf32>
      %sub3A_37 = vector.broadcast %slice3A_36 : vector<1x768xf32> to vector<1024x768xf32>
      %sub3A_38 = arith.subf %get3A_18, %sub3A_37 : vector<1024x768xf32>
      %mul3A_39 = arith.mulf %sub3A_38, %sub3A_38 : vector<1024x768xf32>
      %reduce_sum3A_40 = arith.constant dense<0.000000e+00> : vector<1024xf32>
      %reduce_sum3A_41 = vector.multi_reduction <add>, %mul3A_39, %reduce_sum3A_40 [1] : vector<1024x768xf32> to vector<1024xf32>
      %broadcast_in_dim3A_42 = vector.shape_cast %reduce_sum3A_41 : vector<1024xf32> to vector<1024x1xf32>
      %slice3A_43 = vector.extract_strided_slice %get3A_23 {offsets = [2, 0], sizes = [1, 768], strides = [1, 1]} : vector<8x768xf32> to vector<1x768xf32>
      %sub3A_44 = vector.broadcast %slice3A_43 : vector<1x768xf32> to vector<1024x768xf32>
      %sub3A_45 = arith.subf %get3A_18, %sub3A_44 : vector<1024x768xf32>
      %mul3A_46 = arith.mulf %sub3A_45, %sub3A_45 : vector<1024x768xf32>
      %reduce_sum3A_47 = arith.constant dense<0.000000e+00> : vector<1024xf32>
      %reduce_sum3A_48 = vector.multi_reduction <add>, %mul3A_46, %reduce_sum3A_47 [1] : vector<1024x768xf32> to vector<1024xf32>
      %broadcast_in_dim3A_49 = vector.shape_cast %reduce_sum3A_48 : vector<1024xf32> to vector<1024x1xf32>
      %slice3A_50 = vector.extract_strided_slice %get3A_23 {offsets = [3, 0], sizes = [1, 768], strides = [1, 1]} : vector<8x768xf32> to vector<1x768xf32>
      %sub3A_51 = vector.broadcast %slice3A_50 : vector<1x768xf32> to vector<1024x768xf32>
      %sub3A_52 = arith.subf %get3A_18, %sub3A_51 : vector<1024x768xf32>
      %mul3A_53 = arith.mulf %sub3A_52, %sub3A_52 : vector<1024x768xf32>
      %reduce_sum3A_54 = arith.constant dense<0.000000e+00> : vector<1024xf32>
      %reduce_sum3A_55 = vector.multi_reduction <add>, %mul3A_53, %reduce_sum3A_54 [1] : vector<1024x768xf32> to vector<1024xf32>
      %broadcast_in_dim3A_56 = vector.shape_cast %reduce_sum3A_55 : vector<1024xf32> to vector<1024x1xf32>
      %slice3A_57 = vector.extract_strided_slice %get3A_23 {offsets = [4, 0], sizes = [1, 768], strides = [1, 1]} : vector<8x768xf32> to vector<1x768xf32>
      %sub3A_58 = vector.broadcast %slice3A_57 : vector<1x768xf32> to vector<1024x768xf32>
      %sub3A_59 = arith.subf %get3A_18, %sub3A_58 : vector<1024x768xf32>
      %mul3A_60 = arith.mulf %sub3A_59, %sub3A_59 : vector<1024x768xf32>
      %reduce_sum3A_61 = arith.constant dense<0.000000e+00> : vector<1024xf32>
      %reduce_sum3A_62 = vector.multi_reduction <add>, %mul3A_60, %reduce_sum3A_61 [1] : vector<1024x768xf32> to vector<1024xf32>
      %broadcast_in_dim3A_63 = vector.shape_cast %reduce_sum3A_62 : vector<1024xf32> to vector<1024x1xf32>
      %slice3A_64 = vector.extract_strided_slice %get3A_23 {offsets = [5, 0], sizes = [1, 768], strides = [1, 1]} : vector<8x768xf32> to vector<1x768xf32>
      %sub3A_65 = vector.broadcast %slice3A_64 : vector<1x768xf32> to vector<1024x768xf32>
      %sub3A_66 = arith.subf %get3A_18, %sub3A_65 : vector<1024x768xf32>
      %mul3A_67 = arith.mulf %sub3A_66, %sub3A_66 : vector<1024x768xf32>
      %reduce_sum3A_68 = arith.constant dense<0.000000e+00> : vector<1024xf32>
      %reduce_sum3A_69 = vector.multi_reduction <add>, %mul3A_67, %reduce_sum3A_68 [1] : vector<1024x768xf32> to vector<1024xf32>
      %broadcast_in_dim3A_70 = vector.shape_cast %reduce_sum3A_69 : vector<1024xf32> to vector<1024x1xf32>
      %slice3A_71 = vector.extract_strided_slice %get3A_23 {offsets = [6, 0], sizes = [1, 768], strides = [1, 1]} : vector<8x768xf32> to vector<1x768xf32>
      %sub3A_72 = vector.broadcast %slice3A_71 : vector<1x768xf32> to vector<1024x768xf32>
      %sub3A_73 = arith.subf %get3A_18, %sub3A_72 : vector<1024x768xf32>
      %mul3A_74 = arith.mulf %sub3A_73, %sub3A_73 : vector<1024x768xf32>
      %reduce_sum3A_75 = arith.constant dense<0.000000e+00> : vector<1024xf32>
      %reduce_sum3A_76 = vector.multi_reduction <add>, %mul3A_74, %reduce_sum3A_75 [1] : vector<1024x768xf32> to vector<1024xf32>
      %broadcast_in_dim3A_77 = vector.shape_cast %reduce_sum3A_76 : vector<1024xf32> to vector<1024x1xf32>
      %slice3A_78 = vector.extract_strided_slice %get3A_23 {offsets = [7, 0], sizes = [1, 768], strides = [1, 1]} : vector<8x768xf32> to vector<1x768xf32>
      %sub3A_79 = vector.broadcast %slice3A_78 : vector<1x768xf32> to vector<1024x768xf32>
      %sub3A_80 = arith.subf %get3A_18, %sub3A_79 : vector<1024x768xf32>
      %mul3A_81 = arith.mulf %sub3A_80, %sub3A_80 : vector<1024x768xf32>
      %reduce_sum3A_82 = arith.constant dense<0.000000e+00> : vector<1024xf32>
      %reduce_sum3A_83 = vector.multi_reduction <add>, %mul3A_81, %reduce_sum3A_82 [1] : vector<1024x768xf32> to vector<1024xf32>
      %broadcast_in_dim3A_84 = vector.shape_cast %reduce_sum3A_83 : vector<1024xf32> to vector<1024x1xf32>
      %concatenate3A = tpu.concatenate %broadcast_in_dim3A, %broadcast_in_dim3A_42, %broadcast_in_dim3A_49, %broadcast_in_dim3A_56, %broadcast_in_dim3A_63, %broadcast_in_dim3A_70, %broadcast_in_dim3A_77, %broadcast_in_dim3A_84 in 1 : vector<1024x1xf32>, vector<1024x1xf32>, vector<1024x1xf32>, vector<1024x1xf32>, vector<1024x1xf32>, vector<1024x1xf32>, vector<1024x1xf32>, vector<1024x1xf32> -> vector<1024x8xf32>
      %sqrt3A = math.sqrt %concatenate3A : vector<1024x8xf32>
      %neg3A_85 = arith.constant 0.000000e+00 : f32
      %neg3A_86 = vector.broadcast %neg3A_85 : f32 to vector<1024x8xf32>
      %neg3A_87 = arith.subf %neg3A_86, %sqrt3A : vector<1024x8xf32>
      %div3A = vector.broadcast %add3A_32 : f32 to vector<1024x8xf32>
      %div3A_88 = arith.divf %neg3A_87, %div3A : vector<1024x8xf32>
      %exp3A_89 = math.exp %div3A_88 : vector<1024x8xf32>
      %iota3A = tpu.iota {dimensions = array<i32: 1>} : vector<1024x8xi32>
      %reduce_max3A = arith.constant dense<0xFF800000> : vector<1024xf32>
      %reduce_max3A_90 = vector.multi_reduction <maximumf>, %exp3A_89, %reduce_max3A [1] : vector<1024x8xf32> to vector<1024xf32>
      %broadcast_in_dim3A_91 = vector.shape_cast %reduce_max3A_90 : vector<1024xf32> to vector<1024x1xf32>
      %argmax3A = tpu.reduce_index %exp3A_89 {axis = 1 : i32, kind = #tpu.reduction_kind<arg_max>} : vector<1024x8xf32> -> vector<1024xi32>
      %broadcast_in_dim3A_92 = vector.shape_cast %argmax3A : vector<1024xi32> to vector<1024x1xi32>
      %eq3A_93 = vector.broadcast %broadcast_in_dim3A_92 : vector<1024x1xi32> to vector<1024x8xi32>
      %eq3A_94 = arith.cmpi eq, %iota3A, %eq3A_93 : vector<1024x8xi32>
      %jit3A = arith.constant 0xFF800000 : f32
      %broadcast_in_dim3A_95 = vector.broadcast %jit3A : f32 to vector<1024x8xf32>
      %select_n3A = arith.select %eq3A_94, %broadcast_in_dim3A_95, %exp3A_89 : vector<1024x8xi1>, vector<1024x8xf32>
      %reduce_max3A_96 = arith.constant dense<0xFF800000> : vector<1024xf32>
      %reduce_max3A_97 = vector.multi_reduction <maximumf>, %select_n3A, %reduce_max3A_96 [1] : vector<1024x8xf32> to vector<1024xf32>
      %broadcast_in_dim3A_98 = vector.shape_cast %reduce_max3A_97 : vector<1024xf32> to vector<1024x1xf32>
      %argmax3A_99 = tpu.reduce_index %select_n3A {axis = 1 : i32, kind = #tpu.reduction_kind<arg_max>} : vector<1024x8xf32> -> vector<1024xi32>
      %broadcast_in_dim3A_100 = vector.shape_cast %argmax3A_99 : vector<1024xi32> to vector<1024x1xi32>
      %eq3A_101 = vector.broadcast %broadcast_in_dim3A_92 : vector<1024x1xi32> to vector<1024x8xi32>
      %eq3A_102 = arith.cmpi eq, %eq3A_101, %iota3A : vector<1024x8xi32>
      %convert_element_type3A_103 = arith.extui %eq3A_102 : vector<1024x8xi1> to vector<1024x8xi32>
      %convert_element_type3A_104 = arith.sitofp %convert_element_type3A_103 : vector<1024x8xi32> to vector<1024x8xf32>
      %eq3A_105 = vector.broadcast %broadcast_in_dim3A_100 : vector<1024x1xi32> to vector<1024x8xi32>
      %eq3A_106 = arith.cmpi eq, %eq3A_105, %iota3A : vector<1024x8xi32>
      %convert_element_type3A_107 = arith.extui %eq3A_106 : vector<1024x8xi1> to vector<1024x8xi32>
      %convert_element_type3A_108 = arith.sitofp %convert_element_type3A_107 : vector<1024x8xi32> to vector<1024x8xf32>
      %add3A_109 = arith.addf %convert_element_type3A_104, %convert_element_type3A_108 : vector<1024x8xf32>
      %swap3A = arith.index_cast %mul3A_1 : i32 to index
      %swap3A_110 = arith.constant 0 : index
      %swap3A_111 = vector.load %arg14[%swap3A, %swap3A_110] : memref<8192x1xi32, #tpu.memory_space<vmem>>, vector<1024x1xi32>
      tpu.vector_store %arg14[%swap3A, %swap3A_110], %broadcast_in_dim3A_92 {strides = array<i32>} : memref<8192x1xi32, #tpu.memory_space<vmem>>, vector<1024x1xi32>,
      %swap3A_112 = arith.index_cast %mul3A_1 : i32 to index
      %swap3A_113 = arith.constant 0 : index
      %swap3A_114 = vector.load %arg15[%swap3A_112, %swap3A_113] : memref<8192x1xi32, #tpu.memory_space<vmem>>, vector<1024x1xi32>
      tpu.vector_store %arg15[%swap3A_112, %swap3A_113], %broadcast_in_dim3A_100 {strides = array<i32>} : memref<8192x1xi32, #tpu.memory_space<vmem>>, vector<1024x1xi32>,
      %swap3A_115 = arith.index_cast %mul3A_1 : i32 to index
      %swap3A_116 = arith.constant 0 : index
      %swap3A_117 = vector.load %arg16[%swap3A_115, %swap3A_116] : memref<8192x1xf32, #tpu.memory_space<vmem>>, vector<1024x1xf32>
      tpu.vector_store %arg16[%swap3A_115, %swap3A_116], %broadcast_in_dim3A_91 {strides = array<i32>} : memref<8192x1xf32, #tpu.memory_space<vmem>>, vector<1024x1xf32>,
      %swap3A_118 = arith.index_cast %mul3A_1 : i32 to index
      %swap3A_119 = arith.constant 0 : index
      %swap3A_120 = vector.load %arg17[%swap3A_118, %swap3A_119] : memref<8192x1xf32, #tpu.memory_space<vmem>>, vector<1024x1xf32>
      tpu.vector_store %arg17[%swap3A_118, %swap3A_119], %broadcast_in_dim3A_98 {strides = array<i32>} : memref<8192x1xf32, #tpu.memory_space<vmem>>, vector<1024x1xf32>,
      %swap3A_121 = arith.index_cast %mul3A_1 : i32 to index
      %swap3A_122 = arith.constant 0 : index
      %swap3A_123 = vector.load %arg18[%swap3A_121, %swap3A_122] : memref<8192x8xf32, #tpu.memory_space<vmem>>, vector<1024x8xf32>
      tpu.vector_store %arg18[%swap3A_121, %swap3A_122], %add3A_109 {strides = array<i32>} : memref<8192x8xf32, #tpu.memory_space<vmem>>, vector<1024x8xf32>,
      %get3A_124 = arith.constant 0 : index
      %get3A_125 = arith.constant 0 : index
      %get3A_126 = vector.load %arg12[%get3A_124, %get3A_125] : memref<1x8xf32, #tpu.memory_space<vmem>>, vector<1x8xf32>
      %reduce_sum3A_127 = arith.constant dense<0.000000e+00> : vector<8xf32>
      %reduce_sum3A_128 = vector.multi_reduction <add>, %add3A_109, %reduce_sum3A_127 [0] : vector<1024x8xf32> to vector<8xf32>
      %broadcast_in_dim3A_129 = vector.shape_cast %reduce_sum3A_128 : vector<8xf32> to vector<1x8xf32>
      %add3A_130 = arith.addf %get3A_126, %broadcast_in_dim3A_129 : vector<1x8xf32>
      %swap3A_131 = arith.constant 0 : index
      %swap3A_132 = arith.constant 0 : index
      %swap3A_133 = vector.load %arg12[%swap3A_131, %swap3A_132] : memref<1x8xf32, #tpu.memory_space<vmem>>, vector<1x8xf32>
      tpu.vector_store %arg12[%swap3A_131, %swap3A_132], %add3A_130 {strides = array<i32>} : memref<1x8xf32, #tpu.memory_space<vmem>>, vector<1x8xf32>,
    } else {
    }
    %eq3A_8 = arith.constant 8 : i32
    %eq3A_9 = arith.cmpi eq, %arg0, %eq3A_8 : i32
    %convert_element_type3A_10 = arith.extui %eq3A_9 : i1 to i32
    %cond3A_11 = arith.constant 0 : i32
    %cond3A_12 = arith.cmpi ne, %convert_element_type3A_10, %cond3A_11 : i32
    scf.if %cond3A_12 {
      %get3A = arith.constant 0 : index
      %get3A_17 = arith.constant 0 : index
      %get3A_18 = vector.load %arg12[%get3A, %get3A_17] : memref<1x8xf32, #tpu.memory_space<vmem>>, vector<1x8xf32>
      %div3A = arith.constant 1.638400e+04 : f32
      %div3A_19 = vector.broadcast %div3A : f32 to vector<1x8xf32>
      %div3A_20 = arith.divf %get3A_18, %div3A_19 : vector<1x8xf32>
      %swap3A = arith.constant 0 : index
      %swap3A_21 = arith.constant 0 : index
      %swap3A_22 = vector.load %arg9[%swap3A, %swap3A_21] : memref<1x8xf32, #tpu.memory_space<vmem>>, vector<1x8xf32>
      tpu.vector_store %arg9[%swap3A, %swap3A_21], %div3A_20 {strides = array<i32>} : memref<1x8xf32, #tpu.memory_space<vmem>>, vector<1x8xf32>,
      %convert_element_type3A_23 = arith.fptosi %get3A_18 : vector<1x8xf32> to vector<1x8xi32>
      %add3A = arith.constant 511 : i32
      %add3A_24 = vector.broadcast %add3A : i32 to vector<1x8xi32>
      %add3A_25 = arith.addi %convert_element_type3A_23, %add3A_24 : vector<1x8xi32>
      %shift_right_logical3A = arith.constant 9 : i32
      %shift_right_logical3A_26 = vector.broadcast %shift_right_logical3A : i32 to vector<1x8xi32>
      %shift_right_logical3A_27 = arith.shrui %add3A_25, %shift_right_logical3A_26 : vector<1x8xi32>
      %iota3A = tpu.iota {dimensions = array<i32: 0>} : vector<8x8xi32>
      %iota3A_28 = tpu.iota {dimensions = array<i32: 1>} : vector<8x8xi32>
      %lt3A_29 = arith.cmpi slt, %iota3A, %iota3A_28 : vector<8x8xi32>
      %convert_element_type3A_30 = arith.extui %lt3A_29 : vector<8x8xi1> to vector<8x8xi32>
      %convert_element_type3A_31 = arith.sitofp %convert_element_type3A_30 : vector<8x8xi32> to vector<8x8xf32>
      %convert_element_type3A_32 = arith.sitofp %shift_right_logical3A_27 : vector<1x8xi32> to vector<1x8xf32>
      %dot_general3A = arith.constant dense<0.000000e+00> : vector<1x8xf32>
      %dot_general3A_33 = tpu.matmul %convert_element_type3A_32, %convert_element_type3A_31, %dot_general3A {dimension_numbers = #tpu.dot_dimension_numbers<[1], [0], [0], [1], [0, 0, 1, 1], [], []>, transpose_lhs_hint = false} : vector<1x8xf32>, vector<8x8xf32>, vector<1x8xf32> -> vector<1x8xf32>
      %convert_element_type3A_34 = arith.fptosi %dot_general3A_33 : vector<1x8xf32> to vector<1x8xi32>
      %mul3A_35 = arith.constant 512 : i32
      %mul3A_36 = vector.broadcast %mul3A_35 : i32 to vector<1x8xi32>
      %mul3A_37 = arith.muli %convert_element_type3A_34, %mul3A_36 : vector<1x8xi32>
      %convert_element_type3A_38 = arith.sitofp %mul3A_37 : vector<1x8xi32> to vector<1x8xf32>
      %swap3A_39 = arith.constant 0 : index
      %swap3A_40 = arith.constant 0 : index
      %swap3A_41 = vector.load %arg13[%swap3A_39, %swap3A_40] : memref<1x8xf32, #tpu.memory_space<vmem>>, vector<1x8xf32>
      tpu.vector_store %arg13[%swap3A_39, %swap3A_40], %convert_element_type3A_38 {strides = array<i32>} : memref<1x8xf32, #tpu.memory_space<vmem>>, vector<1x8xf32>,
      %slice3A = vector.extract_strided_slice %convert_element_type3A_34 {offsets = [0, 7], sizes = [1, 1], strides = [1, 1]} : vector<1x8xi32> to vector<1x1xi32>
      %squeeze3A = vector.extract %slice3A[0, 0] : i32 from vector<1x1xi32>
      %slice3A_42 = vector.extract_strided_slice %shift_right_logical3A_27 {offsets = [0, 7], sizes = [1, 1], strides = [1, 1]} : vector<1x8xi32> to vector<1x1xi32>
      %squeeze3A_43 = vector.extract %slice3A_42[0, 0] : i32 from vector<1x1xi32>
      %add3A_44 = arith.addi %squeeze3A, %squeeze3A_43 : i32
      %iota3A_45 = tpu.iota {dimensions = array<i32: 1>} : vector<1x40xi32>
      %broadcast_in_dim3A = arith.constant 0 : i32
      %broadcast_in_dim3A_46 = vector.broadcast %broadcast_in_dim3A : i32 to vector<1x40xi32>
      %slice3A_47 = vector.extract_strided_slice %convert_element_type3A_34 {offsets = [0, 0], sizes = [1, 1], strides = [1, 1]} : vector<1x8xi32> to vector<1x1xi32>
      %squeeze3A_48 = vector.extract %slice3A_47[0, 0] : i32 from vector<1x1xi32>
      %ge3A_49 = vector.broadcast %squeeze3A_48 : i32 to vector<1x40xi32>
      %ge3A_50 = arith.cmpi sge, %iota3A_45, %ge3A_49 : vector<1x40xi32>
      %convert_element_type3A_51 = arith.extui %ge3A_50 : vector<1x40xi1> to vector<1x40xi32>
      %add3A_52 = arith.addi %broadcast_in_dim3A_46, %convert_element_type3A_51 : vector<1x40xi32>
      %slice3A_53 = vector.extract_strided_slice %convert_element_type3A_34 {offsets = [0, 1], sizes = [1, 1], strides = [1, 1]} : vector<1x8xi32> to vector<1x1xi32>
      %squeeze3A_54 = vector.extract %slice3A_53[0, 0] : i32 from vector<1x1xi32>
      %ge3A_55 = vector.broadcast %squeeze3A_54 : i32 to vector<1x40xi32>
      %ge3A_56 = arith.cmpi sge, %iota3A_45, %ge3A_55 : vector<1x40xi32>
      %convert_element_type3A_57 = arith.extui %ge3A_56 : vector<1x40xi1> to vector<1x40xi32>
      %add3A_58 = arith.addi %add3A_52, %convert_element_type3A_57 : vector<1x40xi32>
      %slice3A_59 = vector.extract_strided_slice %convert_element_type3A_34 {offsets = [0, 2], sizes = [1, 1], strides = [1, 1]} : vector<1x8xi32> to vector<1x1xi32>
      %squeeze3A_60 = vector.extract %slice3A_59[0, 0] : i32 from vector<1x1xi32>
      %ge3A_61 = vector.broadcast %squeeze3A_60 : i32 to vector<1x40xi32>
      %ge3A_62 = arith.cmpi sge, %iota3A_45, %ge3A_61 : vector<1x40xi32>
      %convert_element_type3A_63 = arith.extui %ge3A_62 : vector<1x40xi1> to vector<1x40xi32>
      %add3A_64 = arith.addi %add3A_58, %convert_element_type3A_63 : vector<1x40xi32>
      %slice3A_65 = vector.extract_strided_slice %convert_element_type3A_34 {offsets = [0, 3], sizes = [1, 1], strides = [1, 1]} : vector<1x8xi32> to vector<1x1xi32>
      %squeeze3A_66 = vector.extract %slice3A_65[0, 0] : i32 from vector<1x1xi32>
      %ge3A_67 = vector.broadcast %squeeze3A_66 : i32 to vector<1x40xi32>
      %ge3A_68 = arith.cmpi sge, %iota3A_45, %ge3A_67 : vector<1x40xi32>
      %convert_element_type3A_69 = arith.extui %ge3A_68 : vector<1x40xi1> to vector<1x40xi32>
      %add3A_70 = arith.addi %add3A_64, %convert_element_type3A_69 : vector<1x40xi32>
      %slice3A_71 = vector.extract_strided_slice %convert_element_type3A_34 {offsets = [0, 4], sizes = [1, 1], strides = [1, 1]} : vector<1x8xi32> to vector<1x1xi32>
      %squeeze3A_72 = vector.extract %slice3A_71[0, 0] : i32 from vector<1x1xi32>
      %ge3A_73 = vector.broadcast %squeeze3A_72 : i32 to vector<1x40xi32>
      %ge3A_74 = arith.cmpi sge, %iota3A_45, %ge3A_73 : vector<1x40xi32>
      %convert_element_type3A_75 = arith.extui %ge3A_74 : vector<1x40xi1> to vector<1x40xi32>
      %add3A_76 = arith.addi %add3A_70, %convert_element_type3A_75 : vector<1x40xi32>
      %slice3A_77 = vector.extract_strided_slice %convert_element_type3A_34 {offsets = [0, 5], sizes = [1, 1], strides = [1, 1]} : vector<1x8xi32> to vector<1x1xi32>
      %squeeze3A_78 = vector.extract %slice3A_77[0, 0] : i32 from vector<1x1xi32>
      %ge3A_79 = vector.broadcast %squeeze3A_78 : i32 to vector<1x40xi32>
      %ge3A_80 = arith.cmpi sge, %iota3A_45, %ge3A_79 : vector<1x40xi32>
      %convert_element_type3A_81 = arith.extui %ge3A_80 : vector<1x40xi1> to vector<1x40xi32>
      %add3A_82 = arith.addi %add3A_76, %convert_element_type3A_81 : vector<1x40xi32>
      %slice3A_83 = vector.extract_strided_slice %convert_element_type3A_34 {offsets = [0, 6], sizes = [1, 1], strides = [1, 1]} : vector<1x8xi32> to vector<1x1xi32>
      %squeeze3A_84 = vector.extract %slice3A_83[0, 0] : i32 from vector<1x1xi32>
      %ge3A_85 = vector.broadcast %squeeze3A_84 : i32 to vector<1x40xi32>
      %ge3A_86 = arith.cmpi sge, %iota3A_45, %ge3A_85 : vector<1x40xi32>
      %convert_element_type3A_87 = arith.extui %ge3A_86 : vector<1x40xi1> to vector<1x40xi32>
      %add3A_88 = arith.addi %add3A_82, %convert_element_type3A_87 : vector<1x40xi32>
      %slice3A_89 = vector.extract_strided_slice %convert_element_type3A_34 {offsets = [0, 7], sizes = [1, 1], strides = [1, 1]} : vector<1x8xi32> to vector<1x1xi32>
      %squeeze3A_90 = vector.extract %slice3A_89[0, 0] : i32 from vector<1x1xi32>
      %ge3A_91 = vector.broadcast %squeeze3A_90 : i32 to vector<1x40xi32>
      %ge3A_92 = arith.cmpi sge, %iota3A_45, %ge3A_91 : vector<1x40xi32>
      %convert_element_type3A_93 = arith.extui %ge3A_92 : vector<1x40xi1> to vector<1x40xi32>
      %add3A_94 = arith.addi %add3A_88, %convert_element_type3A_93 : vector<1x40xi32>
      %sub3A = arith.constant 1 : i32
      %sub3A_95 = vector.broadcast %sub3A : i32 to vector<1x40xi32>
      %sub3A_96 = arith.subi %add3A_94, %sub3A_95 : vector<1x40xi32>
      %lt3A_97 = vector.broadcast %add3A_44 : i32 to vector<1x40xi32>
      %lt3A_98 = arith.cmpi slt, %iota3A_45, %lt3A_97 : vector<1x40xi32>
      %convert_element_type3A_99 = arith.extui %lt3A_98 : vector<1x40xi1> to vector<1x40xi32>
      %eq3A_100 = arith.constant 1 : i32
      %eq3A_101 = vector.broadcast %eq3A_100 : i32 to vector<1x40xi32>
      %eq3A_102 = arith.cmpi eq, %convert_element_type3A_99, %eq3A_101 : vector<1x40xi32>
      %jit3A = arith.constant 7 : i32
      %broadcast_in_dim3A_103 = vector.broadcast %jit3A : i32 to vector<1x40xi32>
      %select_n3A = arith.select %eq3A_102, %sub3A_96, %broadcast_in_dim3A_103 : vector<1x40xi1>, vector<1x40xi32>
      %swap3A_104 = arith.constant 0 : index
      %swap3A_105 = arith.constant 0 : index
      %swap3A_106 = vector.load %arg10[%swap3A_104, %swap3A_105] : memref<1x40xi32, #tpu.memory_space<vmem>>, vector<1x40xi32>
      tpu.vector_store %arg10[%swap3A_104, %swap3A_105], %select_n3A {strides = array<i32>} : memref<1x40xi32, #tpu.memory_space<vmem>>, vector<1x40xi32>,
      %swap3A_107 = arith.constant 0 : index
      %swap3A_108 = arith.constant 0 : index
      %swap3A_109 = vector.load %arg11[%swap3A_107, %swap3A_108] : memref<1x40xi32, #tpu.memory_space<vmem>>, vector<1x40xi32>
      tpu.vector_store %arg11[%swap3A_107, %swap3A_108], %convert_element_type3A_99 {strides = array<i32>} : memref<1x40xi32, #tpu.memory_space<vmem>>, vector<1x40xi32>,
      %broadcast_in_dim3A_110 = arith.constant 0.000000e+00 : f32
      %broadcast_in_dim3A_111 = vector.broadcast %broadcast_in_dim3A_110 : f32 to vector<1x8xf32>
      %swap3A_112 = arith.constant 0 : index
      %swap3A_113 = arith.constant 0 : index
      %swap3A_114 = vector.load %arg12[%swap3A_112, %swap3A_113] : memref<1x8xf32, #tpu.memory_space<vmem>>, vector<1x8xf32>
      tpu.vector_store %arg12[%swap3A_112, %swap3A_113], %broadcast_in_dim3A_111 {strides = array<i32>} : memref<1x8xf32, #tpu.memory_space<vmem>>, vector<1x8xf32>,
    } else {
    }
    %ge3A = arith.constant 8 : i32
    %ge3A_13 = arith.cmpi sge, %arg0, %ge3A : i32
    %convert_element_type3A_14 = arith.extui %ge3A_13 : i1 to i32
    %cond3A_15 = arith.constant 0 : i32
    %cond3A_16 = arith.cmpi ne, %convert_element_type3A_14, %cond3A_15 : i32
    scf.if %cond3A_16 {
      %get3A = arith.index_cast %mul3A_1 : i32 to index
      %get3A_17 = arith.constant 0 : index
      %get3A_18 = vector.load %arg14[%get3A, %get3A_17] : memref<8192x1xi32, #tpu.memory_space<vmem>>, vector<1024x1xi32>
      %get3A_19 = arith.index_cast %mul3A_1 : i32 to index
      %get3A_20 = arith.constant 0 : index
      %get3A_21 = vector.load %arg15[%get3A_19, %get3A_20] : memref<8192x1xi32, #tpu.memory_space<vmem>>, vector<1024x1xi32>
      %get3A_22 = arith.index_cast %mul3A_1 : i32 to index
      %get3A_23 = arith.constant 0 : index
      %get3A_24 = vector.load %arg16[%get3A_22, %get3A_23] : memref<8192x1xf32, #tpu.memory_space<vmem>>, vector<1024x1xf32>
      %get3A_25 = arith.index_cast %mul3A_1 : i32 to index
      %get3A_26 = arith.constant 0 : index
      %get3A_27 = vector.load %arg17[%get3A_25, %get3A_26] : memref<8192x1xf32, #tpu.memory_space<vmem>>, vector<1024x1xf32>
      %get3A_28 = arith.index_cast %mul3A_1 : i32 to index
      %get3A_29 = arith.constant 0 : index
      %get3A_30 = vector.load %arg18[%get3A_28, %get3A_29] : memref<8192x8xf32, #tpu.memory_space<vmem>>, vector<1024x8xf32>
      %iota3A = tpu.iota {dimensions = array<i32: 1>} : vector<1024x8xi32>
      %eq3A_31 = vector.broadcast %get3A_18 : vector<1024x1xi32> to vector<1024x8xi32>
      %eq3A_32 = arith.cmpi eq, %eq3A_31, %iota3A : vector<1024x8xi32>
      %convert_element_type3A_33 = arith.extui %eq3A_32 : vector<1024x8xi1> to vector<1024x8xi32>
      %convert_element_type3A_34 = arith.sitofp %convert_element_type3A_33 : vector<1024x8xi32> to vector<1024x8xf32>
      %eq3A_35 = vector.broadcast %get3A_21 : vector<1024x1xi32> to vector<1024x8xi32>
      %eq3A_36 = arith.cmpi eq, %eq3A_35, %iota3A : vector<1024x8xi32>
      %convert_element_type3A_37 = arith.extui %eq3A_36 : vector<1024x8xi1> to vector<1024x8xi32>
      %convert_element_type3A_38 = arith.sitofp %convert_element_type3A_37 : vector<1024x8xi32> to vector<1024x8xf32>
      %sub3A = arith.subf %get3A_27, %get3A_24 : vector<1024x1xf32>
      %exp3A = math.exp %sub3A : vector<1024x1xf32>
      %add3A = arith.constant 1.000000e+00 : f32
      %add3A_39 = vector.broadcast %add3A : f32 to vector<1024x1xf32>
      %add3A_40 = arith.addf %add3A_39, %exp3A : vector<1024x1xf32>
      %div3A = arith.constant 1.000000e+00 : f32
      %div3A_41 = vector.broadcast %div3A : f32 to vector<1024x1xf32>
      %div3A_42 = arith.divf %div3A_41, %add3A_40 : vector<1024x1xf32>
      %swap3A = arith.constant 0 : index
      %swap3A_43 = arith.constant 0 : index
      %swap3A_44 = vector.load %arg7[%swap3A, %swap3A_43] : memref<1024x1xf32, #tpu.memory_space<vmem>>, vector<1024x1xf32>
      tpu.vector_store %arg7[%swap3A, %swap3A_43], %div3A_42 {strides = array<i32>} : memref<1024x1xf32, #tpu.memory_space<vmem>>, vector<1024x1xf32>,
      %sub3A_45 = arith.constant 1.000000e+00 : f32
      %sub3A_46 = vector.broadcast %sub3A_45 : f32 to vector<1024x1xf32>
      %sub3A_47 = arith.subf %sub3A_46, %div3A_42 : vector<1024x1xf32>
      %swap3A_48 = arith.constant 0 : index
      %swap3A_49 = arith.constant 0 : index
      %swap3A_50 = vector.load %arg8[%swap3A_48, %swap3A_49] : memref<1024x1xf32, #tpu.memory_space<vmem>>, vector<1024x1xf32>
      tpu.vector_store %arg8[%swap3A_48, %swap3A_49], %sub3A_47 {strides = array<i32>} : memref<1024x1xf32, #tpu.memory_space<vmem>>, vector<1024x1xf32>,
      %get3A_51 = arith.constant 0 : index
      %get3A_52 = arith.constant 0 : index
      %get3A_53 = vector.load %arg12[%get3A_51, %get3A_52] : memref<1x8xf32, #tpu.memory_space<vmem>>, vector<1x8xf32>
      %get3A_54 = arith.constant 0 : index
      %get3A_55 = arith.constant 0 : index
      %get3A_56 = vector.load %arg13[%get3A_54, %get3A_55] : memref<1x8xf32, #tpu.memory_space<vmem>>, vector<1x8xf32>
      %add3A_57 = arith.addf %get3A_53, %get3A_56 : vector<1x8xf32>
      %iota3A_58 = tpu.iota {dimensions = array<i32: 0>} : vector<1024x1024xi32>
      %iota3A_59 = tpu.iota {dimensions = array<i32: 1>} : vector<1024x1024xi32>
      %lt3A_60 = arith.cmpi slt, %iota3A_59, %iota3A_58 : vector<1024x1024xi32>
      %convert_element_type3A_61 = arith.extui %lt3A_60 : vector<1024x1024xi1> to vector<1024x1024xi32>
      %convert_element_type3A_62 = arith.sitofp %convert_element_type3A_61 : vector<1024x1024xi32> to vector<1024x1024xf32>
      %dot_general3A = arith.constant dense<0.000000e+00> : vector<1024x8xf32>
      %dot_general3A_63 = tpu.matmul %convert_element_type3A_62, %get3A_30, %dot_general3A {dimension_numbers = #tpu.dot_dimension_numbers<[1], [0], [0], [1], [0, 0, 1, 1], [], []>, transpose_lhs_hint = false} : vector<1024x1024xf32>, vector<1024x8xf32>, vector<1024x8xf32> -> vector<1024x8xf32>
      %add3A_64 = vector.broadcast %add3A_57 : vector<1x8xf32> to vector<1024x8xf32>
      %add3A_65 = arith.addf %dot_general3A_63, %add3A_64 : vector<1024x8xf32>
      %mul3A_66 = arith.mulf %add3A_65, %convert_element_type3A_34 : vector<1024x8xf32>
      %reduce_sum3A = arith.constant dense<0.000000e+00> : vector<1024xf32>
      %reduce_sum3A_67 = vector.multi_reduction <add>, %mul3A_66, %reduce_sum3A [1] : vector<1024x8xf32> to vector<1024xf32>
      %broadcast_in_dim3A = vector.shape_cast %reduce_sum3A_67 : vector<1024xf32> to vector<1024x1xf32>
      %mul3A_68 = arith.mulf %add3A_65, %convert_element_type3A_38 : vector<1024x8xf32>
      %reduce_sum3A_69 = arith.constant dense<0.000000e+00> : vector<1024xf32>
      %reduce_sum3A_70 = vector.multi_reduction <add>, %mul3A_68, %reduce_sum3A_69 [1] : vector<1024x8xf32> to vector<1024xf32>
      %broadcast_in_dim3A_71 = vector.shape_cast %reduce_sum3A_70 : vector<1024xf32> to vector<1024x1xf32>
      %convert_element_type3A_72 = arith.fptosi %broadcast_in_dim3A : vector<1024x1xf32> to vector<1024x1xi32>
      %swap3A_73 = arith.constant 0 : index
      %swap3A_74 = arith.constant 0 : index
      %swap3A_75 = vector.load %arg5[%swap3A_73, %swap3A_74] : memref<1024x1xi32, #tpu.memory_space<vmem>>, vector<1024x1xi32>
      tpu.vector_store %arg5[%swap3A_73, %swap3A_74], %convert_element_type3A_72 {strides = array<i32>} : memref<1024x1xi32, #tpu.memory_space<vmem>>, vector<1024x1xi32>,
      %convert_element_type3A_76 = arith.fptosi %broadcast_in_dim3A_71 : vector<1024x1xf32> to vector<1024x1xi32>
      %swap3A_77 = arith.constant 0 : index
      %swap3A_78 = arith.constant 0 : index
      %swap3A_79 = vector.load %arg6[%swap3A_77, %swap3A_78] : memref<1024x1xi32, #tpu.memory_space<vmem>>, vector<1024x1xi32>
      tpu.vector_store %arg6[%swap3A_77, %swap3A_78], %convert_element_type3A_76 {strides = array<i32>} : memref<1024x1xi32, #tpu.memory_space<vmem>>, vector<1024x1xi32>,
      %get3A_80 = arith.constant 0 : index
      %get3A_81 = arith.constant 0 : index
      %get3A_82 = vector.load %arg12[%get3A_80, %get3A_81] : memref<1x8xf32, #tpu.memory_space<vmem>>, vector<1x8xf32>
      %reduce_sum3A_83 = arith.constant dense<0.000000e+00> : vector<8xf32>
      %reduce_sum3A_84 = vector.multi_reduction <add>, %get3A_30, %reduce_sum3A_83 [0] : vector<1024x8xf32> to vector<8xf32>
      %broadcast_in_dim3A_85 = vector.shape_cast %reduce_sum3A_84 : vector<8xf32> to vector<1x8xf32>
      %add3A_86 = arith.addf %get3A_82, %broadcast_in_dim3A_85 : vector<1x8xf32>
      %swap3A_87 = arith.constant 0 : index
      %swap3A_88 = arith.constant 0 : index
      %swap3A_89 = vector.load %arg12[%swap3A_87, %swap3A_88] : memref<1x8xf32, #tpu.memory_space<vmem>>, vector<1x8xf32>
      tpu.vector_store %arg12[%swap3A_87, %swap3A_88], %add3A_86 {strides = array<i32>} : memref<1x8xf32, #tpu.memory_space<vmem>>, vector<1x8xf32>,
    } else {
    }
    return
  }
  func.func @transform_0(%arg0: i32, %arg1: memref<1xi32, #tpu.memory_space<smem>>) -> (i32, i32) {
    %min3A = arith.constant 7 : i32
    %min3A_0 = arith.minsi %arg0, %min3A : i32
    %c0_i32 = arith.constant 0 : i32
    %c0_i32_1 = arith.constant 0 : i32
    return %min3A_0, %c0_i32 : i32, i32
  }
  func.func @transform_1(%arg0: i32, %arg1: memref<1xi32, #tpu.memory_space<smem>>) -> (i32, i32, i32) {
    %get3A = arith.constant 0 : index
    %get3A_0 = memref.load %arg1[%get3A] : memref<1xi32, #tpu.memory_space<smem>>
    %c0_i32 = arith.constant 0 : i32
    %c0_i32_1 = arith.constant 0 : i32
    %c0_i32_2 = arith.constant 0 : i32
    return %get3A_0, %c0_i32, %c0_i32_1 : i32, i32, i32
  }
  func.func @transform_2(%arg0: i32, %arg1: memref<1xi32, #tpu.memory_space<smem>>) -> (i32, i32) {
    %c0_i32 = arith.constant 0 : i32
    %c0_i32_0 = arith.constant 0 : i32
    %c0_i32_1 = arith.constant 0 : i32
    return %c0_i32, %c0_i32_0 : i32, i32
  }
  func.func @transform_3(%arg0: i32, %arg1: memref<1xi32, #tpu.memory_space<smem>>) -> (i32, i32) {
    %rem3A = arith.constant 8 : i32
    %rem3A_0 = arith.remsi %arg0, %rem3A : i32
    %c0_i32 = arith.constant 0 : i32
    %c0_i32_1 = arith.constant 0 : i32
    return %rem3A_0, %c0_i32 : i32, i32
  }
  func.func @transform_4(%arg0: i32, %arg1: memref<1xi32, #tpu.memory_space<smem>>) -> (i32, i32) {
    %rem3A = arith.constant 8 : i32
    %rem3A_0 = arith.remsi %arg0, %rem3A : i32
    %c0_i32 = arith.constant 0 : i32
    %c0_i32_1 = arith.constant 0 : i32
    return %rem3A_0, %c0_i32 : i32, i32
  }
  func.func @transform_5(%arg0: i32, %arg1: memref<1xi32, #tpu.memory_space<smem>>) -> (i32, i32) {
    %rem3A = arith.constant 8 : i32
    %rem3A_0 = arith.remsi %arg0, %rem3A : i32
    %c0_i32 = arith.constant 0 : i32
    %c0_i32_1 = arith.constant 0 : i32
    return %rem3A_0, %c0_i32 : i32, i32
  }
  func.func @transform_6(%arg0: i32, %arg1: memref<1xi32, #tpu.memory_space<smem>>) -> (i32, i32) {
    %rem3A = arith.constant 8 : i32
    %rem3A_0 = arith.remsi %arg0, %rem3A : i32
    %c0_i32 = arith.constant 0 : i32
    %c0_i32_1 = arith.constant 0 : i32
    return %rem3A_0, %c0_i32 : i32, i32
  }
  func.func @transform_7(%arg0: i32, %arg1: memref<1xi32, #tpu.memory_space<smem>>) -> (i32, i32) {
    %c0_i32 = arith.constant 0 : i32
    %c0_i32_0 = arith.constant 0 : i32
    %c0_i32_1 = arith.constant 0 : i32
    return %c0_i32, %c0_i32_0 : i32, i32
  }
  func.func @transform_8(%arg0: i32, %arg1: memref<1xi32, #tpu.memory_space<smem>>) -> (i32, i32) {
    %c0_i32 = arith.constant 0 : i32
    %c0_i32_0 = arith.constant 0 : i32
    %c0_i32_1 = arith.constant 0 : i32
    return %c0_i32, %c0_i32_0 : i32, i32
  }
  func.func @transform_9(%arg0: i32, %arg1: memref<1xi32, #tpu.memory_space<smem>>) -> (i32, i32) {
    %c0_i32 = arith.constant 0 : i32
    %c0_i32_0 = arith.constant 0 : i32
    %c0_i32_1 = arith.constant 0 : i32
    return %c0_i32, %c0_i32_0 : i32, i32
  }
}

module attributes {stable_mosaic.version = 14 : i64} {
  func.func @_expert_body(%arg0: i32, %arg1: memref<40xi32, #tpu.memory_space<smem>>, %arg2: memref<40xi32, #tpu.memory_space<smem>>, %arg3: memref<512x768xf32, #tpu.memory_space<vmem>>, %arg4: memref<8x768x768xbf16, #tpu.memory_space<vmem>>, %arg5: memref<8x1x768xf32, #tpu.memory_space<vmem>>, %arg6: memref<8x768x768xbf16, #tpu.memory_space<vmem>>, %arg7: memref<8x1x768xf32, #tpu.memory_space<vmem>>, %arg8: memref<512x768xf32, #tpu.memory_space<vmem>>) attributes {dimension_semantics = [#tpu.dimension_semantics<arbitrary>], iteration_bounds = array<i64: 40>, scalar_prefetch = 2 : i64, scratch_operands = 0 : i64, tpu.core_type = #tpu.core_type<tc>, window_params = [{transform_indices = @transform_0, window_bounds = array<i64: 512, 768>}, {pipeline_mode = #tpu.pipeline_mode<synchronous>, transform_indices = @transform_1, window_bounds = array<i64: 8, 768, 768>}, {pipeline_mode = #tpu.pipeline_mode<synchronous>, transform_indices = @transform_2, window_bounds = array<i64: 8, 1, 768>}, {pipeline_mode = #tpu.pipeline_mode<synchronous>, transform_indices = @transform_3, window_bounds = array<i64: 8, 768, 768>}, {pipeline_mode = #tpu.pipeline_mode<synchronous>, transform_indices = @transform_4, window_bounds = array<i64: 8, 1, 768>}, {transform_indices = @transform_5, window_bounds = array<i64: 512, 768>}]} {
    %get3A = arith.index_cast %arg0 : i32 to index
    %get3A_0 = memref.load %arg2[%get3A] : memref<40xi32, #tpu.memory_space<smem>>
    %eq3A = arith.constant 1 : i32
    %eq3A_1 = arith.cmpi eq, %get3A_0, %eq3A : i32
    %convert_element_type3A = arith.extui %eq3A_1 : i1 to i32
    %cond3A = arith.constant 0 : i32
    %cond3A_2 = arith.cmpi ne, %convert_element_type3A, %cond3A : i32
    scf.if %cond3A_2 {
      %get3A_3 = arith.index_cast %arg0 : i32 to index
      %get3A_4 = memref.load %arg1[%get3A_3] : memref<40xi32, #tpu.memory_space<smem>>
      %get3A_5 = arith.constant 0 : index
      %get3A_6 = arith.constant 0 : index
      %get3A_7 = vector.load %arg3[%get3A_5, %get3A_6] : memref<512x768xf32, #tpu.memory_space<vmem>>, vector<512x768xf32>
      %convert_element_type3A_8 = arith.truncf %get3A_7 : vector<512x768xf32> to vector<512x768xbf16>
      %get3A_9 = arith.index_cast %get3A_4 : i32 to index
      %get3A_10 = arith.constant 0 : index
      %get3A_11 = arith.constant 0 : index
      %get3A_12 = vector.load %arg4[%get3A_9, %get3A_10, %get3A_11] : memref<8x768x768xbf16, #tpu.memory_space<vmem>>, vector<1x768x768xbf16>
      %squeeze3A = vector.shape_cast %get3A_12 : vector<1x768x768xbf16> to vector<768x768xbf16>
      %dot_general3A = arith.constant dense<0.000000e+00> : vector<512x768xf32>
      %dot_general3A_13 = tpu.matmul %convert_element_type3A_8, %squeeze3A, %dot_general3A {dimension_numbers = #tpu.dot_dimension_numbers<[1], [0], [0], [1], [0, 0, 1, 1], [], []>, transpose_lhs_hint = false} : vector<512x768xbf16>, vector<768x768xbf16>, vector<512x768xf32> -> vector<512x768xf32>
      %get3A_14 = arith.index_cast %get3A_4 : i32 to index
      %get3A_15 = arith.constant 0 : index
      %get3A_16 = arith.constant 0 : index
      %get3A_17 = vector.load %arg5[%get3A_14, %get3A_15, %get3A_16] : memref<8x1x768xf32, #tpu.memory_space<vmem>>, vector<1x1x768xf32>
      %squeeze3A_18 = vector.shape_cast %get3A_17 : vector<1x1x768xf32> to vector<1x768xf32>
      %add3A = vector.broadcast %squeeze3A_18 : vector<1x768xf32> to vector<512x768xf32>
      %add3A_19 = arith.addf %dot_general3A_13, %add3A : vector<512x768xf32>
      %mul3A = arith.constant 5.000000e-01 : f32
      %mul3A_20 = vector.broadcast %mul3A : f32 to vector<512x768xf32>
      %mul3A_21 = arith.mulf %add3A_19, %mul3A_20 : vector<512x768xf32>
      %mul3A_22 = arith.constant 0.707106769 : f32
      %mul3A_23 = vector.broadcast %mul3A_22 : f32 to vector<512x768xf32>
      %mul3A_24 = arith.mulf %add3A_19, %mul3A_23 : vector<512x768xf32>
      %erf3A = math.erf %mul3A_24 : vector<512x768xf32>
      %add3A_25 = arith.constant 1.000000e+00 : f32
      %add3A_26 = vector.broadcast %add3A_25 : f32 to vector<512x768xf32>
      %add3A_27 = arith.addf %add3A_26, %erf3A : vector<512x768xf32>
      %mul3A_28 = arith.mulf %mul3A_21, %add3A_27 : vector<512x768xf32>
      %convert_element_type3A_29 = arith.truncf %mul3A_28 : vector<512x768xf32> to vector<512x768xbf16>
      %get3A_30 = arith.index_cast %get3A_4 : i32 to index
      %get3A_31 = arith.constant 0 : index
      %get3A_32 = arith.constant 0 : index
      %get3A_33 = vector.load %arg6[%get3A_30, %get3A_31, %get3A_32] : memref<8x768x768xbf16, #tpu.memory_space<vmem>>, vector<1x768x768xbf16>
      %squeeze3A_34 = vector.shape_cast %get3A_33 : vector<1x768x768xbf16> to vector<768x768xbf16>
      %dot_general3A_35 = arith.constant dense<0.000000e+00> : vector<512x768xf32>
      %dot_general3A_36 = tpu.matmul %convert_element_type3A_29, %squeeze3A_34, %dot_general3A_35 {dimension_numbers = #tpu.dot_dimension_numbers<[1], [0], [0], [1], [0, 0, 1, 1], [], []>, transpose_lhs_hint = false} : vector<512x768xbf16>, vector<768x768xbf16>, vector<512x768xf32> -> vector<512x768xf32>
      %get3A_37 = arith.index_cast %get3A_4 : i32 to index
      %get3A_38 = arith.constant 0 : index
      %get3A_39 = arith.constant 0 : index
      %get3A_40 = vector.load %arg7[%get3A_37, %get3A_38, %get3A_39] : memref<8x1x768xf32, #tpu.memory_space<vmem>>, vector<1x1x768xf32>
      %squeeze3A_41 = vector.shape_cast %get3A_40 : vector<1x1x768xf32> to vector<1x768xf32>
      %add3A_42 = vector.broadcast %squeeze3A_41 : vector<1x768xf32> to vector<512x768xf32>
      %add3A_43 = arith.addf %dot_general3A_36, %add3A_42 : vector<512x768xf32>
      %swap3A = arith.constant 0 : index
      %swap3A_44 = arith.constant 0 : index
      %swap3A_45 = vector.load %arg8[%swap3A, %swap3A_44] : memref<512x768xf32, #tpu.memory_space<vmem>>, vector<512x768xf32>
      tpu.vector_store %arg8[%swap3A, %swap3A_44], %add3A_43 {strides = array<i32>} : memref<512x768xf32, #tpu.memory_space<vmem>>, vector<512x768xf32>,
    } else {
    }
    return
  }
  func.func @transform_0(%arg0: i32, %arg1: memref<40xi32, #tpu.memory_space<smem>>, %arg2: memref<40xi32, #tpu.memory_space<smem>>) -> (i32, i32) {
    %c0_i32 = arith.constant 0 : i32
    %c0_i32_0 = arith.constant 0 : i32
    return %arg0, %c0_i32 : i32, i32
  }
  func.func @transform_1(%arg0: i32, %arg1: memref<40xi32, #tpu.memory_space<smem>>, %arg2: memref<40xi32, #tpu.memory_space<smem>>) -> (i32, i32, i32) {
    %c0_i32 = arith.constant 0 : i32
    %c0_i32_0 = arith.constant 0 : i32
    %c0_i32_1 = arith.constant 0 : i32
    %c0_i32_2 = arith.constant 0 : i32
    return %c0_i32, %c0_i32_0, %c0_i32_1 : i32, i32, i32
  }
  func.func @transform_2(%arg0: i32, %arg1: memref<40xi32, #tpu.memory_space<smem>>, %arg2: memref<40xi32, #tpu.memory_space<smem>>) -> (i32, i32, i32) {
    %c0_i32 = arith.constant 0 : i32
    %c0_i32_0 = arith.constant 0 : i32
    %c0_i32_1 = arith.constant 0 : i32
    %c0_i32_2 = arith.constant 0 : i32
    return %c0_i32, %c0_i32_0, %c0_i32_1 : i32, i32, i32
  }
  func.func @transform_3(%arg0: i32, %arg1: memref<40xi32, #tpu.memory_space<smem>>, %arg2: memref<40xi32, #tpu.memory_space<smem>>) -> (i32, i32, i32) {
    %c0_i32 = arith.constant 0 : i32
    %c0_i32_0 = arith.constant 0 : i32
    %c0_i32_1 = arith.constant 0 : i32
    %c0_i32_2 = arith.constant 0 : i32
    return %c0_i32, %c0_i32_0, %c0_i32_1 : i32, i32, i32
  }
  func.func @transform_4(%arg0: i32, %arg1: memref<40xi32, #tpu.memory_space<smem>>, %arg2: memref<40xi32, #tpu.memory_space<smem>>) -> (i32, i32, i32) {
    %c0_i32 = arith.constant 0 : i32
    %c0_i32_0 = arith.constant 0 : i32
    %c0_i32_1 = arith.constant 0 : i32
    %c0_i32_2 = arith.constant 0 : i32
    return %c0_i32, %c0_i32_0, %c0_i32_1 : i32, i32, i32
  }
  func.func @transform_5(%arg0: i32, %arg1: memref<40xi32, #tpu.memory_space<smem>>, %arg2: memref<40xi32, #tpu.memory_space<smem>>) -> (i32, i32) {
    %c0_i32 = arith.constant 0 : i32
    %c0_i32_0 = arith.constant 0 : i32
    return %arg0, %c0_i32 : i32, i32
  }
}

module attributes {stable_mosaic.version = 14 : i64} {
  func.func @_combine_body(%arg0: i32, %arg1: memref<1024x768xf32, #tpu.memory_space<vmem>>, %arg2: memref<1024x768xf32, #tpu.memory_space<vmem>>, %arg3: memref<1024x768xf32, #tpu.memory_space<vmem>>, %arg4: memref<1024x1xf32, #tpu.memory_space<vmem>>, %arg5: memref<1024x1xf32, #tpu.memory_space<vmem>>, %arg6: memref<1x768xf32, #tpu.memory_space<vmem>>, %arg7: memref<1x768xf32, #tpu.memory_space<vmem>>, %arg8: memref<1024x768xf32, #tpu.memory_space<vmem>>) attributes {dimension_semantics = [#tpu.dimension_semantics<arbitrary>], iteration_bounds = array<i64: 8>, scalar_prefetch = 0 : i64, scratch_operands = 0 : i64, tpu.core_type = #tpu.core_type<tc>, window_params = [{transform_indices = @transform_0, window_bounds = array<i64: 1024, 768>}, {transform_indices = @transform_1, window_bounds = array<i64: 1024, 768>}, {transform_indices = @transform_2, window_bounds = array<i64: 1024, 768>}, {transform_indices = @transform_3, window_bounds = array<i64: 1024, 1>}, {transform_indices = @transform_4, window_bounds = array<i64: 1024, 1>}, {pipeline_mode = #tpu.pipeline_mode<synchronous>, transform_indices = @transform_5, window_bounds = array<i64: 1, 768>}, {pipeline_mode = #tpu.pipeline_mode<synchronous>, transform_indices = @transform_6, window_bounds = array<i64: 1, 768>}, {transform_indices = @transform_7, window_bounds = array<i64: 1024, 768>}]} {
    %get3A = arith.constant 0 : index
    %get3A_0 = arith.constant 0 : index
    %get3A_1 = vector.load %arg1[%get3A, %get3A_0] : memref<1024x768xf32, #tpu.memory_space<vmem>>, vector<1024x768xf32>
    %get3A_2 = arith.constant 0 : index
    %get3A_3 = arith.constant 0 : index
    %get3A_4 = vector.load %arg4[%get3A_2, %get3A_3] : memref<1024x1xf32, #tpu.memory_space<vmem>>, vector<1024x1xf32>
    %get3A_5 = arith.constant 0 : index
    %get3A_6 = arith.constant 0 : index
    %get3A_7 = vector.load %arg2[%get3A_5, %get3A_6] : memref<1024x768xf32, #tpu.memory_space<vmem>>, vector<1024x768xf32>
    %mul3A = vector.broadcast %get3A_4 : vector<1024x1xf32> to vector<1024x768xf32>
    %mul3A_8 = arith.mulf %mul3A, %get3A_7 : vector<1024x768xf32>
    %add3A = arith.addf %get3A_1, %mul3A_8 : vector<1024x768xf32>
    %get3A_9 = arith.constant 0 : index
    %get3A_10 = arith.constant 0 : index
    %get3A_11 = vector.load %arg5[%get3A_9, %get3A_10] : memref<1024x1xf32, #tpu.memory_space<vmem>>, vector<1024x1xf32>
    %get3A_12 = arith.constant 0 : index
    %get3A_13 = arith.constant 0 : index
    %get3A_14 = vector.load %arg3[%get3A_12, %get3A_13] : memref<1024x768xf32, #tpu.memory_space<vmem>>, vector<1024x768xf32>
    %mul3A_15 = vector.broadcast %get3A_11 : vector<1024x1xf32> to vector<1024x768xf32>
    %mul3A_16 = arith.mulf %mul3A_15, %get3A_14 : vector<1024x768xf32>
    %add3A_17 = arith.addf %add3A, %mul3A_16 : vector<1024x768xf32>
    %reduce_sum3A = arith.constant dense<0.000000e+00> : vector<1024xf32>
    %reduce_sum3A_18 = vector.multi_reduction <add>, %add3A_17, %reduce_sum3A [1] : vector<1024x768xf32> to vector<1024xf32>
    %broadcast_in_dim3A = vector.shape_cast %reduce_sum3A_18 : vector<1024xf32> to vector<1024x1xf32>
    %div3A = arith.constant 7.680000e+02 : f32
    %div3A_19 = vector.broadcast %div3A : f32 to vector<1024x1xf32>
    %div3A_20 = arith.divf %broadcast_in_dim3A, %div3A_19 : vector<1024x1xf32>
    %sub3A = vector.broadcast %div3A_20 : vector<1024x1xf32> to vector<1024x768xf32>
    %sub3A_21 = arith.subf %add3A_17, %sub3A : vector<1024x768xf32>
    %mul3A_22 = arith.mulf %sub3A_21, %sub3A_21 : vector<1024x768xf32>
    %reduce_sum3A_23 = arith.constant dense<0.000000e+00> : vector<1024xf32>
    %reduce_sum3A_24 = vector.multi_reduction <add>, %mul3A_22, %reduce_sum3A_23 [1] : vector<1024x768xf32> to vector<1024xf32>
    %broadcast_in_dim3A_25 = vector.shape_cast %reduce_sum3A_24 : vector<1024xf32> to vector<1024x1xf32>
    %div3A_26 = arith.constant 7.680000e+02 : f32
    %div3A_27 = vector.broadcast %div3A_26 : f32 to vector<1024x1xf32>
    %div3A_28 = arith.divf %broadcast_in_dim3A_25, %div3A_27 : vector<1024x1xf32>
    %add3A_29 = arith.constant 9.99999974E-6 : f32
    %add3A_30 = vector.broadcast %add3A_29 : f32 to vector<1024x1xf32>
    %add3A_31 = arith.addf %div3A_28, %add3A_30 : vector<1024x1xf32>
    %rsqrt3A = math.rsqrt %add3A_31 : vector<1024x1xf32>
    %mul3A_32 = vector.broadcast %rsqrt3A : vector<1024x1xf32> to vector<1024x768xf32>
    %mul3A_33 = arith.mulf %sub3A_21, %mul3A_32 : vector<1024x768xf32>
    %get3A_34 = arith.constant 0 : index
    %get3A_35 = arith.constant 0 : index
    %get3A_36 = vector.load %arg6[%get3A_34, %get3A_35] : memref<1x768xf32, #tpu.memory_space<vmem>>, vector<1x768xf32>
    %mul3A_37 = vector.broadcast %get3A_36 : vector<1x768xf32> to vector<1024x768xf32>
    %mul3A_38 = arith.mulf %mul3A_33, %mul3A_37 : vector<1024x768xf32>
    %get3A_39 = arith.constant 0 : index
    %get3A_40 = arith.constant 0 : index
    %get3A_41 = vector.load %arg7[%get3A_39, %get3A_40] : memref<1x768xf32, #tpu.memory_space<vmem>>, vector<1x768xf32>
    %add3A_42 = vector.broadcast %get3A_41 : vector<1x768xf32> to vector<1024x768xf32>
    %add3A_43 = arith.addf %mul3A_38, %add3A_42 : vector<1024x768xf32>
    %swap3A = arith.constant 0 : index
    %swap3A_44 = arith.constant 0 : index
    %swap3A_45 = vector.load %arg8[%swap3A, %swap3A_44] : memref<1024x768xf32, #tpu.memory_space<vmem>>, vector<1024x768xf32>
    tpu.vector_store %arg8[%swap3A, %swap3A_44], %add3A_43 {strides = array<i32>} : memref<1024x768xf32, #tpu.memory_space<vmem>>, vector<1024x768xf32>,
    return
  }
  func.func @transform_0(%arg0: i32) -> (i32, i32) {
    %c0_i32 = arith.constant 0 : i32
    %c0_i32_0 = arith.constant 0 : i32
    return %arg0, %c0_i32 : i32, i32
  }
  func.func @transform_1(%arg0: i32) -> (i32, i32) {
    %c0_i32 = arith.constant 0 : i32
    %c0_i32_0 = arith.constant 0 : i32
    return %arg0, %c0_i32 : i32, i32
  }
  func.func @transform_2(%arg0: i32) -> (i32, i32) {
    %c0_i32 = arith.constant 0 : i32
    %c0_i32_0 = arith.constant 0 : i32
    return %arg0, %c0_i32 : i32, i32
  }
  func.func @transform_3(%arg0: i32) -> (i32, i32) {
    %c0_i32 = arith.constant 0 : i32
    %c0_i32_0 = arith.constant 0 : i32
    return %arg0, %c0_i32 : i32, i32
  }
  func.func @transform_4(%arg0: i32) -> (i32, i32) {
    %c0_i32 = arith.constant 0 : i32
    %c0_i32_0 = arith.constant 0 : i32
    return %arg0, %c0_i32 : i32, i32
  }
  func.func @transform_5(%arg0: i32) -> (i32, i32) {
    %c0_i32 = arith.constant 0 : i32
    %c0_i32_0 = arith.constant 0 : i32
    %c0_i32_1 = arith.constant 0 : i32
    return %c0_i32, %c0_i32_0 : i32, i32
  }
  func.func @transform_6(%arg0: i32) -> (i32, i32) {
    %c0_i32 = arith.constant 0 : i32
    %c0_i32_0 = arith.constant 0 : i32
    %c0_i32_1 = arith.constant 0 : i32
    return %c0_i32, %c0_i32_0 : i32, i32
  }
  func.func @transform_7(%arg0: i32) -> (i32, i32) {
    %c0_i32 = arith.constant 0 : i32
    %c0_i32_0 = arith.constant 0 : i32
    return %arg0, %c0_i32 : i32, i32
  }
}

</mosaic_0001>

<sc_bundles>
// kernel: kernel.10.cloned.1.call-start
scs
__scs_entry_jumppad:
0x0: {  	(pc) =	sbr.rel $0x88, $3  }
0x1: {  	(tag) =	ssettag $0x0;
	lr =	simm.s32 $0x1  }
0x2: {  	[smem:$0x3F97] =	sst lr;
	_ =	strace $0xD0000000  }
0x3: {  	_ = 	snop  }
0x4: {  	_ = 	snop  }
0x5: {  	_ = 	snop  }
0x6: {  	_ = 	snop  }
0x7: {  	_ = 	snop  }
__scs_overlays_trampoline_lowered:
0x8: {  	[smem:$0x3FA6] =	sst s0  }
0x9: {  	[smem:$0x3FA7] =	sst s1  }
0xa: {  	[smem:$0x3FA8] =	sst s2  }
0xb: {  	[smem:$0x3FA9] =	sst s3  }
0xc: {  	[smem:$0x3FAA] =	sst s4  }
0xd: {  	[smem:$0x3FAB] =	sst s5  }
0xe: {  	[smem:$0x3FAC] =	sst s6  }
0xf: {  	[smem:$0x3FAD] =	sst s7  }
0x10: {  	[smem:$0x3FAE] =	sst s8  }
0x11: {  	[smem:$0x3FAF] =	sst s9;
	s0 =	simm.s32 @!p0 $0x0  }
0x12: {  	s1 =	sld [smem:$0x3F95];
	s0 =	simm.s32 @p0 $0x1  }
0x13: {  	[smem:$0x3FB0] =	sst s0;
	s0 =	simm.s32 @!p1 $0x0  }
0x14: {  	s2 =	sld [smem:$0x3F94];
	s0 =	simm.s32 @p1 $0x1  }
0x15: {  	[smem:$0x3FB1] =	sst s0;
	s0 =	simm.s32 @!p2 $0x0  }
0x16: {  	s3 =	sld [smem:$0x3FDB];
	s0 =	simm.s32 @p2 $0x1  }
0x17: {  	s4 =	simm.s32 $0x1BF5;
	[smem:$0x3FB3] =	sst s0  }
0x18: {  	s0 =	sld [smem:$0x3F96];
	_ =	swait.ge [sflag:s4], $0x0  }
0x19: {  	s7 =	sld [smem:$0x3F97]  }
0x1a: {  	s8 =	sadd.s32 $0xFFFFE003, lr  }
0x1b: {  	s9 =	sadd.s32 $0xFFFFFEF7, lr;
	s5 =	simm.s32 $0xFFFFFFFF;
	p2 =	slt.u32 s8, $0xFFFFF086  }
0x1c: {  	p1 =	slt.u32 s9, $0xF7A;
	s5 =	simm.s32 @!p2 $0x0  }
0x1d: {  	s5 =	simm.s32 @p1 $0x1;
	p0 =	seq.s32 s7, s2  }
0x1e: {  	s7 =	smul.u32 @!p0 $0xF7A, s2;
	p2 =	seq.s32 @!p0 s5, $0x0  }
0x1f: {  	s9 =	smul.u32 $0xF7A, s1;
	s8 =	simm.s32 @!p0 $0x1BF5;
	p2 =	por !p2, p0  }
0x20: {  	[sflag:s8] =	ssyncset.s32 @!p0 $0xFFFFF086;
	s6 =	sadd.s32 @!p0 s3, s7;
	s7 =	simm.s32 @!p0 $0x108  }
0x21: {  	s3 =	sadd.s32 s3, s9;
	s6 =	sadd.s32 @!p0 $0x88, s6;
	s7 =	simm.s32 @p2 $0x1082  }
0x22: {  	[simem:s7], [sflag:s8] =	dma.local @!p0 [hbm:s6], $0xF7A  }
0x23: {  	s9 =	sor.u32 $0xD0000000, s2;
	s6 =	simm.s32 $0x108;
	_ =	swait.ge @!p0 [sflag:s8], $0x0  }
0x24: {  	s3 =	sadd.s32 $0x88, s3;
	s6 =	simm.s32 @!p1 $0x1082;
	[sflag:s4] =	ssyncset.s32 $0xFFFFF086  }
0x25: {  	[simem:s6], [sflag:s4] =	dma.local [hbm:s3], $0xF7A  }
0x26: {  	[smem:$0x3F97] =	sst s1;
	(tag) =	ssettag s2;
	_ =	strace s9  }
0x27: {  	s1 =	sld [smem:$0x3FA7]  }
0x28: {  	s2 =	sld [smem:$0x3FA8]  }
0x29: {  	s4 =	sld [smem:$0x3FAA]  }
0x2a: {  	p0 =	seq.s32 s5, $0x0;
	s5 =	sld [smem:$0x3FAB]  }
0x2b: {  	s6 =	sld [smem:$0x3FAC]  }
0x2c: {  	s7 =	sld [smem:$0x3FAD]  }
0x2d: {  	s3 =	simm.s32 $0x108;
	s8 =	sld [smem:$0x3FAE]  }
0x2e: {  	s3 =	simm.s32 @!p0 $0x1082;
	s9 =	sld [smem:$0x3FAF]  }
0x2f: {  	lr =	sadd.s32 s0, s3;
	s0 =	sld [smem:$0x3FA6]  }
0x30: {  	s3 =	sld [smem:$0x3FA9]  }
0x31: {  	[smem:$0x3FB2] =	sst s10  }
0x32: {  	s10 =	sld [smem:$0x3FB0];
	_ =	sdelay $0x3  }
0x33: {  	p0 =	seq.s32 s10, $0x1;
	s10 =	sld [smem:$0x3FB2];
	_ =	sdelay $0x3  }
0x34: {  	[smem:$0x3FB2] =	sst s10  }
0x35: {  	s10 =	sld [smem:$0x3FB1];
	_ =	sdelay $0x3  }
0x36: {  	p1 =	seq.s32 s10, $0x1;
	s10 =	sld [smem:$0x3FB2];
	_ =	sdelay $0x3  }
0x37: {  	[smem:$0x3FB2] =	sst s10  }
0x38: {  	s10 =	sld [smem:$0x3FB3]  }
0x39: {  	_ = 	snop;
	(pc) =	sbr.ind lr, $3  }
0x3a: {  	_ = 	snop  }
0x3b: {  	_ = 	snop  }
0x3c: {  	p2 =	seq.s32 s10, $0x1;
	s10 =	sld [smem:$0x3FB2]  }
0x3d: {  	_ =	shalt  }
0x3e: {  	_ =	shalt  }
0x3f: {  	_ =	shalt  }
0x40: {  	_ =	shalt  }
0x41: {  	_ =	shalt  }
0x42: {  	_ =	shalt  }
0x43: {  	_ =	shalt  }
0x44: {  	_ =	shalt  }
0x45: {  	_ =	shalt  }
0x46: {  	_ =	shalt  }
0x47: {  	_ =	shalt  }
0x48: {  	_ =	shalt  }
0x49: {  	_ =	shalt  }
0x4a: {  	_ =	shalt  }
0x4b: {  	_ =	shalt  }
0x4c: {  	_ =	shalt  }
0x4d: {  	_ =	shalt  }
0x4e: {  	_ =	shalt  }
0x4f: {  	_ =	shalt  }
0x50: {  	_ =	shalt  }
0x51: {  	_ =	shalt  }
0x52: {  	_ =	shalt  }
0x53: {  	_ =	shalt  }
0x54: {  	_ =	shalt  }
0x55: {  	_ =	shalt  }
0x56: {  	_ =	shalt  }
0x57: {  	_ =	shalt  }
0x58: {  	_ =	shalt  }
0x59: {  	_ =	shalt  }
0x5a: {  	_ =	shalt  }
0x5b: {  	_ =	shalt  }
0x5c: {  	_ =	shalt  }
0x5d: {  	_ =	shalt  }
0x5e: {  	_ =	shalt  }
0x5f: {  	_ =	shalt  }
0x60: {  	_ =	shalt  }
0x61: {  	_ =	shalt  }
0x62: {  	_ =	shalt  }
0x63: {  	_ =	shalt  }
0x64: {  	_ =	shalt  }
0x65: {  	_ =	shalt  }
0x66: {  	_ =	shalt  }
0x67: {  	_ =	shalt  }
0x68: {  	_ =	shalt  }
0x69: {  	_ =	shalt  }
0x6a: {  	_ =	shalt  }
0x6b: {  	_ =	shalt  }
0x6c: {  	_ =	shalt  }
0x6d: {  	_ =	shalt  }
0x6e: {  	_ =	shalt  }
0x6f: {  	_ =	shalt  }
0x70: {  	_ =	shalt  }
0x71: {  	_ =	shalt  }
0x72: {  	_ =	shalt  }
0x73: {  	_ =	shalt  }
0x74: {  	_ =	shalt  }
0x75: {  	_ =	shalt  }
0x76: {  	_ =	shalt  }
0x77: {  	_ =	shalt  }
0x78: {  	_ =	shalt  }
0x79: {  	_ =	shalt  }
0x7a: {  	_ =	shalt  }
0x7b: {  	_ =	shalt  }
0x7c: {  	_ =	shalt  }
0x7d: {  	_ =	shalt  }
0x7e: {  	_ =	shalt  }
0x7f: {  	_ =	shalt  }
0x80: {  	_ =	shalt  }
0x81: {  	_ =	shalt  }
0x82: {  	_ =	shalt  }
0x83: {  	_ =	shalt  }
0x84: {  	_ =	shalt  }
0x85: {  	_ =	shalt  }
0x86: {  	_ =	shalt  }
0x87: {  	_ =	shalt  }
.Lfunc_end0:
.L_simem_size_0:
called_computation.1_lowered:
.L_overlay_start_0:
0x88: {  	s2 =	sld [smem:$0x3FD9]  }
0x89: {  	s3 =	sld [smem:$0x3FFE];
	_ =	sdelay $0x1  }
0x8a: {  	s1 =	srdreg.scid  }
0x8b: {  	s0 =	sand.u32 $0x1, s1  }
0x8c: {  	s16 =	sshll.u32 s0, $0xA;
	s2 =	sadd.s32 s3, s2  }
0x8d: {  	s2 =	sadd.s32 s2, s16  }
0x8e: {  	[smem:$0x3FBE] =	sst s2  }
0x8f: {  	_ = 	snop  }
0x90: {  	(tm) =	ssettm $0x1  }
0x91: {  	s17 =	sld [smem:$0x3FFB];
	_ =	sdelay $0x3  }
0x92: {  	_ =	strace s17  }
0x93: {  	s2 =	sld [smem:$0x3FFC];
	_ =	sdelay $0x3  }
0x94: {  	_ =	strace s2  }
0x95: {  	s2 =	sld [smem:$0x3FFD];
	_ =	sdelay $0x3  }
0x96: {  	_ =	strace s2  }
0x97: {  	_ =	strace $0x8FFFFFFF  }
0x98: {  	s18 =	sld [smem:$0x3FDB];
	_ =	sdelay $0x1  }
0x99: {  	s19 =	simm.s32 $_scs_section_size  }
0x9a: {  	s4 =	simm.s32 $_size__tile_overlayer_lowered;
	s5 =	simm.s32 $_tile_overlayer_lowered  }
0x9b: {  	s22 =	simm.s32 $0x1BFF;
	s21 =	sshll.u32 s5, $0x1;
	s2 =	sadd.s32 s19, s18  }
0x9c: {  	s6 =	simm.s32 $0x0;
	s20 =	sshll.u32 s4, $0x1;
	s4 =	sadd.s32 s21, s2  }
0x9d: {  	[timem:s6], [sflag:s22] =	dma.local [hbm:s4], s20  }
0x9e: {  	_ =	swait.ge [sflag:s22], s20  }
0x9f: {  	s3 =	ssub.s32 $0x0, s20;
	[sflag:s22] =	ssyncset.done $0x0  }
0xa0: {  	[sflag:s22] =	ssyncadd.s32 s3;
	_ =	sdelay $0x1  }
0xa1: {  	s23 =	simm.s32 $0x1B8B  }
0xa2: {  	_ =	swait.ge [sflag:s23], $0x1  }
0xa3: {  	[sflag:s23] =	ssyncset.done $0x0  }
0xa4: {  	s25 =	simm.s32 $0x1B8E;
	s24 =	sld [smem:$0x3FFE];
	[sflag:s23] =	ssyncadd.s32 $0xFFFFFFFF  }
0xa5: {  	s26 =	simm.s32 $execute0_lowered;
	[smem:$0x3FD2] =	sst s25  }
0xa6: {  	s4 =	sshll.u32 s26, $0x1;
	_ =	strace $0x80000049;
	[dreg:$0x1] =	wrdreg $0xFFFFFFFF  }
0xa7: {  	s28 =	simm.s32 $_size_execute0_lowered;
	s2 =	sadd.s32 s2, s4;
	[dreg:$0x0] =	wrdreg $0x0  }
0xa8: {  	s4 =	sshll.u32 s28, $0x1;
	[dreg:$0x2] =	wrdreg s2  }
0xa9: {  	[dreg:$0x3] =	wrdreg s4  }
0xaa: {  	[dreg:$0x4] =	wrdreg $0xC0  }
0xab: {  	_ =	task [dreg:s6], $0x5FFFF  }
0xac: {  	[dreg:$0x1] =	wrdreg $0xFFFFFFFF  }
0xad: {  	[dreg:$0x0] =	wrdreg $0x60  }
0xae: {  	[dreg:$0x2] =	wrdreg s24  }
0xaf: {  	[dreg:$0x3] =	wrdreg $0x9  }
0xb0: {  	_ =	task.clear_ibuf [dreg:s6], $0x4FFFF;
	_ =	strace $0x90000049  }
0xb1: {  	s29 =	simm.s32 $0x9;
	_ =	strace $0x8000004B  }
0xb2: {  	_ =	swait.ge [sflag:s29], $0x1  }
0xb3: {  	[sflag:s29] =	ssyncadd.s32 $0xFFFFFFFF  }
0xb4: {  	_ =	strace $0x9000004B  }
0xb5: {  	_ =	sfence  }
0xb6: {  	s30 =	sld [smem:$0x0];
	_ =	sdelay $0x2  }
0xb7: {  	s31 =	sshll.u32 s1, $0xD;
	s1 =	sshrl.u32 s1, $0x2  }
0xb8: {  	s3 =	sand.u32 $0x4000, s31;
	s1 =	sadd.s32 s1, s30  }
0xb9: {  	s0 =	sor.u32 s3, s0;
	s1 =	sshll.u32 s1, $0x11  }
0xba: {  	s0 =	sor.u32 s1, s0  }
0xbb: {  	s0 =	sadd.s32 $0x8F2B, s0  }
0xbc: {  	[sflag:s0] =	ssyncadd.remote.s32 $0x1  }
0xbd: {  	_ =	sfence.sel $0xFFFF  }
0xbe: {  	[dreg:$0x0] =	wrdreg $0xFFFFFFFF;
	(pc) =	sbr.abs _section_cstart, $3  }
0xbf: {  	[dreg:$0x1] =	wrdreg $0xFFFFFFFF  }
0xc0: {  	_ =	task.clear_ibuf [dreg:s6], $0x2FFFF;
	_ =	strace $0x9FFFFFFF  }
0xc1: {  	(tm) =	ssettm $0x7FFFFFFF  }
tec
execute0_lowered:
.L_overlay_start_1:
0x0: {  	(tag) =	ssettag $0x1  }
0x1: {  	s0 =	rddreg [dreg:$0x0]  }
0x2: {  	s2 =	simm.s32 $0x0;
	s1 =	srdreg.scid;
	s6 =	stileid.u32  }
0x3: {  	s29 =	simm.s32 $0x18000;
	s30 =	simm.s32 $0x18200;
	s28 =	simm.s32 $0xC000  }
0x4: {  	s31 =	simm.s32 $0x1;
	[smem:$0x7FF] =	sst s2;
	s1 =	sand.u32 $0x1, s1  }
0x5: {  	s4 =	sshll.u32 s6, $0x7;
	s3 =	sadd.s32 $0x20FA00, s0;
	s15 =	sshll.u32 s6, $0x1  }
0x6: {  	s16 =	sadd.s32 $0x23A00, s0;
	s7 =	sadd.s32 $0xE3A00, s0;
	s5 =	sshll.u32 s1, $0x6  }
0x7: {  	_ =	strace $0x8000004A;
	[dreg:$0xc] =	wrdreg s29;
	s4 =	sor.u32 s5, s4  }
0x8: {  	[dreg:$0xd] =	wrdreg s30;
	s5 =	sor.u32 s1, s15;
	s4 =	sadd.s32 s4, s0  }
0x9: {  	s1 =	ssub.s32 $0x2, s1;
	s9 =	smul.u32 $0x6000, s5;
	s8 =	sadd.s32 $0x22A00, s4  }
0xa: {  	s5 =	smul.u32 $0x30000, s5;
	s4 =	sadd.s32 $0x23200, s4;
	[dreg:$0x2] =	wrdreg s8  }
0xb: {  	s23 =	sshrl.u32 s1, $0x1;
	[dreg:$0x3] =	wrdreg s4;
	s17 =	sadd.s32 s16, s9  }
0xc: {  	s18 =	sadd.s32 s7, s9;
	s19 =	sor.u32 $0x1800, s9;
	[dreg:$0x4] =	wrdreg s17  }
0xd: {  	s5 =	sshrl.u32 s5, $0x3;
	[dreg:$0x5] =	wrdreg s18;
	s20 =	sadd.s32 s16, s19  }
0xe: {  	s21 =	sadd.s32 s7, s19;
	s22 =	sadd.s32 $0x3000, s5;
	[dreg:$0x6] =	wrdreg s20  }
0xf: {  	s1 =	ssub.s32 s1, s23;
	[dreg:$0x7] =	wrdreg s21;
	s24 =	sadd.s32 s16, s22  }
0x10: {  	s5 =	sadd.s32 $0x4800, s5;
	s25 =	sadd.s32 s7, s22;
	[dreg:$0x8] =	wrdreg s24  }
0x11: {  	v2 =	vlaneseq.u32;
	s4 =	sadd.s32 $0x20FB00, s0;
	s6 =	sadd.s32 s16, s5;
	[dreg:$0x9] =	wrdreg s25  }
0x12: {  	vm0 =	vmmov $0xffff;
	v1 =	vshrl.u32 v2, $0x3;
	s26 =	sadd.s32 s7, s5;
	s5 =	sadd.s32 $0x20FC00, s0;
	[dreg:$0xa] =	wrdreg s6  }
0x13: {  	v0 =	vand.u32 $0x7, v2;
	v2 =	vor.u32 $0x8, v2;
	v1 =	vmul.u32 $0x8, v1;
	[dreg:$0xb] =	wrdreg s26;
	s6 =	smax.u32 s1, $0x1;
	s1 =	simm.s32 $0x2  }
.LBB2_1:
0x14: {  	s8 =	rddreg [dreg:$0x2]  }
0x15: {  	s9 =	rddreg [dreg:$0xc];
	s7 =	simm.s32 $0x3  }
0x16: {  	[tilespmem:s9], [sflag:$0x3] =	stream.linear.gather [hbm4b:s8+s2], $0x200, $0x38;
	[tilespmem:$0x18400] =	vst v63  }
0x17: {  	_ =	swait.ge [sflag:s7], $0x200  }
0x18: {  	s24 =	rddreg [dreg:$0x3];
	[sflag:s7] =	ssyncset.done $0x0  }
0x19: {  	s25 =	rddreg [dreg:$0xd];
	[sflag:s7] =	ssyncadd.s32 $0xFFFFFE00  }
0x1a: {  	[tilespmem:s25], [sflag:$0x3] =	stream.linear.gather [hbm4b:s24+s2], $0x200, $0x38;
	[tilespmem:$0x18400] =	vst v63  }
0x1b: {  	_ =	swait.ge [sflag:s7], $0x200  }
0x1c: {  	[sflag:s7] =	ssyncset.done $0x0  }
0x1d: {  	[sflag:s7] =	ssyncadd.s32 $0xFFFFFE00  }
0x1e: {  	v3 =	vld [tilespmem:$0x18000];
	_ =	sdelay $0x4  }
0x1f: {  	v4 =	vshrl.u32 v3, $0x3  }
0x20: {  	v4 =	vmul.u32 $0x30, v4  }
0x21: {  	v3 =	vand.u32 $0x7, v3  }
0x22: {  	v3 =	vor.u32 v3, v4  }
0x23: {  	v4 =	vperm.xlane v3, v0;
	_ =	sdelay $0x1  }
0x24: {  	v4 =	vadd.s32 v1, v4;
	_ =	sdelay $0x3  }
0x25: {  	v3 =	vperm.xlane v3, v2  }
0x26: {  	[tilespmem:s2], [sflag:$0x1] =	stream.indirect_vreg.gather [hbm4b:s3+s2], $0x80, v4, vm0, $0xb8;
	[tilespmem:$0x18400] =	vst v63  }
0x27: {  	s26 =	simm.s32 $0x800;
	v3 =	vadd.s32 v1, v3  }
0x28: {  	[tilespmem:s26], [sflag:$0x1] =	stream.indirect_vreg.gather [hbm4b:s4+s2], $0x80, v4, vm0, $0xb8;
	[tilespmem:$0x18400] =	vst v63  }
0x29: {  	s29 =	simm.s32 $0x1000  }
0x2a: {  	[tilespmem:s29], [sflag:$0x1] =	stream.indirect_vreg.gather [hbm4b:s5+s2], $0x80, v4, vm0, $0xb8;
	[tilespmem:$0x18400] =	vst v63  }
0x2b: {  	s30 =	simm.s32 $0x1800  }
0x2c: {  	[tilespmem:s30], [sflag:$0x1] =	stream.indirect_vreg.gather [hbm4b:s3+s2], $0x80, v3, vm0, $0xb8;
	[tilespmem:$0x18400] =	vst v63  }
0x2d: {  	s0 =	simm.s32 $0x2000  }
0x2e: {  	[tilespmem:s0], [sflag:$0x1] =	stream.indirect_vreg.gather [hbm4b:s4+s2], $0x80, v3, vm0, $0xb8;
	[tilespmem:$0x18400] =	vst v63  }
0x2f: {  	s8 =	simm.s32 $0x2800  }
0x30: {  	[tilespmem:s8], [sflag:$0x1] =	stream.indirect_vreg.gather [hbm4b:s5+s2], $0x80, v3, vm0, $0xb8;
	[tilespmem:$0x18400] =	vst v63  }
0x31: {  	v3 =	vld [tilespmem:$0x18010];
	_ =	sdelay $0x4  }
0x32: {  	v33 =	vshrl.u32 v3, $0x3  }
0x33: {  	v4 =	vmul.u32 $0x30, v33  }
0x34: {  	v3 =	vand.u32 $0x7, v3  }
0x35: {  	v3 =	vor.u32 v3, v4  }
0x36: {  	v4 =	vperm.xlane v3, v0;
	_ =	sdelay $0x1  }
0x37: {  	v4 =	vadd.s32 v1, v4;
	_ =	sdelay $0x3  }
0x38: {  	s9 =	simm.s32 $0x3000;
	v3 =	vperm.xlane v3, v2  }
0x39: {  	[tilespmem:s9], [sflag:$0x1] =	stream.indirect_vreg.gather [hbm4b:s3+s2], $0x80, v4, vm0, $0xb8;
	[tilespmem:$0x18400] =	vst v63  }
0x3a: {  	s10 =	simm.s32 $0x3800;
	v3 =	vadd.s32 v1, v3  }
0x3b: {  	[tilespmem:s10], [sflag:$0x1] =	stream.indirect_vreg.gather [hbm4b:s4+s2], $0x80, v4, vm0, $0xb8;
	[tilespmem:$0x18400] =	vst v63  }
0x3c: {  	s11 =	simm.s32 $0x4000  }
0x3d: {  	[tilespmem:s11], [sflag:$0x1] =	stream.indirect_vreg.gather [hbm4b:s5+s2], $0x80, v4, vm0, $0xb8;
	[tilespmem:$0x18400] =	vst v63  }
0x3e: {  	s14 =	simm.s32 $0x4800  }
0x3f: {  	[tilespmem:s14], [sflag:$0x1] =	stream.indirect_vreg.gather [hbm4b:s3+s2], $0x80, v3, vm0, $0xb8;
	[tilespmem:$0x18400] =	vst v63  }
0x40: {  	s15 =	simm.s32 $0x5000  }
0x41: {  	[tilespmem:s15], [sflag:$0x1] =	stream.indirect_vreg.gather [hbm4b:s4+s2], $0x80, v3, vm0, $0xb8;
	[tilespmem:$0x18400] =	vst v63  }
0x42: {  	s16 =	simm.s32 $0x5800  }
0x43: {  	[tilespmem:s16], [sflag:$0x1] =	stream.indirect_vreg.gather [hbm4b:s5+s2], $0x80, v3, vm0, $0xb8;
	[tilespmem:$0x18400] =	vst v63  }
0x44: {  	v3 =	vld [tilespmem:$0x18020];
	_ =	sdelay $0x4  }
0x45: {  	v34 =	vshrl.u32 v3, $0x3  }
0x46: {  	v4 =	vmul.u32 $0x30, v34  }
0x47: {  	v3 =	vand.u32 $0x7, v3  }
0x48: {  	v3 =	vor.u32 v3, v4  }
0x49: {  	v4 =	vperm.xlane v3, v0;
	_ =	sdelay $0x1  }
0x4a: {  	v4 =	vadd.s32 v1, v4;
	_ =	sdelay $0x3  }
0x4b: {  	s17 =	simm.s32 $0x6000;
	v3 =	vperm.xlane v3, v2  }
0x4c: {  	[tilespmem:s17], [sflag:$0x1] =	stream.indirect_vreg.gather [hbm4b:s3+s2], $0x80, v4, vm0, $0xb8;
	[tilespmem:$0x18400] =	vst v63  }
0x4d: {  	s18 =	simm.s32 $0x6800;
	v3 =	vadd.s32 v1, v3  }
0x4e: {  	[tilespmem:s18], [sflag:$0x1] =	stream.indirect_vreg.gather [hbm4b:s4+s2], $0x80, v4, vm0, $0xb8;
	[tilespmem:$0x18400] =	vst v63  }
0x4f: {  	s19 =	simm.s32 $0x7000  }
0x50: {  	[tilespmem:s19], [sflag:$0x1] =	stream.indirect_vreg.gather [hbm4b:s5+s2], $0x80, v4, vm0, $0xb8;
	[tilespmem:$0x18400] =	vst v63  }
0x51: {  	s20 =	simm.s32 $0x7800  }
0x52: {  	[tilespmem:s20], [sflag:$0x1] =	stream.indirect_vreg.gather [hbm4b:s3+s2], $0x80, v3, vm0, $0xb8;
	[tilespmem:$0x18400] =	vst v63  }
0x53: {  	s21 =	simm.s32 $0x8000  }
0x54: {  	[tilespmem:s21], [sflag:$0x1] =	stream.indirect_vreg.gather [hbm4b:s4+s2], $0x80, v3, vm0, $0xb8;
	[tilespmem:$0x18400] =	vst v63  }
0x55: {  	s22 =	simm.s32 $0x8800  }
0x56: {  	[tilespmem:s22], [sflag:$0x1] =	stream.indirect_vreg.gather [hbm4b:s5+s2], $0x80, v3, vm0, $0xb8;
	[tilespmem:$0x18400] =	vst v63  }
0x57: {  	v3 =	vld [tilespmem:$0x18030];
	_ =	sdelay $0x4  }
0x58: {  	v35 =	vshrl.u32 v3, $0x3  }
0x59: {  	v4 =	vmul.u32 $0x30, v35  }
0x5a: {  	v3 =	vand.u32 $0x7, v3  }
0x5b: {  	v3 =	vor.u32 v3, v4  }
0x5c: {  	v4 =	vperm.xlane v3, v0;
	_ =	sdelay $0x1  }
0x5d: {  	v4 =	vadd.s32 v1, v4;
	_ =	sdelay $0x3  }
0x5e: {  	s0 =	simm.s32 $0x9000;
	v3 =	vperm.xlane v3, v2  }
0x5f: {  	[tilespmem:s0], [sflag:$0x1] =	stream.indirect_vreg.gather [hbm4b:s3+s2], $0x80, v4, vm0, $0xb8;
	[tilespmem:$0x18400] =	vst v63  }
0x60: {  	s23 =	simm.s32 $0x9800;
	v3 =	vadd.s32 v1, v3  }
0x61: {  	[tilespmem:s23], [sflag:$0x1] =	stream.indirect_vreg.gather [hbm4b:s4+s2], $0x80, v4, vm0, $0xb8;
	[tilespmem:$0x18400] =	vst v63  }
0x62: {  	s24 =	simm.s32 $0xA000  }
0x63: {  	[tilespmem:s24], [sflag:$0x1] =	stream.indirect_vreg.gather [hbm4b:s5+s2], $0x80, v4, vm0, $0xb8;
	[tilespmem:$0x18400] =	vst v63  }
0x64: {  	s25 =	simm.s32 $0xA800  }
0x65: {  	[tilespmem:s25], [sflag:$0x1] =	stream.indirect_vreg.gather [hbm4b:s3+s2], $0x80, v3, vm0, $0xb8;
	[tilespmem:$0x18400] =	vst v63  }
0x66: {  	s26 =	simm.s32 $0xB000  }
0x67: {  	[tilespmem:s26], [sflag:$0x1] =	stream.indirect_vreg.gather [hbm4b:s4+s2], $0x80, v3, vm0, $0xb8;
	[tilespmem:$0x18400] =	vst v63  }
0x68: {  	s29 =	simm.s32 $0xB800  }
0x69: {  	[tilespmem:s29], [sflag:$0x1] =	stream.indirect_vreg.gather [hbm4b:s5+s2], $0x80, v3, vm0, $0xb8;
	[tilespmem:$0x18400] =	vst v63  }
0x6a: {  	v3 =	vld [tilespmem:$0x18200];
	_ =	sdelay $0x4  }
0x6b: {  	v36 =	vshrl.u32 v3, $0x3  }
0x6c: {  	v4 =	vmul.u32 $0x30, v36  }
0x6d: {  	v3 =	vand.u32 $0x7, v3  }
0x6e: {  	v3 =	vor.u32 v3, v4  }
0x6f: {  	v4 =	vperm.xlane v3, v0;
	_ =	sdelay $0x1  }
0x70: {  	v4 =	vadd.s32 v1, v4;
	_ =	sdelay $0x3  }
0x71: {  	v3 =	vperm.xlane v3, v2  }
0x72: {  	[tilespmem:s28], [sflag:$0x1] =	stream.indirect_vreg.gather [hbm4b:s3+s2], $0x80, v4, vm0, $0xb8;
	[tilespmem:$0x18400] =	vst v63  }
0x73: {  	s30 =	simm.s32 $0xC800;
	v3 =	vadd.s32 v1, v3  }
0x74: {  	[tilespmem:s30], [sflag:$0x1] =	stream.indirect_vreg.gather [hbm4b:s4+s2], $0x80, v4, vm0, $0xb8;
	[tilespmem:$0x18400] =	vst v63  }
0x75: {  	s0 =	simm.s32 $0xD000  }
0x76: {  	[tilespmem:s0], [sflag:$0x1] =	stream.indirect_vreg.gather [hbm4b:s5+s2], $0x80, v4, vm0, $0xb8;
	[tilespmem:$0x18400] =	vst v63  }
0x77: {  	s7 =	simm.s32 $0xD800  }
0x78: {  	[tilespmem:s7], [sflag:$0x1] =	stream.indirect_vreg.gather [hbm4b:s3+s2], $0x80, v3, vm0, $0xb8;
	[tilespmem:$0x18400] =	vst v63  }
0x79: {  	s9 =	simm.s32 $0xE000  }
0x7a: {  	[tilespmem:s9], [sflag:$0x1] =	stream.indirect_vreg.gather [hbm4b:s4+s2], $0x80, v3, vm0, $0xb8;
	[tilespmem:$0x18400] =	vst v63  }
0x7b: {  	s10 =	simm.s32 $0xE800  }
0x7c: {  	[tilespmem:s10], [sflag:$0x1] =	stream.indirect_vreg.gather [hbm4b:s5+s2], $0x80, v3, vm0, $0xb8;
	[tilespmem:$0x18400] =	vst v63  }
0x7d: {  	v3 =	vld [tilespmem:$0x18210];
	_ =	sdelay $0x4  }
0x7e: {  	v37 =	vshrl.u32 v3, $0x3  }
0x7f: {  	v4 =	vmul.u32 $0x30, v37  }
0x80: {  	v3 =	vand.u32 $0x7, v3  }
0x81: {  	v3 =	vor.u32 v3, v4  }
0x82: {  	v4 =	vperm.xlane v3, v0;
	_ =	sdelay $0x1  }
0x83: {  	v4 =	vadd.s32 v1, v4;
	_ =	sdelay $0x3  }
0x84: {  	s11 =	simm.s32 $0xF000;
	v3 =	vperm.xlane v3, v2  }
0x85: {  	[tilespmem:s11], [sflag:$0x1] =	stream.indirect_vreg.gather [hbm4b:s3+s2], $0x80, v4, vm0, $0xb8;
	[tilespmem:$0x18400] =	vst v63  }
0x86: {  	s14 =	simm.s32 $0xF800;
	v3 =	vadd.s32 v1, v3  }
0x87: {  	[tilespmem:s14], [sflag:$0x1] =	stream.indirect_vreg.gather [hbm4b:s4+s2], $0x80, v4, vm0, $0xb8;
	[tilespmem:$0x18400] =	vst v63  }
0x88: {  	s15 =	simm.s32 $0x10000  }
0x89: {  	[tilespmem:s15], [sflag:$0x1] =	stream.indirect_vreg.gather [hbm4b:s5+s2], $0x80, v4, vm0, $0xb8;
	[tilespmem:$0x18400] =	vst v63  }
0x8a: {  	s18 =	simm.s32 $0x10800  }
0x8b: {  	[tilespmem:s18], [sflag:$0x1] =	stream.indirect_vreg.gather [hbm4b:s3+s2], $0x80, v3, vm0, $0xb8;
	[tilespmem:$0x18400] =	vst v63  }
0x8c: {  	s19 =	simm.s32 $0x11000  }
0x8d: {  	[tilespmem:s19], [sflag:$0x1] =	stream.indirect_vreg.gather [hbm4b:s4+s2], $0x80, v3, vm0, $0xb8;
	[tilespmem:$0x18400] =	vst v63  }
0x8e: {  	s25 =	simm.s32 $0x11800  }
0x8f: {  	[tilespmem:s25], [sflag:$0x1] =	stream.indirect_vreg.gather [hbm4b:s5+s2], $0x80, v3, vm0, $0xb8;
	[tilespmem:$0x18400] =	vst v63  }
0x90: {  	v3 =	vld [tilespmem:$0x18220];
	_ =	sdelay $0x4  }
0x91: {  	v38 =	vshrl.u32 v3, $0x3  }
0x92: {  	v4 =	vmul.u32 $0x30, v38  }
0x93: {  	v3 =	vand.u32 $0x7, v3  }
0x94: {  	v3 =	vor.u32 v3, v4  }
0x95: {  	v4 =	vperm.xlane v3, v0;
	_ =	sdelay $0x1  }
0x96: {  	v4 =	vadd.s32 v1, v4;
	_ =	sdelay $0x3  }
0x97: {  	s26 =	simm.s32 $0x12000;
	v3 =	vperm.xlane v3, v2  }
0x98: {  	[tilespmem:s26], [sflag:$0x1] =	stream.indirect_vreg.gather [hbm4b:s3+s2], $0x80, v4, vm0, $0xb8;
	[tilespmem:$0x18400] =	vst v63  }
0x99: {  	s29 =	simm.s32 $0x12800;
	v3 =	vadd.s32 v1, v3  }
0x9a: {  	[tilespmem:s29], [sflag:$0x1] =	stream.indirect_vreg.gather [hbm4b:s4+s2], $0x80, v4, vm0, $0xb8;
	[tilespmem:$0x18400] =	vst v63  }
0x9b: {  	s30 =	simm.s32 $0x13000  }
0x9c: {  	[tilespmem:s30], [sflag:$0x1] =	stream.indirect_vreg.gather [hbm4b:s5+s2], $0x80, v4, vm0, $0xb8;
	[tilespmem:$0x18400] =	vst v63  }
0x9d: {  	s0 =	simm.s32 $0x13800  }
0x9e: {  	[tilespmem:s0], [sflag:$0x1] =	stream.indirect_vreg.gather [hbm4b:s3+s2], $0x80, v3, vm0, $0xb8;
	[tilespmem:$0x18400] =	vst v63  }
0x9f: {  	s7 =	simm.s32 $0x14000  }
0xa0: {  	[tilespmem:s7], [sflag:$0x1] =	stream.indirect_vreg.gather [hbm4b:s4+s2], $0x80, v3, vm0, $0xb8;
	[tilespmem:$0x18400] =	vst v63  }
0xa1: {  	s9 =	simm.s32 $0x14800  }
0xa2: {  	[tilespmem:s9], [sflag:$0x1] =	stream.indirect_vreg.gather [hbm4b:s5+s2], $0x80, v3, vm0, $0xb8;
	[tilespmem:$0x18400] =	vst v63  }
0xa3: {  	v3 =	vld [tilespmem:$0x18230];
	_ =	sdelay $0x4  }
0xa4: {  	v39 =	vshrl.u32 v3, $0x3  }
0xa5: {  	v4 =	vmul.u32 $0x30, v39  }
0xa6: {  	v3 =	vand.u32 $0x7, v3  }
0xa7: {  	v3 =	vor.u32 v3, v4  }
0xa8: {  	v4 =	vperm.xlane v3, v0;
	_ =	sdelay $0x1  }
0xa9: {  	v4 =	vadd.s32 v1, v4;
	_ =	sdelay $0x3  }
0xaa: {  	s10 =	simm.s32 $0x15000;
	v3 =	vperm.xlane v3, v2  }
0xab: {  	[tilespmem:s10], [sflag:$0x1] =	stream.indirect_vreg.gather [hbm4b:s3+s2], $0x80, v4, vm0, $0xb8;
	[tilespmem:$0x18400] =	vst v63  }
0xac: {  	s11 =	simm.s32 $0x15800;
	v3 =	vadd.s32 v1, v3  }
0xad: {  	[tilespmem:s11], [sflag:$0x1] =	stream.indirect_vreg.gather [hbm4b:s4+s2], $0x80, v4, vm0, $0xb8;
	[tilespmem:$0x18400] =	vst v63  }
0xae: {  	s14 =	simm.s32 $0x16000  }
0xaf: {  	[tilespmem:s14], [sflag:$0x1] =	stream.indirect_vreg.gather [hbm4b:s5+s2], $0x80, v4, vm0, $0xb8;
	[tilespmem:$0x18400] =	vst v63  }
0xb0: {  	s15 =	simm.s32 $0x16800  }
0xb1: {  	[tilespmem:s15], [sflag:$0x1] =	stream.indirect_vreg.gather [hbm4b:s3+s2], $0x80, v3, vm0, $0xb8;
	[tilespmem:$0x18400] =	vst v63  }
0xb2: {  	s18 =	simm.s32 $0x17000  }
0xb3: {  	[tilespmem:s18], [sflag:$0x1] =	stream.indirect_vreg.gather [hbm4b:s4+s2], $0x80, v3, vm0, $0xb8;
	[tilespmem:$0x18400] =	vst v63  }
0xb4: {  	s19 =	simm.s32 $0x17800  }
0xb5: {  	[tilespmem:s19], [sflag:$0x1] =	stream.indirect_vreg.gather [hbm4b:s5+s2], $0x80, v3, vm0, $0xb8;
	[tilespmem:$0x18400] =	vst v63  }
0xb6: {  	_ =	swait.ge [sflag:s31], $0xC000  }
0xb7: {  	[sflag:s31] =	ssyncset.done $0x0  }
0xb8: {  	[sflag:s31] =	ssyncadd.s32 $0xFFFF4000  }
0xb9: {  	_ =	swait.ge [sflag:s31], $0xC000  }
0xba: {  	[sflag:s31] =	ssyncset.done $0x0  }
0xbb: {  	s0 =	rddreg [dreg:$0x4];
	[sflag:s31] =	ssyncadd.s32 $0xFFFF4000  }
0xbc: {  	[hbm4b:s0+s2] =	stream.linear.scatter [tilespmem:s2], [sflag:$0x2], $0xC000, $0x38;
	[tilespmem:$0x18400] =	vst v63  }
0xbd: {  	s7 =	rddreg [dreg:$0x5]  }
0xbe: {  	[hbm4b:s7+s2] =	stream.linear.scatter [tilespmem:s28], [sflag:$0x2], $0xC000, $0x38;
	[tilespmem:$0x18400] =	vst v63  }
0xbf: {  	_ =	swait.ge [sflag:s1], $0xC000  }
0xc0: {  	[sflag:s1] =	ssyncset.done $0x0  }
0xc1: {  	[sflag:s1] =	ssyncadd.s32 $0xFFFF4000  }
0xc2: {  	_ =	swait.ge [sflag:s1], $0xC000  }
0xc3: {  	[sflag:s1] =	ssyncset.done $0x0  }
0xc4: {  	[sflag:s1] =	ssyncadd.s32 $0xFFFF4000  }
0xc5: {  	v3 =	vld [tilespmem:$0x18080];
	_ =	sdelay $0x4  }
0xc6: {  	v40 =	vshrl.u32 v3, $0x3  }
0xc7: {  	v4 =	vmul.u32 $0x30, v40  }
0xc8: {  	v3 =	vand.u32 $0x7, v3  }
0xc9: {  	v3 =	vor.u32 v3, v4  }
0xca: {  	v4 =	vperm.xlane v3, v0;
	_ =	sdelay $0x1  }
0xcb: {  	v4 =	vadd.s32 v1, v4;
	_ =	sdelay $0x3  }
0xcc: {  	v3 =	vperm.xlane v3, v2  }
0xcd: {  	[tilespmem:s2], [sflag:$0x1] =	stream.indirect_vreg.gather [hbm4b:s3+s2], $0x80, v4, vm0, $0xb8;
	[tilespmem:$0x18400] =	vst v63  }
0xce: {  	s0 =	simm.s32 $0x800;
	v3 =	vadd.s32 v1, v3  }
0xcf: {  	[tilespmem:s0], [sflag:$0x1] =	stream.indirect_vreg.gather [hbm4b:s4+s2], $0x80, v4, vm0, $0xb8;
	[tilespmem:$0x18400] =	vst v63  }
0xd0: {  	s7 =	simm.s32 $0x1000  }
0xd1: {  	[tilespmem:s7], [sflag:$0x1] =	stream.indirect_vreg.gather [hbm4b:s5+s2], $0x80, v4, vm0, $0xb8;
	[tilespmem:$0x18400] =	vst v63  }
0xd2: {  	s10 =	simm.s32 $0x1800  }
0xd3: {  	[tilespmem:s10], [sflag:$0x1] =	stream.indirect_vreg.gather [hbm4b:s3+s2], $0x80, v3, vm0, $0xb8;
	[tilespmem:$0x18400] =	vst v63  }
0xd4: {  	s11 =	simm.s32 $0x2000  }
0xd5: {  	[tilespmem:s11], [sflag:$0x1] =	stream.indirect_vreg.gather [hbm4b:s4+s2], $0x80, v3, vm0, $0xb8;
	[tilespmem:$0x18400] =	vst v63  }
0xd6: {  	s12 =	simm.s32 $0x2800  }
0xd7: {  	[tilespmem:s12], [sflag:$0x1] =	stream.indirect_vreg.gather [hbm4b:s5+s2], $0x80, v3, vm0, $0xb8;
	[tilespmem:$0x18400] =	vst v63  }
0xd8: {  	v3 =	vld [tilespmem:$0x18090];
	_ =	sdelay $0x4  }
0xd9: {  	v41 =	vshrl.u32 v3, $0x3  }
0xda: {  	v4 =	vmul.u32 $0x30, v41  }
0xdb: {  	v3 =	vand.u32 $0x7, v3  }
0xdc: {  	v3 =	vor.u32 v3, v4  }
0xdd: {  	v4 =	vperm.xlane v3, v0;
	_ =	sdelay $0x1  }
0xde: {  	v4 =	vadd.s32 v1, v4;
	_ =	sdelay $0x3  }
0xdf: {  	s13 =	simm.s32 $0x3000;
	v3 =	vperm.xlane v3, v2  }
0xe0: {  	[tilespmem:s13], [sflag:$0x1] =	stream.indirect_vreg.gather [hbm4b:s3+s2], $0x80, v4, vm0, $0xb8;
	[tilespmem:$0x18400] =	vst v63  }
0xe1: {  	s12 =	simm.s32 $0x3800;
	v3 =	vadd.s32 v1, v3  }
0xe2: {  	[tilespmem:s12], [sflag:$0x1] =	stream.indirect_vreg.gather [hbm4b:s4+s2], $0x80, v4, vm0, $0xb8;
	[tilespmem:$0x18400] =	vst v63  }
0xe3: {  	s13 =	simm.s32 $0x4000  }
0xe4: {  	[tilespmem:s13], [sflag:$0x1] =	stream.indirect_vreg.gather [hbm4b:s5+s2], $0x80, v4, vm0, $0xb8;
	[tilespmem:$0x18400] =	vst v63  }
0xe5: {  	s14 =	simm.s32 $0x4800  }
0xe6: {  	[tilespmem:s14], [sflag:$0x1] =	stream.indirect_vreg.gather [hbm4b:s3+s2], $0x80, v3, vm0, $0xb8;
	[tilespmem:$0x18400] =	vst v63  }
0xe7: {  	s15 =	simm.s32 $0x5000  }
0xe8: {  	[tilespmem:s15], [sflag:$0x1] =	stream.indirect_vreg.gather [hbm4b:s4+s2], $0x80, v3, vm0, $0xb8;
	[tilespmem:$0x18400] =	vst v63  }
0xe9: {  	s16 =	simm.s32 $0x5800  }
0xea: {  	[tilespmem:s16], [sflag:$0x1] =	stream.indirect_vreg.gather [hbm4b:s5+s2], $0x80, v3, vm0, $0xb8;
	[tilespmem:$0x18400] =	vst v63  }
0xeb: {  	v3 =	vld [tilespmem:$0x180A0];
	_ =	sdelay $0x4  }
0xec: {  	v42 =	vshrl.u32 v3, $0x3  }
0xed: {  	v4 =	vmul.u32 $0x30, v42  }
0xee: {  	v3 =	vand.u32 $0x7, v3  }
0xef: {  	v3 =	vor.u32 v3, v4  }
0xf0: {  	v4 =	vperm.xlane v3, v0;
	_ =	sdelay $0x1  }
0xf1: {  	v4 =	vadd.s32 v1, v4;
	_ =	sdelay $0x3  }
0xf2: {  	s17 =	simm.s32 $0x6000;
	v3 =	vperm.xlane v3, v2  }
0xf3: {  	[tilespmem:s17], [sflag:$0x1] =	stream.indirect_vreg.gather [hbm4b:s3+s2], $0x80, v4, vm0, $0xb8;
	[tilespmem:$0x18400] =	vst v63  }
0xf4: {  	s16 =	simm.s32 $0x6800;
	v3 =	vadd.s32 v1, v3  }
0xf5: {  	[tilespmem:s16], [sflag:$0x1] =	stream.indirect_vreg.gather [hbm4b:s4+s2], $0x80, v4, vm0, $0xb8;
	[tilespmem:$0x18400] =	vst v63  }
0xf6: {  	s17 =	simm.s32 $0x7000  }
0xf7: {  	[tilespmem:s17], [sflag:$0x1] =	stream.indirect_vreg.gather [hbm4b:s5+s2], $0x80, v4, vm0, $0xb8;
	[tilespmem:$0x18400] =	vst v63  }
0xf8: {  	s18 =	simm.s32 $0x7800  }
0xf9: {  	[tilespmem:s18], [sflag:$0x1] =	stream.indirect_vreg.gather [hbm4b:s3+s2], $0x80, v3, vm0, $0xb8;
	[tilespmem:$0x18400] =	vst v63  }
0xfa: {  	s19 =	simm.s32 $0x8000  }
0xfb: {  	[tilespmem:s19], [sflag:$0x1] =	stream.indirect_vreg.gather [hbm4b:s4+s2], $0x80, v3, vm0, $0xb8;
	[tilespmem:$0x18400] =	vst v63  }
0xfc: {  	s20 =	simm.s32 $0x8800  }
0xfd: {  	[tilespmem:s20], [sflag:$0x1] =	stream.indirect_vreg.gather [hbm4b:s5+s2], $0x80, v3, vm0, $0xb8;
	[tilespmem:$0x18400] =	vst v63  }
0xfe: {  	v3 =	vld [tilespmem:$0x180B0];
	_ =	sdelay $0x4  }
0xff: {  	v43 =	vshrl.u32 v3, $0x3  }
0x100: {  	v4 =	vmul.u32 $0x30, v43  }
0x101: {  	v3 =	vand.u32 $0x7, v3  }
0x102: {  	v3 =	vor.u32 v3, v4  }
0x103: {  	v4 =	vperm.xlane v3, v0;
	_ =	sdelay $0x1  }
0x104: {  	v4 =	vadd.s32 v1, v4;
	_ =	sdelay $0x3  }
0x105: {  	s21 =	simm.s32 $0x9000;
	v3 =	vperm.xlane v3, v2  }
0x106: {  	[tilespmem:s21], [sflag:$0x1] =	stream.indirect_vreg.gather [hbm4b:s3+s2], $0x80, v4, vm0, $0xb8;
	[tilespmem:$0x18400] =	vst v63  }
0x107: {  	s20 =	simm.s32 $0x9800;
	v3 =	vadd.s32 v1, v3  }
0x108: {  	[tilespmem:s20], [sflag:$0x1] =	stream.indirect_vreg.gather [hbm4b:s4+s2], $0x80, v4, vm0, $0xb8;
	[tilespmem:$0x18400] =	vst v63  }
0x109: {  	s21 =	simm.s32 $0xA000  }
0x10a: {  	[tilespmem:s21], [sflag:$0x1] =	stream.indirect_vreg.gather [hbm4b:s5+s2], $0x80, v4, vm0, $0xb8;
	[tilespmem:$0x18400] =	vst v63  }
0x10b: {  	s9 =	simm.s32 $0xA800  }
0x10c: {  	[tilespmem:s9], [sflag:$0x1] =	stream.indirect_vreg.gather [hbm4b:s3+s2], $0x80, v3, vm0, $0xb8;
	[tilespmem:$0x18400] =	vst v63  }
0x10d: {  	s9 =	simm.s32 $0xB000  }
0x10e: {  	[tilespmem:s9], [sflag:$0x1] =	stream.indirect_vreg.gather [hbm4b:s4+s2], $0x80, v3, vm0, $0xb8;
	[tilespmem:$0x18400] =	vst v63  }
0x10f: {  	s22 =	simm.s32 $0xB800  }
0x110: {  	[tilespmem:s22], [sflag:$0x1] =	stream.indirect_vreg.gather [hbm4b:s5+s2], $0x80, v3, vm0, $0xb8;
	[tilespmem:$0x18400] =	vst v63  }
0x111: {  	v3 =	vld [tilespmem:$0x18280];
	_ =	sdelay $0x4  }
0x112: {  	v44 =	vshrl.u32 v3, $0x3  }
0x113: {  	v4 =	vmul.u32 $0x30, v44  }
0x114: {  	v3 =	vand.u32 $0x7, v3  }
0x115: {  	v3 =	vor.u32 v3, v4  }
0x116: {  	v4 =	vperm.xlane v3, v0;
	_ =	sdelay $0x1  }
0x117: {  	v4 =	vadd.s32 v1, v4;
	_ =	sdelay $0x3  }
0x118: {  	v3 =	vperm.xlane v3, v2  }
0x119: {  	[tilespmem:s28], [sflag:$0x1] =	stream.indirect_vreg.gather [hbm4b:s3+s2], $0x80, v4, vm0, $0xb8;
	[tilespmem:$0x18400] =	vst v63  }
0x11a: {  	s9 =	simm.s32 $0xC800;
	v3 =	vadd.s32 v1, v3  }
0x11b: {  	[tilespmem:s9], [sflag:$0x1] =	stream.indirect_vreg.gather [hbm4b:s4+s2], $0x80, v4, vm0, $0xb8;
	[tilespmem:$0x18400] =	vst v63  }
0x11c: {  	s22 =	simm.s32 $0xD000  }
0x11d: {  	[tilespmem:s22], [sflag:$0x1] =	stream.indirect_vreg.gather [hbm4b:s5+s2], $0x80, v4, vm0, $0xb8;
	[tilespmem:$0x18400] =	vst v63  }
0x11e: {  	s9 =	simm.s32 $0xD800  }
0x11f: {  	[tilespmem:s9], [sflag:$0x1] =	stream.indirect_vreg.gather [hbm4b:s3+s2], $0x80, v3, vm0, $0xb8;
	[tilespmem:$0x18400] =	vst v63  }
0x120: {  	s22 =	simm.s32 $0xE000  }
0x121: {  	[tilespmem:s22], [sflag:$0x1] =	stream.indirect_vreg.gather [hbm4b:s4+s2], $0x80, v3, vm0, $0xb8;
	[tilespmem:$0x18400] =	vst v63  }
0x122: {  	s23 =	simm.s32 $0xE800  }
0x123: {  	[tilespmem:s23], [sflag:$0x1] =	stream.indirect_vreg.gather [hbm4b:s5+s2], $0x80, v3, vm0, $0xb8;
	[tilespmem:$0x18400] =	vst v63  }
0x124: {  	v3 =	vld [tilespmem:$0x18290];
	_ =	sdelay $0x4  }
0x125: {  	v45 =	vshrl.u32 v3, $0x3  }
0x126: {  	v4 =	vmul.u32 $0x30, v45  }
0x127: {  	v3 =	vand.u32 $0x7, v3  }
0x128: {  	v3 =	vor.u32 v3, v4  }
0x129: {  	v4 =	vperm.xlane v3, v0;
	_ =	sdelay $0x1  }
0x12a: {  	v4 =	vadd.s32 v1, v4;
	_ =	sdelay $0x3  }
0x12b: {  	s24 =	simm.s32 $0xF000;
	v3 =	vperm.xlane v3, v2  }
0x12c: {  	[tilespmem:s24], [sflag:$0x1] =	stream.indirect_vreg.gather [hbm4b:s3+s2], $0x80, v4, vm0, $0xb8;
	[tilespmem:$0x18400] =	vst v63  }
0x12d: {  	s9 =	simm.s32 $0xF800;
	v3 =	vadd.s32 v1, v3  }
0x12e: {  	[tilespmem:s9], [sflag:$0x1] =	stream.indirect_vreg.gather [hbm4b:s4+s2], $0x80, v4, vm0, $0xb8;
	[tilespmem:$0x18400] =	vst v63  }
0x12f: {  	s22 =	simm.s32 $0x10000  }
0x130: {  	[tilespmem:s22], [sflag:$0x1] =	stream.indirect_vreg.gather [hbm4b:s5+s2], $0x80, v4, vm0, $0xb8;
	[tilespmem:$0x18400] =	vst v63  }
0x131: {  	s23 =	simm.s32 $0x10800  }
0x132: {  	[tilespmem:s23], [sflag:$0x1] =	stream.indirect_vreg.gather [hbm4b:s3+s2], $0x80, v3, vm0, $0xb8;
	[tilespmem:$0x18400] =	vst v63  }
0x133: {  	s24 =	simm.s32 $0x11000  }
0x134: {  	[tilespmem:s24], [sflag:$0x1] =	stream.indirect_vreg.gather [hbm4b:s4+s2], $0x80, v3, vm0, $0xb8;
	[tilespmem:$0x18400] =	vst v63  }
0x135: {  	s25 =	simm.s32 $0x11800  }
0x136: {  	[tilespmem:s25], [sflag:$0x1] =	stream.indirect_vreg.gather [hbm4b:s5+s2], $0x80, v3, vm0, $0xb8;
	[tilespmem:$0x18400] =	vst v63  }
0x137: {  	v3 =	vld [tilespmem:$0x182A0];
	_ =	sdelay $0x4  }
0x138: {  	v46 =	vshrl.u32 v3, $0x3  }
0x139: {  	v4 =	vmul.u32 $0x30, v46  }
0x13a: {  	v3 =	vand.u32 $0x7, v3  }
0x13b: {  	v3 =	vor.u32 v3, v4  }
0x13c: {  	v4 =	vperm.xlane v3, v0;
	_ =	sdelay $0x1  }
0x13d: {  	v4 =	vadd.s32 v1, v4;
	_ =	sdelay $0x3  }
0x13e: {  	s26 =	simm.s32 $0x12000;
	v3 =	vperm.xlane v3, v2  }
0x13f: {  	[tilespmem:s26], [sflag:$0x1] =	stream.indirect_vreg.gather [hbm4b:s3+s2], $0x80, v4, vm0, $0xb8;
	[tilespmem:$0x18400] =	vst v63  }
0x140: {  	v3 =	vadd.s32 v1, v3;
	s26 =	simm.s32 $0x12800  }
0x141: {  	[tilespmem:s26], [sflag:$0x1] =	stream.indirect_vreg.gather [hbm4b:s4+s2], $0x80, v4, vm0, $0xb8;
	[tilespmem:$0x18400] =	vst v63  }
0x142: {  	s9 =	simm.s32 $0x13000  }
0x143: {  	[tilespmem:s9], [sflag:$0x1] =	stream.indirect_vreg.gather [hbm4b:s5+s2], $0x80, v4, vm0, $0xb8;
	[tilespmem:$0x18400] =	vst v63  }
0x144: {  	s22 =	simm.s32 $0x13800  }
0x145: {  	[tilespmem:s22], [sflag:$0x1] =	stream.indirect_vreg.gather [hbm4b:s3+s2], $0x80, v3, vm0, $0xb8;
	[tilespmem:$0x18400] =	vst v63  }
0x146: {  	s23 =	simm.s32 $0x14000  }
0x147: {  	[tilespmem:s23], [sflag:$0x1] =	stream.indirect_vreg.gather [hbm4b:s4+s2], $0x80, v3, vm0, $0xb8;
	[tilespmem:$0x18400] =	vst v63  }
0x148: {  	s29 =	simm.s32 $0x14800  }
0x149: {  	[tilespmem:s29], [sflag:$0x1] =	stream.indirect_vreg.gather [hbm4b:s5+s2], $0x80, v3, vm0, $0xb8;
	[tilespmem:$0x18400] =	vst v63  }
0x14a: {  	v3 =	vld [tilespmem:$0x182B0];
	_ =	sdelay $0x4  }
0x14b: {  	v47 =	vshrl.u32 v3, $0x3  }
0x14c: {  	v4 =	vmul.u32 $0x30, v47  }
0x14d: {  	v3 =	vand.u32 $0x7, v3  }
0x14e: {  	v3 =	vor.u32 v3, v4  }
0x14f: {  	v4 =	vperm.xlane v3, v0;
	_ =	sdelay $0x1  }
0x150: {  	v4 =	vadd.s32 v1, v4;
	_ =	sdelay $0x3  }
0x151: {  	s30 =	simm.s32 $0x15000;
	v3 =	vperm.xlane v3, v2  }
0x152: {  	[tilespmem:s30], [sflag:$0x1] =	stream.indirect_vreg.gather [hbm4b:s3+s2], $0x80, v4, vm0, $0xb8;
	[tilespmem:$0x18400] =	vst v63  }
0x153: {  	s24 =	simm.s32 $0x15800;
	v3 =	vadd.s32 v1, v3  }
0x154: {  	[tilespmem:s24], [sflag:$0x1] =	stream.indirect_vreg.gather [hbm4b:s4+s2], $0x80, v4, vm0, $0xb8;
	[tilespmem:$0x18400] =	vst v63  }
0x155: {  	s25 =	simm.s32 $0x16000  }
0x156: {  	[tilespmem:s25], [sflag:$0x1] =	stream.indirect_vreg.gather [hbm4b:s5+s2], $0x80, v4, vm0, $0xb8;
	[tilespmem:$0x18400] =	vst v63  }
0x157: {  	s26 =	simm.s32 $0x16800  }
0x158: {  	[tilespmem:s26], [sflag:$0x1] =	stream.indirect_vreg.gather [hbm4b:s3+s2], $0x80, v3, vm0, $0xb8;
	[tilespmem:$0x18400] =	vst v63  }
0x159: {  	s29 =	simm.s32 $0x17000  }
0x15a: {  	[tilespmem:s29], [sflag:$0x1] =	stream.indirect_vreg.gather [hbm4b:s4+s2], $0x80, v3, vm0, $0xb8;
	[tilespmem:$0x18400] =	vst v63  }
0x15b: {  	s30 =	simm.s32 $0x17800  }
0x15c: {  	[tilespmem:s30], [sflag:$0x1] =	stream.indirect_vreg.gather [hbm4b:s5+s2], $0x80, v3, vm0, $0xb8;
	[tilespmem:$0x18400] =	vst v63  }
0x15d: {  	_ =	swait.ge [sflag:s31], $0xC000  }
0x15e: {  	[sflag:s31] =	ssyncset.done $0x0  }
0x15f: {  	[sflag:s31] =	ssyncadd.s32 $0xFFFF4000  }
0x160: {  	_ =	swait.ge [sflag:s31], $0xC000  }
0x161: {  	[sflag:s31] =	ssyncset.done $0x0  }
0x162: {  	s9 =	rddreg [dreg:$0x6];
	[sflag:s31] =	ssyncadd.s32 $0xFFFF4000  }
0x163: {  	[hbm4b:s9+s2] =	stream.linear.scatter [tilespmem:s2], [sflag:$0x2], $0xC000, $0x38;
	[tilespmem:$0x18400] =	vst v63  }
0x164: {  	s22 =	rddreg [dreg:$0x7]  }
0x165: {  	[hbm4b:s22+s2] =	stream.linear.scatter [tilespmem:s28], [sflag:$0x2], $0xC000, $0x38;
	[tilespmem:$0x18400] =	vst v63  }
0x166: {  	_ =	swait.ge [sflag:s1], $0xC000  }
0x167: {  	[sflag:s1] =	ssyncset.done $0x0  }
0x168: {  	[sflag:s1] =	ssyncadd.s32 $0xFFFF4000  }
0x169: {  	_ =	swait.ge [sflag:s1], $0xC000  }
0x16a: {  	[sflag:s1] =	ssyncset.done $0x0  }
0x16b: {  	[sflag:s1] =	ssyncadd.s32 $0xFFFF4000  }
0x16c: {  	v3 =	vld [tilespmem:$0x18100];
	_ =	sdelay $0x4  }
0x16d: {  	v48 =	vshrl.u32 v3, $0x3  }
0x16e: {  	v4 =	vmul.u32 $0x30, v48  }
0x16f: {  	v3 =	vand.u32 $0x7, v3  }
0x170: {  	v3 =	vor.u32 v3, v4  }
0x171: {  	v4 =	vperm.xlane v3, v0;
	_ =	sdelay $0x1  }
0x172: {  	v4 =	vadd.s32 v1, v4;
	_ =	sdelay $0x3  }
0x173: {  	v3 =	vperm.xlane v3, v2  }
0x174: {  	[tilespmem:s2], [sflag:$0x1] =	stream.indirect_vreg.gather [hbm4b:s3+s2], $0x80, v4, vm0, $0xb8;
	[tilespmem:$0x18400] =	vst v63  }
0x175: {  	v3 =	vadd.s32 v1, v3  }
0x176: {  	[tilespmem:s0], [sflag:$0x1] =	stream.indirect_vreg.gather [hbm4b:s4+s2], $0x80, v4, vm0, $0xb8;
	[tilespmem:$0x18400] =	vst v63  }
0x177: {  	_ = 	snop  }
0x178: {  	[tilespmem:s7], [sflag:$0x1] =	stream.indirect_vreg.gather [hbm4b:s5+s2], $0x80, v4, vm0, $0xb8;
	[tilespmem:$0x18400] =	vst v63  }
0x179: {  	_ = 	snop  }
0x17a: {  	[tilespmem:s10], [sflag:$0x1] =	stream.indirect_vreg.gather [hbm4b:s3+s2], $0x80, v3, vm0, $0xb8;
	[tilespmem:$0x18400] =	vst v63  }
0x17b: {  	_ = 	snop  }
0x17c: {  	[tilespmem:s11], [sflag:$0x1] =	stream.indirect_vreg.gather [hbm4b:s4+s2], $0x80, v3, vm0, $0xb8;
	[tilespmem:$0x18400] =	vst v63  }
0x17d: {  	s23 =	simm.s32 $0x2800  }
0x17e: {  	[tilespmem:s23], [sflag:$0x1] =	stream.indirect_vreg.gather [hbm4b:s5+s2], $0x80, v3, vm0, $0xb8;
	[tilespmem:$0x18400] =	vst v63  }
0x17f: {  	v3 =	vld [tilespmem:$0x18110];
	_ =	sdelay $0x4  }
0x180: {  	v49 =	vshrl.u32 v3, $0x3  }
0x181: {  	v4 =	vmul.u32 $0x30, v49  }
0x182: {  	v3 =	vand.u32 $0x7, v3  }
0x183: {  	v3 =	vor.u32 v3, v4  }
0x184: {  	v4 =	vperm.xlane v3, v0;
	_ =	sdelay $0x1  }
0x185: {  	v4 =	vadd.s32 v1, v4;
	_ =	sdelay $0x3  }
0x186: {  	s24 =	simm.s32 $0x3000;
	v3 =	vperm.xlane v3, v2  }
0x187: {  	[tilespmem:s24], [sflag:$0x1] =	stream.indirect_vreg.gather [hbm4b:s3+s2], $0x80, v4, vm0, $0xb8;
	[tilespmem:$0x18400] =	vst v63  }
0x188: {  	v3 =	vadd.s32 v1, v3  }
0x189: {  	[tilespmem:s12], [sflag:$0x1] =	stream.indirect_vreg.gather [hbm4b:s4+s2], $0x80, v4, vm0, $0xb8;
	[tilespmem:$0x18400] =	vst v63  }
0x18a: {  	_ = 	snop  }
0x18b: {  	[tilespmem:s13], [sflag:$0x1] =	stream.indirect_vreg.gather [hbm4b:s5+s2], $0x80, v4, vm0, $0xb8;
	[tilespmem:$0x18400] =	vst v63  }
0x18c: {  	_ = 	snop  }
0x18d: {  	[tilespmem:s14], [sflag:$0x1] =	stream.indirect_vreg.gather [hbm4b:s3+s2], $0x80, v3, vm0, $0xb8;
	[tilespmem:$0x18400] =	vst v63  }
0x18e: {  	_ = 	snop  }
0x18f: {  	[tilespmem:s15], [sflag:$0x1] =	stream.indirect_vreg.gather [hbm4b:s4+s2], $0x80, v3, vm0, $0xb8;
	[tilespmem:$0x18400] =	vst v63  }
0x190: {  	s25 =	simm.s32 $0x5800  }
0x191: {  	[tilespmem:s25], [sflag:$0x1] =	stream.indirect_vreg.gather [hbm4b:s5+s2], $0x80, v3, vm0, $0xb8;
	[tilespmem:$0x18400] =	vst v63  }
0x192: {  	v3 =	vld [tilespmem:$0x18120];
	_ =	sdelay $0x4  }
0x193: {  	v50 =	vshrl.u32 v3, $0x3  }
0x194: {  	v4 =	vmul.u32 $0x30, v50  }
0x195: {  	v3 =	vand.u32 $0x7, v3  }
0x196: {  	v3 =	vor.u32 v3, v4  }
0x197: {  	v4 =	vperm.xlane v3, v0;
	_ =	sdelay $0x1  }
0x198: {  	v4 =	vadd.s32 v1, v4;
	_ =	sdelay $0x3  }
0x199: {  	s26 =	simm.s32 $0x6000;
	v3 =	vperm.xlane v3, v2  }
0x19a: {  	[tilespmem:s26], [sflag:$0x1] =	stream.indirect_vreg.gather [hbm4b:s3+s2], $0x80, v4, vm0, $0xb8;
	[tilespmem:$0x18400] =	vst v63  }
0x19b: {  	v3 =	vadd.s32 v1, v3  }
0x19c: {  	[tilespmem:s16], [sflag:$0x1] =	stream.indirect_vreg.gather [hbm4b:s4+s2], $0x80, v4, vm0, $0xb8;
	[tilespmem:$0x18400] =	vst v63  }
0x19d: {  	_ = 	snop  }
0x19e: {  	[tilespmem:s17], [sflag:$0x1] =	stream.indirect_vreg.gather [hbm4b:s5+s2], $0x80, v4, vm0, $0xb8;
	[tilespmem:$0x18400] =	vst v63  }
0x19f: {  	_ = 	snop  }
0x1a0: {  	[tilespmem:s18], [sflag:$0x1] =	stream.indirect_vreg.gather [hbm4b:s3+s2], $0x80, v3, vm0, $0xb8;
	[tilespmem:$0x18400] =	vst v63  }
0x1a1: {  	_ = 	snop  }
0x1a2: {  	[tilespmem:s19], [sflag:$0x1] =	stream.indirect_vreg.gather [hbm4b:s4+s2], $0x80, v3, vm0, $0xb8;
	[tilespmem:$0x18400] =	vst v63  }
0x1a3: {  	s29 =	simm.s32 $0x8800  }
0x1a4: {  	[tilespmem:s29], [sflag:$0x1] =	stream.indirect_vreg.gather [hbm4b:s5+s2], $0x80, v3, vm0, $0xb8;
	[tilespmem:$0x18400] =	vst v63  }
0x1a5: {  	v3 =	vld [tilespmem:$0x18130];
	_ =	sdelay $0x4  }
0x1a6: {  	v51 =	vshrl.u32 v3, $0x3  }
0x1a7: {  	v4 =	vmul.u32 $0x30, v51  }
0x1a8: {  	v3 =	vand.u32 $0x7, v3  }
0x1a9: {  	v3 =	vor.u32 v3, v4  }
0x1aa: {  	v4 =	vperm.xlane v3, v0;
	_ =	sdelay $0x1  }
0x1ab: {  	v4 =	vadd.s32 v1, v4;
	_ =	sdelay $0x3  }
0x1ac: {  	s30 =	simm.s32 $0x9000;
	v3 =	vperm.xlane v3, v2  }
0x1ad: {  	[tilespmem:s30], [sflag:$0x1] =	stream.indirect_vreg.gather [hbm4b:s3+s2], $0x80, v4, vm0, $0xb8;
	[tilespmem:$0x18400] =	vst v63  }
0x1ae: {  	v3 =	vadd.s32 v1, v3  }
0x1af: {  	[tilespmem:s20], [sflag:$0x1] =	stream.indirect_vreg.gather [hbm4b:s4+s2], $0x80, v4, vm0, $0xb8;
	[tilespmem:$0x18400] =	vst v63  }
0x1b0: {  	_ = 	snop  }
0x1b1: {  	[tilespmem:s21], [sflag:$0x1] =	stream.indirect_vreg.gather [hbm4b:s5+s2], $0x80, v4, vm0, $0xb8;
	[tilespmem:$0x18400] =	vst v63  }
0x1b2: {  	s9 =	simm.s32 $0xA800  }
0x1b3: {  	[tilespmem:s9], [sflag:$0x1] =	stream.indirect_vreg.gather [hbm4b:s3+s2], $0x80, v3, vm0, $0xb8;
	[tilespmem:$0x18400] =	vst v63  }
0x1b4: {  	s22 =	simm.s32 $0xB000  }
0x1b5: {  	[tilespmem:s22], [sflag:$0x1] =	stream.indirect_vreg.gather [hbm4b:s4+s2], $0x80, v3, vm0, $0xb8;
	[tilespmem:$0x18400] =	vst v63  }
0x1b6: {  	s23 =	simm.s32 $0xB800  }
0x1b7: {  	[tilespmem:s23], [sflag:$0x1] =	stream.indirect_vreg.gather [hbm4b:s5+s2], $0x80, v3, vm0, $0xb8;
	[tilespmem:$0x18400] =	vst v63  }
0x1b8: {  	v3 =	vld [tilespmem:$0x18300];
	_ =	sdelay $0x4  }
0x1b9: {  	v52 =	vshrl.u32 v3, $0x3  }
0x1ba: {  	v4 =	vmul.u32 $0x30, v52  }
0x1bb: {  	v3 =	vand.u32 $0x7, v3  }
0x1bc: {  	v3 =	vor.u32 v3, v4  }
0x1bd: {  	v4 =	vperm.xlane v3, v0;
	_ =	sdelay $0x1  }
0x1be: {  	v4 =	vadd.s32 v1, v4;
	_ =	sdelay $0x3  }
0x1bf: {  	v3 =	vperm.xlane v3, v2  }
0x1c0: {  	[tilespmem:s28], [sflag:$0x1] =	stream.indirect_vreg.gather [hbm4b:s3+s2], $0x80, v4, vm0, $0xb8;
	[tilespmem:$0x18400] =	vst v63  }
0x1c1: {  	s24 =	simm.s32 $0xC800;
	v3 =	vadd.s32 v1, v3  }
0x1c2: {  	[tilespmem:s24], [sflag:$0x1] =	stream.indirect_vreg.gather [hbm4b:s4+s2], $0x80, v4, vm0, $0xb8;
	[tilespmem:$0x18400] =	vst v63  }
0x1c3: {  	s25 =	simm.s32 $0xD000  }
0x1c4: {  	[tilespmem:s25], [sflag:$0x1] =	stream.indirect_vreg.gather [hbm4b:s5+s2], $0x80, v4, vm0, $0xb8;
	[tilespmem:$0x18400] =	vst v63  }
0x1c5: {  	s26 =	simm.s32 $0xD800  }
0x1c6: {  	[tilespmem:s26], [sflag:$0x1] =	stream.indirect_vreg.gather [hbm4b:s3+s2], $0x80, v3, vm0, $0xb8;
	[tilespmem:$0x18400] =	vst v63  }
0x1c7: {  	s29 =	simm.s32 $0xE000  }
0x1c8: {  	[tilespmem:s29], [sflag:$0x1] =	stream.indirect_vreg.gather [hbm4b:s4+s2], $0x80, v3, vm0, $0xb8;
	[tilespmem:$0x18400] =	vst v63  }
0x1c9: {  	s30 =	simm.s32 $0xE800  }
0x1ca: {  	[tilespmem:s30], [sflag:$0x1] =	stream.indirect_vreg.gather [hbm4b:s5+s2], $0x80, v3, vm0, $0xb8;
	[tilespmem:$0x18400] =	vst v63  }
0x1cb: {  	v3 =	vld [tilespmem:$0x18310];
	_ =	sdelay $0x4  }
0x1cc: {  	v53 =	vshrl.u32 v3, $0x3  }
0x1cd: {  	v4 =	vmul.u32 $0x30, v53  }
0x1ce: {  	v3 =	vand.u32 $0x7, v3  }
0x1cf: {  	v3 =	vor.u32 v3, v4  }
0x1d0: {  	v4 =	vperm.xlane v3, v0;
	_ =	sdelay $0x1  }
0x1d1: {  	v4 =	vadd.s32 v1, v4;
	_ =	sdelay $0x3  }
0x1d2: {  	s9 =	simm.s32 $0xF000;
	v3 =	vperm.xlane v3, v2  }
0x1d3: {  	[tilespmem:s9], [sflag:$0x1] =	stream.indirect_vreg.gather [hbm4b:s3+s2], $0x80, v4, vm0, $0xb8;
	[tilespmem:$0x18400] =	vst v63  }
0x1d4: {  	s29 =	simm.s32 $0xF800;
	v3 =	vadd.s32 v1, v3  }
0x1d5: {  	[tilespmem:s29], [sflag:$0x1] =	stream.indirect_vreg.gather [hbm4b:s4+s2], $0x80, v4, vm0, $0xb8;
	[tilespmem:$0x18400] =	vst v63  }
0x1d6: {  	s30 =	simm.s32 $0x10000  }
0x1d7: {  	[tilespmem:s30], [sflag:$0x1] =	stream.indirect_vreg.gather [hbm4b:s5+s2], $0x80, v4, vm0, $0xb8;
	[tilespmem:$0x18400] =	vst v63  }
0x1d8: {  	s9 =	simm.s32 $0x10800  }
0x1d9: {  	[tilespmem:s9], [sflag:$0x1] =	stream.indirect_vreg.gather [hbm4b:s3+s2], $0x80, v3, vm0, $0xb8;
	[tilespmem:$0x18400] =	vst v63  }
0x1da: {  	s9 =	simm.s32 $0x11000  }
0x1db: {  	[tilespmem:s9], [sflag:$0x1] =	stream.indirect_vreg.gather [hbm4b:s4+s2], $0x80, v3, vm0, $0xb8;
	[tilespmem:$0x18400] =	vst v63  }
0x1dc: {  	s9 =	simm.s32 $0x11800  }
0x1dd: {  	[tilespmem:s9], [sflag:$0x1] =	stream.indirect_vreg.gather [hbm4b:s5+s2], $0x80, v3, vm0, $0xb8;
	[tilespmem:$0x18400] =	vst v63  }
0x1de: {  	v3 =	vld [tilespmem:$0x18320];
	_ =	sdelay $0x4  }
0x1df: {  	v54 =	vshrl.u32 v3, $0x3  }
0x1e0: {  	v4 =	vmul.u32 $0x30, v54  }
0x1e1: {  	v3 =	vand.u32 $0x7, v3  }
0x1e2: {  	v3 =	vor.u32 v3, v4  }
0x1e3: {  	v4 =	vperm.xlane v3, v0;
	_ =	sdelay $0x1  }
0x1e4: {  	v4 =	vadd.s32 v1, v4;
	_ =	sdelay $0x3  }
0x1e5: {  	s9 =	simm.s32 $0x12000;
	v3 =	vperm.xlane v3, v2  }
0x1e6: {  	[tilespmem:s9], [sflag:$0x1] =	stream.indirect_vreg.gather [hbm4b:s3+s2], $0x80, v4, vm0, $0xb8;
	[tilespmem:$0x18400] =	vst v63  }
0x1e7: {  	v3 =	vadd.s32 v1, v3;
	s9 =	simm.s32 $0x12800  }
0x1e8: {  	[tilespmem:s9], [sflag:$0x1] =	stream.indirect_vreg.gather [hbm4b:s4+s2], $0x80, v4, vm0, $0xb8;
	[tilespmem:$0x18400] =	vst v63  }
0x1e9: {  	s9 =	simm.s32 $0x13000  }
0x1ea: {  	[tilespmem:s9], [sflag:$0x1] =	stream.indirect_vreg.gather [hbm4b:s5+s2], $0x80, v4, vm0, $0xb8;
	[tilespmem:$0x18400] =	vst v63  }
0x1eb: {  	s9 =	simm.s32 $0x13800  }
0x1ec: {  	[tilespmem:s9], [sflag:$0x1] =	stream.indirect_vreg.gather [hbm4b:s3+s2], $0x80, v3, vm0, $0xb8;
	[tilespmem:$0x18400] =	vst v63  }
0x1ed: {  	s9 =	simm.s32 $0x14000  }
0x1ee: {  	[tilespmem:s9], [sflag:$0x1] =	stream.indirect_vreg.gather [hbm4b:s4+s2], $0x80, v3, vm0, $0xb8;
	[tilespmem:$0x18400] =	vst v63  }
0x1ef: {  	s9 =	simm.s32 $0x14800  }
0x1f0: {  	[tilespmem:s9], [sflag:$0x1] =	stream.indirect_vreg.gather [hbm4b:s5+s2], $0x80, v3, vm0, $0xb8;
	[tilespmem:$0x18400] =	vst v63  }
0x1f1: {  	v3 =	vld [tilespmem:$0x18330];
	_ =	sdelay $0x4  }
0x1f2: {  	v55 =	vshrl.u32 v3, $0x3  }
0x1f3: {  	v4 =	vmul.u32 $0x30, v55  }
0x1f4: {  	v3 =	vand.u32 $0x7, v3  }
0x1f5: {  	v3 =	vor.u32 v3, v4  }
0x1f6: {  	v4 =	vperm.xlane v3, v0;
	_ =	sdelay $0x1  }
0x1f7: {  	v4 =	vadd.s32 v1, v4;
	_ =	sdelay $0x3  }
0x1f8: {  	s9 =	simm.s32 $0x15000;
	v3 =	vperm.xlane v3, v2  }
0x1f9: {  	[tilespmem:s9], [sflag:$0x1] =	stream.indirect_vreg.gather [hbm4b:s3+s2], $0x80, v4, vm0, $0xb8;
	[tilespmem:$0x18400] =	vst v63  }
0x1fa: {  	v3 =	vadd.s32 v1, v3;
	s9 =	simm.s32 $0x15800  }
0x1fb: {  	[tilespmem:s9], [sflag:$0x1] =	stream.indirect_vreg.gather [hbm4b:s4+s2], $0x80, v4, vm0, $0xb8;
	[tilespmem:$0x18400] =	vst v63  }
0x1fc: {  	s9 =	simm.s32 $0x16000  }
0x1fd: {  	[tilespmem:s9], [sflag:$0x1] =	stream.indirect_vreg.gather [hbm4b:s5+s2], $0x80, v4, vm0, $0xb8;
	[tilespmem:$0x18400] =	vst v63  }
0x1fe: {  	s9 =	simm.s32 $0x16800  }
0x1ff: {  	[tilespmem:s9], [sflag:$0x1] =	stream.indirect_vreg.gather [hbm4b:s3+s2], $0x80, v3, vm0, $0xb8;
	[tilespmem:$0x18400] =	vst v63  }
0x200: {  	s9 =	simm.s32 $0x17000  }
0x201: {  	[tilespmem:s9], [sflag:$0x1] =	stream.indirect_vreg.gather [hbm4b:s4+s2], $0x80, v3, vm0, $0xb8;
	[tilespmem:$0x18400] =	vst v63  }
0x202: {  	s9 =	simm.s32 $0x17800  }
0x203: {  	[tilespmem:s9], [sflag:$0x1] =	stream.indirect_vreg.gather [hbm4b:s5+s2], $0x80, v3, vm0, $0xb8;
	[tilespmem:$0x18400] =	vst v63  }
0x204: {  	_ =	swait.ge [sflag:s31], $0xC000  }
0x205: {  	[sflag:s31] =	ssyncset.done $0x0  }
0x206: {  	[sflag:s31] =	ssyncadd.s32 $0xFFFF4000  }
0x207: {  	_ =	swait.ge [sflag:s31], $0xC000  }
0x208: {  	[sflag:s31] =	ssyncset.done $0x0  }
0x209: {  	s8 =	rddreg [dreg:$0x8];
	[sflag:s31] =	ssyncadd.s32 $0xFFFF4000  }
0x20a: {  	[hbm4b:s8+s2] =	stream.linear.scatter [tilespmem:s2], [sflag:$0x2], $0xC000, $0x38;
	[tilespmem:$0x18400] =	vst v63  }
0x20b: {  	s9 =	rddreg [dreg:$0x9]  }
0x20c: {  	[hbm4b:s9+s2] =	stream.linear.scatter [tilespmem:s28], [sflag:$0x2], $0xC000, $0x38;
	[tilespmem:$0x18400] =	vst v63  }
0x20d: {  	_ =	swait.ge [sflag:s1], $0xC000  }
0x20e: {  	[sflag:s1] =	ssyncset.done $0x0  }
0x20f: {  	[sflag:s1] =	ssyncadd.s32 $0xFFFF4000  }
0x210: {  	_ =	swait.ge [sflag:s1], $0xC000  }
0x211: {  	[sflag:s1] =	ssyncset.done $0x0  }
0x212: {  	[sflag:s1] =	ssyncadd.s32 $0xFFFF4000  }
0x213: {  	v3 =	vld [tilespmem:$0x18180];
	_ =	sdelay $0x4  }
0x214: {  	v56 =	vshrl.u32 v3, $0x3  }
0x215: {  	v4 =	vmul.u32 $0x30, v56  }
0x216: {  	v3 =	vand.u32 $0x7, v3  }
0x217: {  	v3 =	vor.u32 v3, v4  }
0x218: {  	v4 =	vperm.xlane v3, v0;
	_ =	sdelay $0x1  }
0x219: {  	v4 =	vadd.s32 v1, v4;
	_ =	sdelay $0x3  }
0x21a: {  	v3 =	vperm.xlane v3, v2  }
0x21b: {  	[tilespmem:s2], [sflag:$0x1] =	stream.indirect_vreg.gather [hbm4b:s3+s2], $0x80, v4, vm0, $0xb8;
	[tilespmem:$0x18400] =	vst v63  }
0x21c: {  	s0 =	simm.s32 $0x800;
	v3 =	vadd.s32 v1, v3  }
0x21d: {  	[tilespmem:s0], [sflag:$0x1] =	stream.indirect_vreg.gather [hbm4b:s4+s2], $0x80, v4, vm0, $0xb8;
	[tilespmem:$0x18400] =	vst v63  }
0x21e: {  	s7 =	simm.s32 $0x1000  }
0x21f: {  	[tilespmem:s7], [sflag:$0x1] =	stream.indirect_vreg.gather [hbm4b:s5+s2], $0x80, v4, vm0, $0xb8;
	[tilespmem:$0x18400] =	vst v63  }
0x220: {  	s10 =	simm.s32 $0x1800  }
0x221: {  	[tilespmem:s10], [sflag:$0x1] =	stream.indirect_vreg.gather [hbm4b:s3+s2], $0x80, v3, vm0, $0xb8;
	[tilespmem:$0x18400] =	vst v63  }
0x222: {  	s11 =	simm.s32 $0x2000  }
0x223: {  	[tilespmem:s11], [sflag:$0x1] =	stream.indirect_vreg.gather [hbm4b:s4+s2], $0x80, v3, vm0, $0xb8;
	[tilespmem:$0x18400] =	vst v63  }
0x224: {  	s10 =	simm.s32 $0x2800  }
0x225: {  	[tilespmem:s10], [sflag:$0x1] =	stream.indirect_vreg.gather [hbm4b:s5+s2], $0x80, v3, vm0, $0xb8;
	[tilespmem:$0x18400] =	vst v63  }
0x226: {  	v3 =	vld [tilespmem:$0x18190];
	_ =	sdelay $0x4  }
0x227: {  	v57 =	vshrl.u32 v3, $0x3  }
0x228: {  	v4 =	vmul.u32 $0x30, v57  }
0x229: {  	v3 =	vand.u32 $0x7, v3  }
0x22a: {  	v3 =	vor.u32 v3, v4  }
0x22b: {  	v4 =	vperm.xlane v3, v0;
	_ =	sdelay $0x1  }
0x22c: {  	v4 =	vadd.s32 v1, v4;
	_ =	sdelay $0x3  }
0x22d: {  	s11 =	simm.s32 $0x3000;
	v3 =	vperm.xlane v3, v2  }
0x22e: {  	[tilespmem:s11], [sflag:$0x1] =	stream.indirect_vreg.gather [hbm4b:s3+s2], $0x80, v4, vm0, $0xb8;
	[tilespmem:$0x18400] =	vst v63  }
0x22f: {  	s12 =	simm.s32 $0x3800;
	v3 =	vadd.s32 v1, v3  }
0x230: {  	[tilespmem:s12], [sflag:$0x1] =	stream.indirect_vreg.gather [hbm4b:s4+s2], $0x80, v4, vm0, $0xb8;
	[tilespmem:$0x18400] =	vst v63  }
0x231: {  	s13 =	simm.s32 $0x4000  }
0x232: {  	[tilespmem:s13], [sflag:$0x1] =	stream.indirect_vreg.gather [hbm4b:s5+s2], $0x80, v4, vm0, $0xb8;
	[tilespmem:$0x18400] =	vst v63  }
0x233: {  	s14 =	simm.s32 $0x4800  }
0x234: {  	[tilespmem:s14], [sflag:$0x1] =	stream.indirect_vreg.gather [hbm4b:s3+s2], $0x80, v3, vm0, $0xb8;
	[tilespmem:$0x18400] =	vst v63  }
0x235: {  	s15 =	simm.s32 $0x5000  }
0x236: {  	[tilespmem:s15], [sflag:$0x1] =	stream.indirect_vreg.gather [hbm4b:s4+s2], $0x80, v3, vm0, $0xb8;
	[tilespmem:$0x18400] =	vst v63  }
0x237: {  	s14 =	simm.s32 $0x5800  }
0x238: {  	[tilespmem:s14], [sflag:$0x1] =	stream.indirect_vreg.gather [hbm4b:s5+s2], $0x80, v3, vm0, $0xb8;
	[tilespmem:$0x18400] =	vst v63  }
0x239: {  	v3 =	vld [tilespmem:$0x181A0];
	_ =	sdelay $0x4  }
0x23a: {  	v58 =	vshrl.u32 v3, $0x3  }
0x23b: {  	v4 =	vmul.u32 $0x30, v58  }
0x23c: {  	v3 =	vand.u32 $0x7, v3  }
0x23d: {  	v3 =	vor.u32 v3, v4  }
0x23e: {  	v4 =	vperm.xlane v3, v0;
	_ =	sdelay $0x1  }
0x23f: {  	v4 =	vadd.s32 v1, v4;
	_ =	sdelay $0x3  }
0x240: {  	s15 =	simm.s32 $0x6000;
	v3 =	vperm.xlane v3, v2  }
0x241: {  	[tilespmem:s15], [sflag:$0x1] =	stream.indirect_vreg.gather [hbm4b:s3+s2], $0x80, v4, vm0, $0xb8;
	[tilespmem:$0x18400] =	vst v63  }
0x242: {  	s16 =	simm.s32 $0x6800;
	v3 =	vadd.s32 v1, v3  }
0x243: {  	[tilespmem:s16], [sflag:$0x1] =	stream.indirect_vreg.gather [hbm4b:s4+s2], $0x80, v4, vm0, $0xb8;
	[tilespmem:$0x18400] =	vst v63  }
0x244: {  	s17 =	simm.s32 $0x7000  }
0x245: {  	[tilespmem:s17], [sflag:$0x1] =	stream.indirect_vreg.gather [hbm4b:s5+s2], $0x80, v4, vm0, $0xb8;
	[tilespmem:$0x18400] =	vst v63  }
0x246: {  	s18 =	simm.s32 $0x7800  }
0x247: {  	[tilespmem:s18], [sflag:$0x1] =	stream.indirect_vreg.gather [hbm4b:s3+s2], $0x80, v3, vm0, $0xb8;
	[tilespmem:$0x18400] =	vst v63  }
0x248: {  	s19 =	simm.s32 $0x8000  }
0x249: {  	[tilespmem:s19], [sflag:$0x1] =	stream.indirect_vreg.gather [hbm4b:s4+s2], $0x80, v3, vm0, $0xb8;
	[tilespmem:$0x18400] =	vst v63  }
0x24a: {  	s19 =	simm.s32 $0x8800  }
0x24b: {  	[tilespmem:s19], [sflag:$0x1] =	stream.indirect_vreg.gather [hbm4b:s5+s2], $0x80, v3, vm0, $0xb8;
	[tilespmem:$0x18400] =	vst v63  }
0x24c: {  	v3 =	vld [tilespmem:$0x181B0];
	_ =	sdelay $0x4  }
0x24d: {  	v59 =	vshrl.u32 v3, $0x3  }
0x24e: {  	v4 =	vmul.u32 $0x30, v59  }
0x24f: {  	v3 =	vand.u32 $0x7, v3  }
0x250: {  	v3 =	vor.u32 v3, v4  }
0x251: {  	v4 =	vperm.xlane v3, v0;
	_ =	sdelay $0x1  }
0x252: {  	v4 =	vadd.s32 v1, v4;
	_ =	sdelay $0x3  }
0x253: {  	s7 =	simm.s32 $0x9000;
	v3 =	vperm.xlane v3, v2  }
0x254: {  	[tilespmem:s7], [sflag:$0x1] =	stream.indirect_vreg.gather [hbm4b:s3+s2], $0x80, v4, vm0, $0xb8;
	[tilespmem:$0x18400] =	vst v63  }
0x255: {  	s20 =	simm.s32 $0x9800;
	v3 =	vadd.s32 v1, v3  }
0x256: {  	[tilespmem:s20], [sflag:$0x1] =	stream.indirect_vreg.gather [hbm4b:s4+s2], $0x80, v4, vm0, $0xb8;
	[tilespmem:$0x18400] =	vst v63  }
0x257: {  	s21 =	simm.s32 $0xA000  }
0x258: {  	[tilespmem:s21], [sflag:$0x1] =	stream.indirect_vreg.gather [hbm4b:s5+s2], $0x80, v4, vm0, $0xb8;
	[tilespmem:$0x18400] =	vst v63  }
0x259: {  	s8 =	simm.s32 $0xA800  }
0x25a: {  	[tilespmem:s8], [sflag:$0x1] =	stream.indirect_vreg.gather [hbm4b:s3+s2], $0x80, v3, vm0, $0xb8;
	[tilespmem:$0x18400] =	vst v63  }
0x25b: {  	s22 =	simm.s32 $0xB000  }
0x25c: {  	[tilespmem:s22], [sflag:$0x1] =	stream.indirect_vreg.gather [hbm4b:s4+s2], $0x80, v3, vm0, $0xb8;
	[tilespmem:$0x18400] =	vst v63  }
0x25d: {  	s9 =	simm.s32 $0xB800  }
0x25e: {  	[tilespmem:s9], [sflag:$0x1] =	stream.indirect_vreg.gather [hbm4b:s5+s2], $0x80, v3, vm0, $0xb8;
	[tilespmem:$0x18400] =	vst v63  }
0x25f: {  	v3 =	vld [tilespmem:$0x18380];
	_ =	sdelay $0x4  }
0x260: {  	v60 =	vshrl.u32 v3, $0x3  }
0x261: {  	v4 =	vmul.u32 $0x30, v60  }
0x262: {  	v3 =	vand.u32 $0x7, v3  }
0x263: {  	v3 =	vor.u32 v3, v4  }
0x264: {  	v4 =	vperm.xlane v3, v0;
	_ =	sdelay $0x1  }
0x265: {  	v4 =	vadd.s32 v1, v4;
	_ =	sdelay $0x3  }
0x266: {  	v3 =	vperm.xlane v3, v2  }
0x267: {  	[tilespmem:s28], [sflag:$0x1] =	stream.indirect_vreg.gather [hbm4b:s3+s2], $0x80, v4, vm0, $0xb8;
	[tilespmem:$0x18400] =	vst v63  }
0x268: {  	s23 =	simm.s32 $0xC800;
	v3 =	vadd.s32 v1, v3  }
0x269: {  	[tilespmem:s23], [sflag:$0x1] =	stream.indirect_vreg.gather [hbm4b:s4+s2], $0x80, v4, vm0, $0xb8;
	[tilespmem:$0x18400] =	vst v63  }
0x26a: {  	s24 =	simm.s32 $0xD000  }
0x26b: {  	[tilespmem:s24], [sflag:$0x1] =	stream.indirect_vreg.gather [hbm4b:s5+s2], $0x80, v4, vm0, $0xb8;
	[tilespmem:$0x18400] =	vst v63  }
0x26c: {  	s25 =	simm.s32 $0xD800  }
0x26d: {  	[tilespmem:s25], [sflag:$0x1] =	stream.indirect_vreg.gather [hbm4b:s3+s2], $0x80, v3, vm0, $0xb8;
	[tilespmem:$0x18400] =	vst v63  }
0x26e: {  	s26 =	simm.s32 $0xE000  }
0x26f: {  	[tilespmem:s26], [sflag:$0x1] =	stream.indirect_vreg.gather [hbm4b:s4+s2], $0x80, v3, vm0, $0xb8;
	[tilespmem:$0x18400] =	vst v63  }
0x270: {  	s10 =	simm.s32 $0xE800  }
0x271: {  	[tilespmem:s10], [sflag:$0x1] =	stream.indirect_vreg.gather [hbm4b:s5+s2], $0x80, v3, vm0, $0xb8;
	[tilespmem:$0x18400] =	vst v63  }
0x272: {  	v3 =	vld [tilespmem:$0x18390];
	_ =	sdelay $0x4  }
0x273: {  	v61 =	vshrl.u32 v3, $0x3  }
0x274: {  	v4 =	vmul.u32 $0x30, v61  }
0x275: {  	v3 =	vand.u32 $0x7, v3  }
0x276: {  	v3 =	vor.u32 v3, v4  }
0x277: {  	v4 =	vperm.xlane v3, v0;
	_ =	sdelay $0x1  }
0x278: {  	v4 =	vadd.s32 v1, v4;
	_ =	sdelay $0x3  }
0x279: {  	s11 =	simm.s32 $0xF000;
	v3 =	vperm.xlane v3, v2  }
0x27a: {  	[tilespmem:s11], [sflag:$0x1] =	stream.indirect_vreg.gather [hbm4b:s3+s2], $0x80, v4, vm0, $0xb8;
	[tilespmem:$0x18400] =	vst v63  }
0x27b: {  	s29 =	simm.s32 $0xF800;
	v3 =	vadd.s32 v1, v3  }
0x27c: {  	[tilespmem:s29], [sflag:$0x1] =	stream.indirect_vreg.gather [hbm4b:s4+s2], $0x80, v4, vm0, $0xb8;
	[tilespmem:$0x18400] =	vst v63  }
0x27d: {  	s30 =	simm.s32 $0x10000  }
0x27e: {  	[tilespmem:s30], [sflag:$0x1] =	stream.indirect_vreg.gather [hbm4b:s5+s2], $0x80, v4, vm0, $0xb8;
	[tilespmem:$0x18400] =	vst v63  }
0x27f: {  	s12 =	simm.s32 $0x10800  }
0x280: {  	[tilespmem:s12], [sflag:$0x1] =	stream.indirect_vreg.gather [hbm4b:s3+s2], $0x80, v3, vm0, $0xb8;
	[tilespmem:$0x18400] =	vst v63  }
0x281: {  	s13 =	simm.s32 $0x11000  }
0x282: {  	[tilespmem:s13], [sflag:$0x1] =	stream.indirect_vreg.gather [hbm4b:s4+s2], $0x80, v3, vm0, $0xb8;
	[tilespmem:$0x18400] =	vst v63  }
0x283: {  	s14 =	simm.s32 $0x11800  }
0x284: {  	[tilespmem:s14], [sflag:$0x1] =	stream.indirect_vreg.gather [hbm4b:s5+s2], $0x80, v3, vm0, $0xb8;
	[tilespmem:$0x18400] =	vst v63  }
0x285: {  	v3 =	vld [tilespmem:$0x183A0];
	_ =	sdelay $0x4  }
0x286: {  	v62 =	vshrl.u32 v3, $0x3  }
0x287: {  	v4 =	vmul.u32 $0x30, v62  }
0x288: {  	v3 =	vand.u32 $0x7, v3  }
0x289: {  	v3 =	vor.u32 v3, v4  }
0x28a: {  	v4 =	vperm.xlane v3, v0;
	_ =	sdelay $0x1  }
0x28b: {  	v4 =	vadd.s32 v1, v4;
	_ =	sdelay $0x3  }
0x28c: {  	s15 =	simm.s32 $0x12000;
	v3 =	vperm.xlane v3, v2  }
0x28d: {  	[tilespmem:s15], [sflag:$0x1] =	stream.indirect_vreg.gather [hbm4b:s3+s2], $0x80, v4, vm0, $0xb8;
	[tilespmem:$0x18400] =	vst v63  }
0x28e: {  	s16 =	simm.s32 $0x12800;
	v3 =	vadd.s32 v1, v3  }
0x28f: {  	[tilespmem:s16], [sflag:$0x1] =	stream.indirect_vreg.gather [hbm4b:s4+s2], $0x80, v4, vm0, $0xb8;
	[tilespmem:$0x18400] =	vst v63  }
0x290: {  	s17 =	simm.s32 $0x13000  }
0x291: {  	[tilespmem:s17], [sflag:$0x1] =	stream.indirect_vreg.gather [hbm4b:s5+s2], $0x80, v4, vm0, $0xb8;
	[tilespmem:$0x18400] =	vst v63  }
0x292: {  	s18 =	simm.s32 $0x13800  }
0x293: {  	[tilespmem:s18], [sflag:$0x1] =	stream.indirect_vreg.gather [hbm4b:s3+s2], $0x80, v3, vm0, $0xb8;
	[tilespmem:$0x18400] =	vst v63  }
0x294: {  	s19 =	simm.s32 $0x14000  }
0x295: {  	[tilespmem:s19], [sflag:$0x1] =	stream.indirect_vreg.gather [hbm4b:s4+s2], $0x80, v3, vm0, $0xb8;
	[tilespmem:$0x18400] =	vst v63  }
0x296: {  	s20 =	simm.s32 $0x14800  }
0x297: {  	[tilespmem:s20], [sflag:$0x1] =	stream.indirect_vreg.gather [hbm4b:s5+s2], $0x80, v3, vm0, $0xb8;
	[tilespmem:$0x18400] =	vst v63  }
0x298: {  	v3 =	vld [tilespmem:$0x183B0];
	_ =	sdelay $0x4  }
0x299: {  	v63 =	vshrl.u32 v3, $0x3  }
0x29a: {  	v4 =	vmul.u32 $0x30, v63  }
0x29b: {  	v3 =	vand.u32 $0x7, v3  }
0x29c: {  	v3 =	vor.u32 v3, v4  }
0x29d: {  	v4 =	vperm.xlane v3, v0;
	_ =	sdelay $0x1  }
0x29e: {  	v4 =	vadd.s32 v1, v4;
	_ =	sdelay $0x3  }
0x29f: {  	s21 =	simm.s32 $0x15000;
	v3 =	vperm.xlane v3, v2  }
0x2a0: {  	[tilespmem:s21], [sflag:$0x1] =	stream.indirect_vreg.gather [hbm4b:s3+s2], $0x80, v4, vm0, $0xb8;
	[tilespmem:$0x18400] =	vst v63  }
0x2a1: {  	s22 =	simm.s32 $0x15800;
	v3 =	vadd.s32 v1, v3  }
0x2a2: {  	[tilespmem:s22], [sflag:$0x1] =	stream.indirect_vreg.gather [hbm4b:s4+s2], $0x80, v4, vm0, $0xb8;
	[tilespmem:$0x18400] =	vst v63  }
0x2a3: {  	s23 =	simm.s32 $0x16000  }
0x2a4: {  	[tilespmem:s23], [sflag:$0x1] =	stream.indirect_vreg.gather [hbm4b:s5+s2], $0x80, v4, vm0, $0xb8;
	[tilespmem:$0x18400] =	vst v63  }
0x2a5: {  	s24 =	simm.s32 $0x16800  }
0x2a6: {  	[tilespmem:s24], [sflag:$0x1] =	stream.indirect_vreg.gather [hbm4b:s3+s2], $0x80, v3, vm0, $0xb8;
	[tilespmem:$0x18400] =	vst v63  }
0x2a7: {  	s25 =	simm.s32 $0x17000  }
0x2a8: {  	[tilespmem:s25], [sflag:$0x1] =	stream.indirect_vreg.gather [hbm4b:s4+s2], $0x80, v3, vm0, $0xb8;
	[tilespmem:$0x18400] =	vst v63  }
0x2a9: {  	s26 =	simm.s32 $0x17800  }
0x2aa: {  	[tilespmem:s26], [sflag:$0x1] =	stream.indirect_vreg.gather [hbm4b:s5+s2], $0x80, v3, vm0, $0xb8;
	[tilespmem:$0x18400] =	vst v63  }
0x2ab: {  	_ =	swait.ge [sflag:s31], $0xC000  }
0x2ac: {  	[sflag:s31] =	ssyncset.done $0x0  }
0x2ad: {  	[sflag:s31] =	ssyncadd.s32 $0xFFFF4000  }
0x2ae: {  	_ =	swait.ge [sflag:s31], $0xC000  }
0x2af: {  	[sflag:s31] =	ssyncset.done $0x0  }
0x2b0: {  	s29 =	rddreg [dreg:$0xa];
	[sflag:s31] =	ssyncadd.s32 $0xFFFF4000  }
0x2b1: {  	[hbm4b:s29+s2] =	stream.linear.scatter [tilespmem:s2], [sflag:$0x2], $0xC000, $0x38;
	[tilespmem:$0x18400] =	vst v63  }
0x2b2: {  	s30 =	rddreg [dreg:$0xb]  }
0x2b3: {  	[hbm4b:s30+s2] =	stream.linear.scatter [tilespmem:s28], [sflag:$0x2], $0xC000, $0x38;
	[tilespmem:$0x18400] =	vst v63  }
0x2b4: {  	p0 =	sne.s32 s6, $0x1;
	_ =	swait.ge [sflag:s1], $0xC000  }
.Ltmp0:
0x2b5: {  	[sflag:s1] =	ssyncset.done $0x0;
	(pc) =	sbr.rel @p0 .LBB2_1-.Ltmp0, $4  }
0x2b6: {  	[sflag:s1] =	ssyncadd.s32 $0xFFFF4000  }
0x2b7: {  	_ =	swait.ge [sflag:s1], $0xC000  }
0x2b8: {  	[sflag:s1] =	ssyncset.done $0x0  }
0x2b9: {  	s6 =	sadd.s32 $0xFFFFFFFF, s6;
	[sflag:s1] =	ssyncadd.s32 $0xFFFF4000  }
0x2ba: {  	_ =	sfence.sel $0x180000  }
0x2bb: {  	[bflag:$0x0] =	sbarrier.arrive $0xFFFF  }
0x2bc: {  	_ =	strace $0x9000004A  }
0x2bd: {  	s0 =	stileid.u32;
	[bflag:$0x2] =	sbarrier.arrive $0xFFFF  }
0x2be: {  	p0 =	sne.s32 s0, $0x0;
	s0 =	rddreg [dreg:$0x1]  }
0x2bf: {  	s0 =	sadd.s32 @!p0 $0x100000, s0  }
0x2c0: {  	[sflag:s0] =	ssyncadd.tile.s32 @!p0 $0x1;
	_ =	shalt  }
.Lfunc_end2:
_tile_overlayer_lowered:
.L_overlay_start_2:
0x2c1: {  	(tag) =	ssettag $0x2  }
0x2c2: {  	s0 =	rddreg [dreg:$0x0];
	s2 =	stileid.u32  }
0x2c3: {  	s1 =	rddreg [dreg:$0x1];
	p0 =	sne.s32 s2, $0x0  }
0x2c4: {  	s3 =	rddreg [dreg:$0x2];
	[bflag:$0x3] =	sbarrier.arrive $0xFFFF;
	s2 =	simm.s32 @!p0 $0x1C03  }
0x2c5: {  	[timem:s3], [sflag:s2] =	dma.local @!p0 [hbm:s0], s1  }
0x2c6: {  	s0 =	simm.s32 @!p0 $0x3  }
0x2c7: {  	_ =	swait.ge @!p0 [sflag:s0], s1  }
0x2c8: {  	s1 =	ssub.s32 @!p0 $0x0, s1;
	[sflag:s0] =	ssyncset.done @!p0 $0x0  }
0x2c9: {  	[sflag:s0] =	ssyncadd.s32 @!p0 s1  }
0x2ca: {  	[bflag:$0x3] =	sbarrier.arrive $0xFFFF  }
0x2cb: {  	_ =	shalt  }

// kernel: kernel.7.cloned.1.call-start
scs
__scs_entry_jumppad:
0x0: {  	(pc) =	sbr.rel $0x88, $3  }
0x1: {  	(tag) =	ssettag $0x0;
	lr =	simm.s32 $0x1  }
0x2: {  	[smem:$0x3F97] =	sst lr;
	_ =	strace $0xD0000000  }
0x3: {  	_ = 	snop  }
0x4: {  	_ = 	snop  }
0x5: {  	_ = 	snop  }
0x6: {  	_ = 	snop  }
0x7: {  	_ = 	snop  }
__scs_overlays_trampoline_lowered:
0x8: {  	[smem:$0x3FA6] =	sst s0  }
0x9: {  	[smem:$0x3FA7] =	sst s1  }
0xa: {  	[smem:$0x3FA8] =	sst s2  }
0xb: {  	[smem:$0x3FA9] =	sst s3  }
0xc: {  	[smem:$0x3FAA] =	sst s4  }
0xd: {  	[smem:$0x3FAB] =	sst s5  }
0xe: {  	[smem:$0x3FAC] =	sst s6  }
0xf: {  	[smem:$0x3FAD] =	sst s7  }
0x10: {  	[smem:$0x3FAE] =	sst s8  }
0x11: {  	[smem:$0x3FAF] =	sst s9;
	s0 =	simm.s32 @!p0 $0x0  }
0x12: {  	s1 =	sld [smem:$0x3F95];
	s0 =	simm.s32 @p0 $0x1  }
0x13: {  	[smem:$0x3FB0] =	sst s0;
	s0 =	simm.s32 @!p1 $0x0  }
0x14: {  	s2 =	sld [smem:$0x3F94];
	s0 =	simm.s32 @p1 $0x1  }
0x15: {  	[smem:$0x3FB1] =	sst s0;
	s0 =	simm.s32 @!p2 $0x0  }
0x16: {  	s3 =	sld [smem:$0x3FDB];
	s0 =	simm.s32 @p2 $0x1  }
0x17: {  	s4 =	simm.s32 $0x1BF5;
	[smem:$0x3FB3] =	sst s0  }
0x18: {  	s0 =	sld [smem:$0x3F96];
	_ =	swait.ge [sflag:s4], $0x0  }
0x19: {  	s7 =	sld [smem:$0x3F97]  }
0x1a: {  	s8 =	sadd.s32 $0xFFFFE003, lr  }
0x1b: {  	s9 =	sadd.s32 $0xFFFFFEF7, lr;
	s5 =	simm.s32 $0xFFFFFFFF;
	p2 =	slt.u32 s8, $0xFFFFF086  }
0x1c: {  	p1 =	slt.u32 s9, $0xF7A;
	s5 =	simm.s32 @!p2 $0x0  }
0x1d: {  	s5 =	simm.s32 @p1 $0x1;
	p0 =	seq.s32 s7, s2  }
0x1e: {  	s7 =	smul.u32 @!p0 $0xF7A, s2;
	p2 =	seq.s32 @!p0 s5, $0x0  }
0x1f: {  	s9 =	smul.u32 $0xF7A, s1;
	s8 =	simm.s32 @!p0 $0x1BF5;
	p2 =	por !p2, p0  }
0x20: {  	[sflag:s8] =	ssyncset.s32 @!p0 $0xFFFFF086;
	s6 =	sadd.s32 @!p0 s3, s7;
	s7 =	simm.s32 @!p0 $0x108  }
0x21: {  	s3 =	sadd.s32 s3, s9;
	s6 =	sadd.s32 @!p0 $0x88, s6;
	s7 =	simm.s32 @p2 $0x1082  }
0x22: {  	[simem:s7], [sflag:s8] =	dma.local @!p0 [hbm:s6], $0xF7A  }
0x23: {  	s9 =	sor.u32 $0xD0000000, s2;
	s6 =	simm.s32 $0x108;
	_ =	swait.ge @!p0 [sflag:s8], $0x0  }
0x24: {  	s3 =	sadd.s32 $0x88, s3;
	s6 =	simm.s32 @!p1 $0x1082;
	[sflag:s4] =	ssyncset.s32 $0xFFFFF086  }
0x25: {  	[simem:s6], [sflag:s4] =	dma.local [hbm:s3], $0xF7A  }
0x26: {  	[smem:$0x3F97] =	sst s1;
	(tag) =	ssettag s2;
	_ =	strace s9  }
0x27: {  	s1 =	sld [smem:$0x3FA7]  }
0x28: {  	s2 =	sld [smem:$0x3FA8]  }
0x29: {  	s4 =	sld [smem:$0x3FAA]  }
0x2a: {  	p0 =	seq.s32 s5, $0x0;
	s5 =	sld [smem:$0x3FAB]  }
0x2b: {  	s6 =	sld [smem:$0x3FAC]  }
0x2c: {  	s7 =	sld [smem:$0x3FAD]  }
0x2d: {  	s3 =	simm.s32 $0x108;
	s8 =	sld [smem:$0x3FAE]  }
0x2e: {  	s3 =	simm.s32 @!p0 $0x1082;
	s9 =	sld [smem:$0x3FAF]  }
0x2f: {  	lr =	sadd.s32 s0, s3;
	s0 =	sld [smem:$0x3FA6]  }
0x30: {  	s3 =	sld [smem:$0x3FA9]  }
0x31: {  	[smem:$0x3FB2] =	sst s10  }
0x32: {  	s10 =	sld [smem:$0x3FB0];
	_ =	sdelay $0x3  }
0x33: {  	p0 =	seq.s32 s10, $0x1;
	s10 =	sld [smem:$0x3FB2];
	_ =	sdelay $0x3  }
0x34: {  	[smem:$0x3FB2] =	sst s10  }
0x35: {  	s10 =	sld [smem:$0x3FB1];
	_ =	sdelay $0x3  }
0x36: {  	p1 =	seq.s32 s10, $0x1;
	s10 =	sld [smem:$0x3FB2];
	_ =	sdelay $0x3  }
0x37: {  	[smem:$0x3FB2] =	sst s10  }
0x38: {  	s10 =	sld [smem:$0x3FB3]  }
0x39: {  	_ = 	snop;
	(pc) =	sbr.ind lr, $3  }
0x3a: {  	_ = 	snop  }
0x3b: {  	_ = 	snop  }
0x3c: {  	p2 =	seq.s32 s10, $0x1;
	s10 =	sld [smem:$0x3FB2]  }
0x3d: {  	_ =	shalt  }
0x3e: {  	_ =	shalt  }
0x3f: {  	_ =	shalt  }
0x40: {  	_ =	shalt  }
0x41: {  	_ =	shalt  }
0x42: {  	_ =	shalt  }
0x43: {  	_ =	shalt  }
0x44: {  	_ =	shalt  }
0x45: {  	_ =	shalt  }
0x46: {  	_ =	shalt  }
0x47: {  	_ =	shalt  }
0x48: {  	_ =	shalt  }
0x49: {  	_ =	shalt  }
0x4a: {  	_ =	shalt  }
0x4b: {  	_ =	shalt  }
0x4c: {  	_ =	shalt  }
0x4d: {  	_ =	shalt  }
0x4e: {  	_ =	shalt  }
0x4f: {  	_ =	shalt  }
0x50: {  	_ =	shalt  }
0x51: {  	_ =	shalt  }
0x52: {  	_ =	shalt  }
0x53: {  	_ =	shalt  }
0x54: {  	_ =	shalt  }
0x55: {  	_ =	shalt  }
0x56: {  	_ =	shalt  }
0x57: {  	_ =	shalt  }
0x58: {  	_ =	shalt  }
0x59: {  	_ =	shalt  }
0x5a: {  	_ =	shalt  }
0x5b: {  	_ =	shalt  }
0x5c: {  	_ =	shalt  }
0x5d: {  	_ =	shalt  }
0x5e: {  	_ =	shalt  }
0x5f: {  	_ =	shalt  }
0x60: {  	_ =	shalt  }
0x61: {  	_ =	shalt  }
0x62: {  	_ =	shalt  }
0x63: {  	_ =	shalt  }
0x64: {  	_ =	shalt  }
0x65: {  	_ =	shalt  }
0x66: {  	_ =	shalt  }
0x67: {  	_ =	shalt  }
0x68: {  	_ =	shalt  }
0x69: {  	_ =	shalt  }
0x6a: {  	_ =	shalt  }
0x6b: {  	_ =	shalt  }
0x6c: {  	_ =	shalt  }
0x6d: {  	_ =	shalt  }
0x6e: {  	_ =	shalt  }
0x6f: {  	_ =	shalt  }
0x70: {  	_ =	shalt  }
0x71: {  	_ =	shalt  }
0x72: {  	_ =	shalt  }
0x73: {  	_ =	shalt  }
0x74: {  	_ =	shalt  }
0x75: {  	_ =	shalt  }
0x76: {  	_ =	shalt  }
0x77: {  	_ =	shalt  }
0x78: {  	_ =	shalt  }
0x79: {  	_ =	shalt  }
0x7a: {  	_ =	shalt  }
0x7b: {  	_ =	shalt  }
0x7c: {  	_ =	shalt  }
0x7d: {  	_ =	shalt  }
0x7e: {  	_ =	shalt  }
0x7f: {  	_ =	shalt  }
0x80: {  	_ =	shalt  }
0x81: {  	_ =	shalt  }
0x82: {  	_ =	shalt  }
0x83: {  	_ =	shalt  }
0x84: {  	_ =	shalt  }
0x85: {  	_ =	shalt  }
0x86: {  	_ =	shalt  }
0x87: {  	_ =	shalt  }
.Lfunc_end0:
.L_simem_size_0:
called_computation_lowered:
.L_overlay_start_0:
0x88: {  	s2 =	sld [smem:$0x3FD9]  }
0x89: {  	s3 =	sld [smem:$0x3FFE];
	_ =	sdelay $0x1  }
0x8a: {  	s1 =	srdreg.scid  }
0x8b: {  	s0 =	sand.u32 $0x1, s1  }
0x8c: {  	s17 =	sshll.u32 s0, $0xA;
	s2 =	sadd.s32 s3, s2  }
0x8d: {  	s2 =	sadd.s32 s2, s17  }
0x8e: {  	[smem:$0x3FBE] =	sst s2  }
0x8f: {  	_ = 	snop  }
0x90: {  	s2 =	sld [smem:$0x3FC9];
	(tm) =	ssettm $0x1  }
0x91: {  	s18 =	sld [smem:$0x3FFB];
	_ =	sdelay $0x3  }
0x92: {  	_ =	strace s18  }
0x93: {  	s3 =	sld [smem:$0x3FFC];
	_ =	sdelay $0x3  }
0x94: {  	_ =	strace s3  }
0x95: {  	s3 =	sld [smem:$0x3FFD];
	_ =	sdelay $0x3  }
0x96: {  	_ =	strace s3  }
0x97: {  	_ =	strace $0x8FFFFFFF  }
0x98: {  	s19 =	sld [smem:$0x3FDB];
	_ =	sdelay $0x1  }
0x99: {  	s4 =	simm.s32 $_scs_section_size  }
0x9a: {  	s5 =	simm.s32 $_size__tile_overlayer_lowered;
	s6 =	simm.s32 $_tile_overlayer_lowered  }
0x9b: {  	s22 =	simm.s32 $0x1BFF;
	s21 =	sshll.u32 s6, $0x1;
	s3 =	sadd.s32 s4, s19  }
0x9c: {  	s7 =	simm.s32 $0x0;
	s20 =	sshll.u32 s5, $0x1;
	s5 =	sadd.s32 s21, s3  }
0x9d: {  	[timem:s7], [sflag:s22] =	dma.local [hbm:s5], s20  }
0x9e: {  	_ =	swait.ge [sflag:s22], s20  }
0x9f: {  	s4 =	ssub.s32 $0x0, s20;
	[sflag:s22] =	ssyncset.done $0x0  }
0xa0: {  	[sflag:s22] =	ssyncadd.s32 s4;
	_ =	sdelay $0x1  }
0xa1: {  	s23 =	simm.s32 $0x1B8B  }
0xa2: {  	_ =	swait.ge [sflag:s23], $0x1  }
0xa3: {  	[sflag:s23] =	ssyncset.done $0x0  }
0xa4: {  	s25 =	simm.s32 $0x1B8E;
	s24 =	sld [smem:$0x3FFE];
	[sflag:s23] =	ssyncadd.s32 $0xFFFFFFFF  }
0xa5: {  	s26 =	simm.s32 $execute0_lowered;
	[smem:$0x3FD2] =	sst s25  }
0xa6: {  	s5 =	sshll.u32 s26, $0x1;
	_ =	strace $0x80000046;
	[dreg:$0x1] =	wrdreg $0xFFFFFFFF  }
0xa7: {  	s28 =	simm.s32 $_size_execute0_lowered;
	s3 =	sadd.s32 s3, s5;
	[dreg:$0x0] =	wrdreg $0x0  }
0xa8: {  	s5 =	sshll.u32 s28, $0x1;
	[dreg:$0x2] =	wrdreg s3  }
0xa9: {  	[dreg:$0x3] =	wrdreg s5  }
0xaa: {  	[dreg:$0x4] =	wrdreg $0xC0  }
0xab: {  	_ =	task [dreg:s7], $0x5FFFF  }
0xac: {  	[dreg:$0x1] =	wrdreg $0xFFFFFFFF  }
0xad: {  	[dreg:$0x0] =	wrdreg $0x60  }
0xae: {  	[dreg:$0x2] =	wrdreg s2  }
0xaf: {  	[dreg:$0x3] =	wrdreg s24  }
0xb0: {  	[dreg:$0x4] =	wrdreg $0x9  }
0xb1: {  	_ =	task.clear_ibuf [dreg:s7], $0x5FFFF;
	_ =	strace $0x90000046  }
0xb2: {  	s29 =	simm.s32 $0x9;
	_ =	strace $0x80000048  }
0xb3: {  	_ =	swait.ge [sflag:s29], $0x1  }
0xb4: {  	[sflag:s29] =	ssyncadd.s32 $0xFFFFFFFF  }
0xb5: {  	_ =	strace $0x90000048  }
0xb6: {  	_ =	sfence  }
0xb7: {  	s30 =	sld [smem:$0x0];
	_ =	sdelay $0x2  }
0xb8: {  	s31 =	sshll.u32 s1, $0xD;
	s1 =	sshrl.u32 s1, $0x2  }
0xb9: {  	s3 =	sand.u32 $0x4000, s31;
	s1 =	sadd.s32 s1, s30  }
0xba: {  	s0 =	sor.u32 s3, s0;
	s1 =	sshll.u32 s1, $0x11  }
0xbb: {  	s0 =	sor.u32 s1, s0  }
0xbc: {  	s0 =	sadd.s32 $0x8F2B, s0  }
0xbd: {  	[sflag:s0] =	ssyncadd.remote.s32 $0x1  }
0xbe: {  	_ =	sfence.sel $0xFFFF  }
0xbf: {  	[dreg:$0x0] =	wrdreg $0xFFFFFFFF;
	(pc) =	sbr.abs _section_cstart, $3  }
0xc0: {  	[dreg:$0x1] =	wrdreg $0xFFFFFFFF  }
0xc1: {  	_ =	task.clear_ibuf [dreg:s7], $0x2FFFF;
	_ =	strace $0x9FFFFFFF  }
0xc2: {  	(tm) =	ssettm $0x7FFFFFFF  }
0xc3: {  	_ =	shalt  }
tec
execute0_lowered:
.L_overlay_start_1:
0x0: {  	(tag) =	ssettag $0x1  }
0x1: {  	s0 =	rddreg [dreg:$0x0]  }
0x2: {  	s1 =	rddreg [dreg:$0x1];
	s3 =	srdreg.scid;
	s2 =	simm.s32 $0x0  }
0x3: {  	s6 =	stileid.u32;
	s30 =	simm.s32 $0x18000;
	s31 =	simm.s32 $0x18200  }
0x4: {  	s11 =	simm.s32 $0x2;
	s28 =	simm.s32 $0x1;
	s3 =	sand.u32 $0x1, s3  }
0x5: {  	s4 =	sshll.u32 s6, $0x7;
	s6 =	sshll.u32 s6, $0x1;
	[smem:$0x7FF] =	sst s2  }
0x6: {  	s5 =	sshll.u32 s3, $0x6;
	s25 =	sor.u32 s3, s6;
	_ =	strace $0x80000047  }
0x7: {  	s7 =	ssub.s32 $0x2, s3;
	s3 =	sadd.s32 $0x23A00, s1;
	s4 =	sor.u32 s5, s4  }
0x8: {  	[dreg:$0x8] =	wrdreg s30;
	s6 =	smul.u32 $0x6000, s25;
	s4 =	sadd.s32 s4, s1  }
0x9: {  	[dreg:$0x9] =	wrdreg s31;
	s5 =	smul.u32 $0x30000, s25;
	s8 =	sadd.s32 $0x22A00, s4  }
0xa: {  	s9 =	sshrl.u32 s7, $0x1;
	s4 =	sadd.s32 $0x23200, s4;
	[dreg:$0x3] =	wrdreg s8  }
0xb: {  	s6 =	sadd.s32 s0, s6;
	s5 =	sshrl.u32 s5, $0x3;
	[dreg:$0x4] =	wrdreg s4  }
0xc: {  	[dreg:$0xa] =	wrdreg s6;
	s26 =	sadd.s32 $0x1800, s6;
	s0 =	sadd.s32 s0, s5  }
0xd: {  	v2 =	vlaneseq.u32;
	s7 =	ssub.s32 s7, s9;
	[dreg:$0x5] =	wrdreg s26;
	s29 =	sadd.s32 $0x3000, s0  }
0xe: {  	vm0 =	vmmov $0xffff;
	v1 =	vshrl.u32 v2, $0x3;
	s5 =	sadd.s32 $0x23B00, s1;
	s0 =	sadd.s32 $0x4800, s0;
	[dreg:$0x6] =	wrdreg s29  }
0xf: {  	v0 =	vand.u32 $0x7, v2;
	v2 =	vor.u32 $0x8, v2;
	v1 =	vmul.u32 $0x8, v1;
	s6 =	sadd.s32 $0x23C00, s1;
	s1 =	smax.u32 s7, $0x1;
	[dreg:$0x7] =	wrdreg s0  }
.LBB2_1:
0x10: {  	[dreg:$0xb] =	wrdreg s1  }
0x11: {  	s13 =	rddreg [dreg:$0x3]  }
0x12: {  	s14 =	rddreg [dreg:$0x8];
	s0 =	simm.s32 $0x3  }
0x13: {  	[tilespmem:s14], [sflag:$0x3] =	stream.linear.gather [hbm4b:s13+s2], $0x200, $0x38;
	[tilespmem:$0x18400] =	vst v63  }
0x14: {  	_ =	swait.ge [sflag:s0], $0x200  }
0x15: {  	s30 =	rddreg [dreg:$0x4];
	[sflag:s0] =	ssyncset.done $0x0  }
0x16: {  	s31 =	rddreg [dreg:$0x9];
	[sflag:s0] =	ssyncadd.s32 $0xFFFFFE00  }
0x17: {  	[tilespmem:s31], [sflag:$0x3] =	stream.linear.gather [hbm4b:s30+s2], $0x200, $0x38;
	[tilespmem:$0x18400] =	vst v63  }
0x18: {  	_ =	swait.ge [sflag:s0], $0x200  }
0x19: {  	[sflag:s0] =	ssyncset.done $0x0  }
0x1a: {  	s1 =	rddreg [dreg:$0xa];
	[sflag:s0] =	ssyncadd.s32 $0xFFFFFE00  }
0x1b: {  	[tilespmem:s2], [sflag:$0x1] =	stream.linear.gather [hbm4b:s1+s2], $0xC000, $0x38;
	[tilespmem:$0x18400] =	vst v63  }
0x1c: {  	s4 =	simm.s32 $0xC000;
	s0 =	rddreg [dreg:$0x5]  }
0x1d: {  	[tilespmem:s4], [sflag:$0x1] =	stream.linear.gather [hbm4b:s0+s2], $0xC000, $0x38;
	[tilespmem:$0x18400] =	vst v63  }
0x1e: {  	_ =	swait.ge [sflag:s28], $0xC000  }
0x1f: {  	[sflag:s28] =	ssyncset.done $0x0  }
0x20: {  	[sflag:s28] =	ssyncadd.s32 $0xFFFF4000  }
0x21: {  	v3 =	vld [tilespmem:$0x18000];
	_ =	sdelay $0x4  }
0x22: {  	v4 =	vshrl.u32 v3, $0x3  }
0x23: {  	v4 =	vmul.u32 $0x30, v4  }
0x24: {  	v3 =	vand.u32 $0x7, v3  }
0x25: {  	v3 =	vor.u32 v3, v4  }
0x26: {  	v4 =	vperm.xlane v3, v0;
	_ =	sdelay $0x1  }
0x27: {  	v4 =	vadd.s32 v1, v4;
	_ =	sdelay $0x3  }
0x28: {  	v3 =	vperm.xlane v3, v2  }
0x29: {  	[hbm4b:s3+s2] =	stream.indirect_vreg.scatter [tilespmem:s2], [sflag:$0x2], $0x80, v4, vm0, $0xb8;
	[tilespmem:$0x18400] =	vst v63  }
0x2a: {  	s7 =	simm.s32 $0x800;
	v3 =	vadd.s32 v1, v3  }
0x2b: {  	[hbm4b:s5+s2] =	stream.indirect_vreg.scatter [tilespmem:s7], [sflag:$0x2], $0x80, v4, vm0, $0xb8;
	[tilespmem:$0x18400] =	vst v63  }
0x2c: {  	s8 =	simm.s32 $0x1000  }
0x2d: {  	[hbm4b:s6+s2] =	stream.indirect_vreg.scatter [tilespmem:s8], [sflag:$0x2], $0x80, v4, vm0, $0xb8;
	[tilespmem:$0x18400] =	vst v63  }
0x2e: {  	s9 =	simm.s32 $0x1800  }
0x2f: {  	[hbm4b:s3+s2] =	stream.indirect_vreg.scatter [tilespmem:s9], [sflag:$0x2], $0x80, v3, vm0, $0xb8;
	[tilespmem:$0x18400] =	vst v63  }
0x30: {  	s10 =	simm.s32 $0x2000  }
0x31: {  	[hbm4b:s5+s2] =	stream.indirect_vreg.scatter [tilespmem:s10], [sflag:$0x2], $0x80, v3, vm0, $0xb8;
	[tilespmem:$0x18400] =	vst v63  }
0x32: {  	s12 =	simm.s32 $0x2800  }
0x33: {  	[hbm4b:s6+s2] =	stream.indirect_vreg.scatter [tilespmem:s12], [sflag:$0x2], $0x80, v3, vm0, $0xb8;
	[tilespmem:$0x18400] =	vst v63  }
0x34: {  	v3 =	vld [tilespmem:$0x18010];
	_ =	sdelay $0x4  }
0x35: {  	v33 =	vshrl.u32 v3, $0x3  }
0x36: {  	v4 =	vmul.u32 $0x30, v33  }
0x37: {  	v3 =	vand.u32 $0x7, v3  }
0x38: {  	v3 =	vor.u32 v3, v4  }
0x39: {  	v4 =	vperm.xlane v3, v0;
	_ =	sdelay $0x1  }
0x3a: {  	v4 =	vadd.s32 v1, v4;
	_ =	sdelay $0x3  }
0x3b: {  	s13 =	simm.s32 $0x3000;
	v3 =	vperm.xlane v3, v2  }
0x3c: {  	[hbm4b:s3+s2] =	stream.indirect_vreg.scatter [tilespmem:s13], [sflag:$0x2], $0x80, v4, vm0, $0xb8;
	[tilespmem:$0x18400] =	vst v63  }
0x3d: {  	s14 =	simm.s32 $0x3800;
	v3 =	vadd.s32 v1, v3  }
0x3e: {  	[hbm4b:s5+s2] =	stream.indirect_vreg.scatter [tilespmem:s14], [sflag:$0x2], $0x80, v4, vm0, $0xb8;
	[tilespmem:$0x18400] =	vst v63  }
0x3f: {  	s15 =	simm.s32 $0x4000  }
0x40: {  	[hbm4b:s6+s2] =	stream.indirect_vreg.scatter [tilespmem:s15], [sflag:$0x2], $0x80, v4, vm0, $0xb8;
	[tilespmem:$0x18400] =	vst v63  }
0x41: {  	s16 =	simm.s32 $0x4800  }
0x42: {  	[hbm4b:s3+s2] =	stream.indirect_vreg.scatter [tilespmem:s16], [sflag:$0x2], $0x80, v3, vm0, $0xb8;
	[tilespmem:$0x18400] =	vst v63  }
0x43: {  	s17 =	simm.s32 $0x5000  }
0x44: {  	[hbm4b:s5+s2] =	stream.indirect_vreg.scatter [tilespmem:s17], [sflag:$0x2], $0x80, v3, vm0, $0xb8;
	[tilespmem:$0x18400] =	vst v63  }
0x45: {  	s18 =	simm.s32 $0x5800  }
0x46: {  	[hbm4b:s6+s2] =	stream.indirect_vreg.scatter [tilespmem:s18], [sflag:$0x2], $0x80, v3, vm0, $0xb8;
	[tilespmem:$0x18400] =	vst v63  }
0x47: {  	v3 =	vld [tilespmem:$0x18020];
	_ =	sdelay $0x4  }
0x48: {  	v34 =	vshrl.u32 v3, $0x3  }
0x49: {  	v4 =	vmul.u32 $0x30, v34  }
0x4a: {  	v3 =	vand.u32 $0x7, v3  }
0x4b: {  	v3 =	vor.u32 v3, v4  }
0x4c: {  	v4 =	vperm.xlane v3, v0;
	_ =	sdelay $0x1  }
0x4d: {  	v4 =	vadd.s32 v1, v4;
	_ =	sdelay $0x3  }
0x4e: {  	s19 =	simm.s32 $0x6000;
	v3 =	vperm.xlane v3, v2  }
0x4f: {  	[hbm4b:s3+s2] =	stream.indirect_vreg.scatter [tilespmem:s19], [sflag:$0x2], $0x80, v4, vm0, $0xb8;
	[tilespmem:$0x18400] =	vst v63  }
0x50: {  	s20 =	simm.s32 $0x6800;
	v3 =	vadd.s32 v1, v3  }
0x51: {  	[hbm4b:s5+s2] =	stream.indirect_vreg.scatter [tilespmem:s20], [sflag:$0x2], $0x80, v4, vm0, $0xb8;
	[tilespmem:$0x18400] =	vst v63  }
0x52: {  	s21 =	simm.s32 $0x7000  }
0x53: {  	[hbm4b:s6+s2] =	stream.indirect_vreg.scatter [tilespmem:s21], [sflag:$0x2], $0x80, v4, vm0, $0xb8;
	[tilespmem:$0x18400] =	vst v63  }
0x54: {  	s26 =	simm.s32 $0x7800  }
0x55: {  	[hbm4b:s3+s2] =	stream.indirect_vreg.scatter [tilespmem:s26], [sflag:$0x2], $0x80, v3, vm0, $0xb8;
	[tilespmem:$0x18400] =	vst v63  }
0x56: {  	s29 =	simm.s32 $0x8000  }
0x57: {  	[hbm4b:s5+s2] =	stream.indirect_vreg.scatter [tilespmem:s29], [sflag:$0x2], $0x80, v3, vm0, $0xb8;
	[tilespmem:$0x18400] =	vst v63  }
0x58: {  	s30 =	simm.s32 $0x8800  }
0x59: {  	[hbm4b:s6+s2] =	stream.indirect_vreg.scatter [tilespmem:s30], [sflag:$0x2], $0x80, v3, vm0, $0xb8;
	[tilespmem:$0x18400] =	vst v63  }
0x5a: {  	v3 =	vld [tilespmem:$0x18030];
	_ =	sdelay $0x4  }
0x5b: {  	v35 =	vshrl.u32 v3, $0x3  }
0x5c: {  	v4 =	vmul.u32 $0x30, v35  }
0x5d: {  	v3 =	vand.u32 $0x7, v3  }
0x5e: {  	v3 =	vor.u32 v3, v4  }
0x5f: {  	v4 =	vperm.xlane v3, v0;
	_ =	sdelay $0x1  }
0x60: {  	v4 =	vadd.s32 v1, v4;
	_ =	sdelay $0x3  }
0x61: {  	s31 =	simm.s32 $0x9000;
	v3 =	vperm.xlane v3, v2  }
0x62: {  	[hbm4b:s3+s2] =	stream.indirect_vreg.scatter [tilespmem:s31], [sflag:$0x2], $0x80, v4, vm0, $0xb8;
	[tilespmem:$0x18400] =	vst v63  }
0x63: {  	s18 =	simm.s32 $0x9800;
	v3 =	vadd.s32 v1, v3  }
0x64: {  	[hbm4b:s5+s2] =	stream.indirect_vreg.scatter [tilespmem:s18], [sflag:$0x2], $0x80, v4, vm0, $0xb8;
	[tilespmem:$0x18400] =	vst v63  }
0x65: {  	s19 =	simm.s32 $0xA000  }
0x66: {  	[hbm4b:s6+s2] =	stream.indirect_vreg.scatter [tilespmem:s19], [sflag:$0x2], $0x80, v4, vm0, $0xb8;
	[tilespmem:$0x18400] =	vst v63  }
0x67: {  	s20 =	simm.s32 $0xA800  }
0x68: {  	[hbm4b:s3+s2] =	stream.indirect_vreg.scatter [tilespmem:s20], [sflag:$0x2], $0x80, v3, vm0, $0xb8;
	[tilespmem:$0x18400] =	vst v63  }
0x69: {  	s21 =	simm.s32 $0xB000  }
0x6a: {  	[hbm4b:s5+s2] =	stream.indirect_vreg.scatter [tilespmem:s21], [sflag:$0x2], $0x80, v3, vm0, $0xb8;
	[tilespmem:$0x18400] =	vst v63  }
0x6b: {  	s26 =	simm.s32 $0xB800  }
0x6c: {  	[hbm4b:s6+s2] =	stream.indirect_vreg.scatter [tilespmem:s26], [sflag:$0x2], $0x80, v3, vm0, $0xb8;
	[tilespmem:$0x18400] =	vst v63  }
0x6d: {  	v3 =	vld [tilespmem:$0x18200];
	_ =	sdelay $0x4  }
0x6e: {  	v36 =	vshrl.u32 v3, $0x3  }
0x6f: {  	v4 =	vmul.u32 $0x30, v36  }
0x70: {  	v3 =	vand.u32 $0x7, v3  }
0x71: {  	v3 =	vor.u32 v3, v4  }
0x72: {  	v4 =	vperm.xlane v3, v0;
	_ =	sdelay $0x1  }
0x73: {  	v4 =	vadd.s32 v1, v4;
	_ =	sdelay $0x3  }
0x74: {  	v3 =	vperm.xlane v3, v2  }
0x75: {  	[hbm4b:s3+s2] =	stream.indirect_vreg.scatter [tilespmem:s2], [sflag:$0x2], $0x80, v4, vm0, $0xb8;
	[tilespmem:$0x18400] =	vst v63  }
0x76: {  	s1 =	simm.s32 $0x800;
	v3 =	vadd.s32 v1, v3  }
0x77: {  	[hbm4b:s5+s2] =	stream.indirect_vreg.scatter [tilespmem:s1], [sflag:$0x2], $0x80, v4, vm0, $0xb8;
	[tilespmem:$0x18400] =	vst v63  }
0x78: {  	s4 =	simm.s32 $0x1000  }
0x79: {  	[hbm4b:s6+s2] =	stream.indirect_vreg.scatter [tilespmem:s4], [sflag:$0x2], $0x80, v4, vm0, $0xb8;
	[tilespmem:$0x18400] =	vst v63  }
0x7a: {  	s7 =	simm.s32 $0x1800  }
0x7b: {  	[hbm4b:s3+s2] =	stream.indirect_vreg.scatter [tilespmem:s7], [sflag:$0x2], $0x80, v3, vm0, $0xb8;
	[tilespmem:$0x18400] =	vst v63  }
0x7c: {  	s8 =	simm.s32 $0x2000  }
0x7d: {  	[hbm4b:s5+s2] =	stream.indirect_vreg.scatter [tilespmem:s8], [sflag:$0x2], $0x80, v3, vm0, $0xb8;
	[tilespmem:$0x18400] =	vst v63  }
0x7e: {  	s22 =	simm.s32 $0x2800  }
0x7f: {  	[hbm4b:s6+s2] =	stream.indirect_vreg.scatter [tilespmem:s22], [sflag:$0x2], $0x80, v3, vm0, $0xb8;
	[tilespmem:$0x18400] =	vst v63  }
0x80: {  	v3 =	vld [tilespmem:$0x18210];
	_ =	sdelay $0x4  }
0x81: {  	v37 =	vshrl.u32 v3, $0x3  }
0x82: {  	v4 =	vmul.u32 $0x30, v37  }
0x83: {  	v3 =	vand.u32 $0x7, v3  }
0x84: {  	v3 =	vor.u32 v3, v4  }
0x85: {  	v4 =	vperm.xlane v3, v0;
	_ =	sdelay $0x1  }
0x86: {  	v4 =	vadd.s32 v1, v4;
	_ =	sdelay $0x3  }
0x87: {  	s23 =	simm.s32 $0x3000;
	v3 =	vperm.xlane v3, v2  }
0x88: {  	[hbm4b:s3+s2] =	stream.indirect_vreg.scatter [tilespmem:s23], [sflag:$0x2], $0x80, v4, vm0, $0xb8;
	[tilespmem:$0x18400] =	vst v63  }
0x89: {  	s9 =	simm.s32 $0x3800;
	v3 =	vadd.s32 v1, v3  }
0x8a: {  	[hbm4b:s5+s2] =	stream.indirect_vreg.scatter [tilespmem:s9], [sflag:$0x2], $0x80, v4, vm0, $0xb8;
	[tilespmem:$0x18400] =	vst v63  }
0x8b: {  	s13 =	simm.s32 $0x4000  }
0x8c: {  	[hbm4b:s6+s2] =	stream.indirect_vreg.scatter [tilespmem:s13], [sflag:$0x2], $0x80, v4, vm0, $0xb8;
	[tilespmem:$0x18400] =	vst v63  }
0x8d: {  	s10 =	simm.s32 $0x4800  }
0x8e: {  	[hbm4b:s3+s2] =	stream.indirect_vreg.scatter [tilespmem:s10], [sflag:$0x2], $0x80, v3, vm0, $0xb8;
	[tilespmem:$0x18400] =	vst v63  }
0x8f: {  	s12 =	simm.s32 $0x5000  }
0x90: {  	[hbm4b:s5+s2] =	stream.indirect_vreg.scatter [tilespmem:s12], [sflag:$0x2], $0x80, v3, vm0, $0xb8;
	[tilespmem:$0x18400] =	vst v63  }
0x91: {  	s24 =	simm.s32 $0x5800  }
0x92: {  	[hbm4b:s6+s2] =	stream.indirect_vreg.scatter [tilespmem:s24], [sflag:$0x2], $0x80, v3, vm0, $0xb8;
	[tilespmem:$0x18400] =	vst v63  }
0x93: {  	v3 =	vld [tilespmem:$0x18220];
	_ =	sdelay $0x4  }
0x94: {  	v38 =	vshrl.u32 v3, $0x3  }
0x95: {  	v4 =	vmul.u32 $0x30, v38  }
0x96: {  	v3 =	vand.u32 $0x7, v3  }
0x97: {  	v3 =	vor.u32 v3, v4  }
0x98: {  	v4 =	vperm.xlane v3, v0;
	_ =	sdelay $0x1  }
0x99: {  	v4 =	vadd.s32 v1, v4;
	_ =	sdelay $0x3  }
0x9a: {  	s25 =	simm.s32 $0x6000;
	v3 =	vperm.xlane v3, v2  }
0x9b: {  	[hbm4b:s3+s2] =	stream.indirect_vreg.scatter [tilespmem:s25], [sflag:$0x2], $0x80, v4, vm0, $0xb8;
	[tilespmem:$0x18400] =	vst v63  }
0x9c: {  	s14 =	simm.s32 $0x6800;
	v3 =	vadd.s32 v1, v3  }
0x9d: {  	[hbm4b:s5+s2] =	stream.indirect_vreg.scatter [tilespmem:s14], [sflag:$0x2], $0x80, v4, vm0, $0xb8;
	[tilespmem:$0x18400] =	vst v63  }
0x9e: {  	s15 =	simm.s32 $0x7000  }
0x9f: {  	[hbm4b:s6+s2] =	stream.indirect_vreg.scatter [tilespmem:s15], [sflag:$0x2], $0x80, v4, vm0, $0xb8;
	[tilespmem:$0x18400] =	vst v63  }
0xa0: {  	s16 =	simm.s32 $0x7800  }
0xa1: {  	[hbm4b:s3+s2] =	stream.indirect_vreg.scatter [tilespmem:s16], [sflag:$0x2], $0x80, v3, vm0, $0xb8;
	[tilespmem:$0x18400] =	vst v63  }
0xa2: {  	s17 =	simm.s32 $0x8000  }
0xa3: {  	[hbm4b:s5+s2] =	stream.indirect_vreg.scatter [tilespmem:s17], [sflag:$0x2], $0x80, v3, vm0, $0xb8;
	[tilespmem:$0x18400] =	vst v63  }
0xa4: {  	s29 =	simm.s32 $0x8800  }
0xa5: {  	[hbm4b:s6+s2] =	stream.indirect_vreg.scatter [tilespmem:s29], [sflag:$0x2], $0x80, v3, vm0, $0xb8;
	[tilespmem:$0x18400] =	vst v63  }
0xa6: {  	v3 =	vld [tilespmem:$0x18230];
	_ =	sdelay $0x4  }
0xa7: {  	v39 =	vshrl.u32 v3, $0x3  }
0xa8: {  	v4 =	vmul.u32 $0x30, v39  }
0xa9: {  	v3 =	vand.u32 $0x7, v3  }
0xaa: {  	v3 =	vor.u32 v3, v4  }
0xab: {  	v4 =	vperm.xlane v3, v0;
	_ =	sdelay $0x1  }
0xac: {  	v4 =	vadd.s32 v1, v4;
	_ =	sdelay $0x3  }
0xad: {  	s30 =	simm.s32 $0x9000;
	v3 =	vperm.xlane v3, v2  }
0xae: {  	[hbm4b:s3+s2] =	stream.indirect_vreg.scatter [tilespmem:s30], [sflag:$0x2], $0x80, v4, vm0, $0xb8;
	[tilespmem:$0x18400] =	vst v63  }
0xaf: {  	s18 =	simm.s32 $0x9800;
	v3 =	vadd.s32 v1, v3  }
0xb0: {  	[hbm4b:s5+s2] =	stream.indirect_vreg.scatter [tilespmem:s18], [sflag:$0x2], $0x80, v4, vm0, $0xb8;
	[tilespmem:$0x18400] =	vst v63  }
0xb1: {  	s19 =	simm.s32 $0xA000  }
0xb2: {  	[hbm4b:s6+s2] =	stream.indirect_vreg.scatter [tilespmem:s19], [sflag:$0x2], $0x80, v4, vm0, $0xb8;
	[tilespmem:$0x18400] =	vst v63  }
0xb3: {  	s20 =	simm.s32 $0xA800  }
0xb4: {  	[hbm4b:s3+s2] =	stream.indirect_vreg.scatter [tilespmem:s20], [sflag:$0x2], $0x80, v3, vm0, $0xb8;
	[tilespmem:$0x18400] =	vst v63  }
0xb5: {  	s21 =	simm.s32 $0xB000  }
0xb6: {  	[hbm4b:s5+s2] =	stream.indirect_vreg.scatter [tilespmem:s21], [sflag:$0x2], $0x80, v3, vm0, $0xb8;
	[tilespmem:$0x18400] =	vst v63  }
0xb7: {  	s31 =	simm.s32 $0xB800  }
0xb8: {  	[hbm4b:s6+s2] =	stream.indirect_vreg.scatter [tilespmem:s31], [sflag:$0x2], $0x80, v3, vm0, $0xb8;
	[tilespmem:$0x18400] =	vst v63  }
0xb9: {  	_ =	swait.ge [sflag:s11], $0xC000  }
0xba: {  	[sflag:s11] =	ssyncset.done $0x0  }
0xbb: {  	[sflag:s11] =	ssyncadd.s32 $0xFFFF4000  }
0xbc: {  	_ =	swait.ge [sflag:s11], $0xC000  }
0xbd: {  	[sflag:s11] =	ssyncset.done $0x0  }
0xbe: {  	s4 =	rddreg [dreg:$0x6];
	[sflag:s11] =	ssyncadd.s32 $0xFFFF4000  }
0xbf: {  	[tilespmem:s2], [sflag:$0x1] =	stream.linear.gather [hbm4b:s4+s2], $0xC000, $0x38;
	[tilespmem:$0x18400] =	vst v63  }
0xc0: {  	_ =	swait.ge [sflag:s28], $0xC000  }
0xc1: {  	[sflag:s28] =	ssyncset.done $0x0  }
0xc2: {  	[sflag:s28] =	ssyncadd.s32 $0xFFFF4000  }
0xc3: {  	v3 =	vld [tilespmem:$0x18080];
	_ =	sdelay $0x4  }
0xc4: {  	v40 =	vshrl.u32 v3, $0x3  }
0xc5: {  	v4 =	vmul.u32 $0x30, v40  }
0xc6: {  	v3 =	vand.u32 $0x7, v3  }
0xc7: {  	v3 =	vor.u32 v3, v4  }
0xc8: {  	v4 =	vperm.xlane v3, v0;
	_ =	sdelay $0x1  }
0xc9: {  	v4 =	vadd.s32 v1, v4;
	_ =	sdelay $0x3  }
0xca: {  	s13 =	simm.s32 $0xC000;
	v3 =	vperm.xlane v3, v2  }
0xcb: {  	[hbm4b:s3+s2] =	stream.indirect_vreg.scatter [tilespmem:s13], [sflag:$0x2], $0x80, v4, vm0, $0xb8;
	[tilespmem:$0x18400] =	vst v63  }
0xcc: {  	s7 =	simm.s32 $0xC800;
	v3 =	vadd.s32 v1, v3  }
0xcd: {  	[hbm4b:s5+s2] =	stream.indirect_vreg.scatter [tilespmem:s7], [sflag:$0x2], $0x80, v4, vm0, $0xb8;
	[tilespmem:$0x18400] =	vst v63  }
0xce: {  	s8 =	simm.s32 $0xD000  }
0xcf: {  	[hbm4b:s6+s2] =	stream.indirect_vreg.scatter [tilespmem:s8], [sflag:$0x2], $0x80, v4, vm0, $0xb8;
	[tilespmem:$0x18400] =	vst v63  }
0xd0: {  	s9 =	simm.s32 $0xD800  }
0xd1: {  	[hbm4b:s3+s2] =	stream.indirect_vreg.scatter [tilespmem:s9], [sflag:$0x2], $0x80, v3, vm0, $0xb8;
	[tilespmem:$0x18400] =	vst v63  }
0xd2: {  	s10 =	simm.s32 $0xE000  }
0xd3: {  	[hbm4b:s5+s2] =	stream.indirect_vreg.scatter [tilespmem:s10], [sflag:$0x2], $0x80, v3, vm0, $0xb8;
	[tilespmem:$0x18400] =	vst v63  }
0xd4: {  	s12 =	simm.s32 $0xE800  }
0xd5: {  	[hbm4b:s6+s2] =	stream.indirect_vreg.scatter [tilespmem:s12], [sflag:$0x2], $0x80, v3, vm0, $0xb8;
	[tilespmem:$0x18400] =	vst v63  }
0xd6: {  	v3 =	vld [tilespmem:$0x18090];
	_ =	sdelay $0x4  }
0xd7: {  	v41 =	vshrl.u32 v3, $0x3  }
0xd8: {  	v4 =	vmul.u32 $0x30, v41  }
0xd9: {  	v3 =	vand.u32 $0x7, v3  }
0xda: {  	v3 =	vor.u32 v3, v4  }
0xdb: {  	v4 =	vperm.xlane v3, v0;
	_ =	sdelay $0x1  }
0xdc: {  	v4 =	vadd.s32 v1, v4;
	_ =	sdelay $0x3  }
0xdd: {  	s14 =	simm.s32 $0xF000;
	v3 =	vperm.xlane v3, v2  }
0xde: {  	[hbm4b:s3+s2] =	stream.indirect_vreg.scatter [tilespmem:s14], [sflag:$0x2], $0x80, v4, vm0, $0xb8;
	[tilespmem:$0x18400] =	vst v63  }
0xdf: {  	s15 =	simm.s32 $0xF800;
	v3 =	vadd.s32 v1, v3  }
0xe0: {  	[hbm4b:s5+s2] =	stream.indirect_vreg.scatter [tilespmem:s15], [sflag:$0x2], $0x80, v4, vm0, $0xb8;
	[tilespmem:$0x18400] =	vst v63  }
0xe1: {  	s16 =	simm.s32 $0x10000  }
0xe2: {  	[hbm4b:s6+s2] =	stream.indirect_vreg.scatter [tilespmem:s16], [sflag:$0x2], $0x80, v4, vm0, $0xb8;
	[tilespmem:$0x18400] =	vst v63  }
0xe3: {  	s17 =	simm.s32 $0x10800  }
0xe4: {  	[hbm4b:s3+s2] =	stream.indirect_vreg.scatter [tilespmem:s17], [sflag:$0x2], $0x80, v3, vm0, $0xb8;
	[tilespmem:$0x18400] =	vst v63  }
0xe5: {  	s18 =	simm.s32 $0x11000  }
0xe6: {  	[hbm4b:s5+s2] =	stream.indirect_vreg.scatter [tilespmem:s18], [sflag:$0x2], $0x80, v3, vm0, $0xb8;
	[tilespmem:$0x18400] =	vst v63  }
0xe7: {  	s19 =	simm.s32 $0x11800  }
0xe8: {  	[hbm4b:s6+s2] =	stream.indirect_vreg.scatter [tilespmem:s19], [sflag:$0x2], $0x80, v3, vm0, $0xb8;
	[tilespmem:$0x18400] =	vst v63  }
0xe9: {  	v3 =	vld [tilespmem:$0x180A0];
	_ =	sdelay $0x4  }
0xea: {  	v42 =	vshrl.u32 v3, $0x3  }
0xeb: {  	v4 =	vmul.u32 $0x30, v42  }
0xec: {  	v3 =	vand.u32 $0x7, v3  }
0xed: {  	v3 =	vor.u32 v3, v4  }
0xee: {  	v4 =	vperm.xlane v3, v0;
	_ =	sdelay $0x1  }
0xef: {  	v4 =	vadd.s32 v1, v4;
	_ =	sdelay $0x3  }
0xf0: {  	s20 =	simm.s32 $0x12000;
	v3 =	vperm.xlane v3, v2  }
0xf1: {  	[hbm4b:s3+s2] =	stream.indirect_vreg.scatter [tilespmem:s20], [sflag:$0x2], $0x80, v4, vm0, $0xb8;
	[tilespmem:$0x18400] =	vst v63  }
0xf2: {  	s21 =	simm.s32 $0x12800;
	v3 =	vadd.s32 v1, v3  }
0xf3: {  	[hbm4b:s5+s2] =	stream.indirect_vreg.scatter [tilespmem:s21], [sflag:$0x2], $0x80, v4, vm0, $0xb8;
	[tilespmem:$0x18400] =	vst v63  }
0xf4: {  	s22 =	simm.s32 $0x13000  }
0xf5: {  	[hbm4b:s6+s2] =	stream.indirect_vreg.scatter [tilespmem:s22], [sflag:$0x2], $0x80, v4, vm0, $0xb8;
	[tilespmem:$0x18400] =	vst v63  }
0xf6: {  	s23 =	simm.s32 $0x13800  }
0xf7: {  	[hbm4b:s3+s2] =	stream.indirect_vreg.scatter [tilespmem:s23], [sflag:$0x2], $0x80, v3, vm0, $0xb8;
	[tilespmem:$0x18400] =	vst v63  }
0xf8: {  	s24 =	simm.s32 $0x14000  }
0xf9: {  	[hbm4b:s5+s2] =	stream.indirect_vreg.scatter [tilespmem:s24], [sflag:$0x2], $0x80, v3, vm0, $0xb8;
	[tilespmem:$0x18400] =	vst v63  }
0xfa: {  	s25 =	simm.s32 $0x14800  }
0xfb: {  	[hbm4b:s6+s2] =	stream.indirect_vreg.scatter [tilespmem:s25], [sflag:$0x2], $0x80, v3, vm0, $0xb8;
	[tilespmem:$0x18400] =	vst v63  }
0xfc: {  	v3 =	vld [tilespmem:$0x180B0];
	_ =	sdelay $0x4  }
0xfd: {  	v43 =	vshrl.u32 v3, $0x3  }
0xfe: {  	v4 =	vmul.u32 $0x30, v43  }
0xff: {  	v3 =	vand.u32 $0x7, v3  }
0x100: {  	v3 =	vor.u32 v3, v4  }
0x101: {  	v4 =	vperm.xlane v3, v0;
	_ =	sdelay $0x1  }
0x102: {  	v4 =	vadd.s32 v1, v4;
	_ =	sdelay $0x3  }
0x103: {  	s26 =	simm.s32 $0x15000;
	v3 =	vperm.xlane v3, v2  }
0x104: {  	[hbm4b:s3+s2] =	stream.indirect_vreg.scatter [tilespmem:s26], [sflag:$0x2], $0x80, v4, vm0, $0xb8;
	[tilespmem:$0x18400] =	vst v63  }
0x105: {  	s29 =	simm.s32 $0x15800;
	v3 =	vadd.s32 v1, v3  }
0x106: {  	[hbm4b:s5+s2] =	stream.indirect_vreg.scatter [tilespmem:s29], [sflag:$0x2], $0x80, v4, vm0, $0xb8;
	[tilespmem:$0x18400] =	vst v63  }
0x107: {  	s30 =	simm.s32 $0x16000  }
0x108: {  	[hbm4b:s6+s2] =	stream.indirect_vreg.scatter [tilespmem:s30], [sflag:$0x2], $0x80, v4, vm0, $0xb8;
	[tilespmem:$0x18400] =	vst v63  }
0x109: {  	s29 =	simm.s32 $0x16800  }
0x10a: {  	[hbm4b:s3+s2] =	stream.indirect_vreg.scatter [tilespmem:s29], [sflag:$0x2], $0x80, v3, vm0, $0xb8;
	[tilespmem:$0x18400] =	vst v63  }
0x10b: {  	s30 =	simm.s32 $0x17000  }
0x10c: {  	[hbm4b:s5+s2] =	stream.indirect_vreg.scatter [tilespmem:s30], [sflag:$0x2], $0x80, v3, vm0, $0xb8;
	[tilespmem:$0x18400] =	vst v63  }
0x10d: {  	s31 =	simm.s32 $0x17800  }
0x10e: {  	[hbm4b:s6+s2] =	stream.indirect_vreg.scatter [tilespmem:s31], [sflag:$0x2], $0x80, v3, vm0, $0xb8;
	[tilespmem:$0x18400] =	vst v63  }
0x10f: {  	v3 =	vld [tilespmem:$0x18280];
	_ =	sdelay $0x4  }
0x110: {  	v44 =	vshrl.u32 v3, $0x3  }
0x111: {  	v4 =	vmul.u32 $0x30, v44  }
0x112: {  	v3 =	vand.u32 $0x7, v3  }
0x113: {  	v3 =	vor.u32 v3, v4  }
0x114: {  	v4 =	vperm.xlane v3, v0;
	_ =	sdelay $0x1  }
0x115: {  	v4 =	vadd.s32 v1, v4;
	_ =	sdelay $0x3  }
0x116: {  	v3 =	vperm.xlane v3, v2  }
0x117: {  	[hbm4b:s3+s2] =	stream.indirect_vreg.scatter [tilespmem:s13], [sflag:$0x2], $0x80, v4, vm0, $0xb8;
	[tilespmem:$0x18400] =	vst v63  }
0x118: {  	s0 =	simm.s32 $0xC800;
	v3 =	vadd.s32 v1, v3  }
0x119: {  	[hbm4b:s5+s2] =	stream.indirect_vreg.scatter [tilespmem:s0], [sflag:$0x2], $0x80, v4, vm0, $0xb8;
	[tilespmem:$0x18400] =	vst v63  }
0x11a: {  	s1 =	simm.s32 $0xD000  }
0x11b: {  	[hbm4b:s6+s2] =	stream.indirect_vreg.scatter [tilespmem:s1], [sflag:$0x2], $0x80, v4, vm0, $0xb8;
	[tilespmem:$0x18400] =	vst v63  }
0x11c: {  	s4 =	simm.s32 $0xD800  }
0x11d: {  	[hbm4b:s3+s2] =	stream.indirect_vreg.scatter [tilespmem:s4], [sflag:$0x2], $0x80, v3, vm0, $0xb8;
	[tilespmem:$0x18400] =	vst v63  }
0x11e: {  	s7 =	simm.s32 $0xE000  }
0x11f: {  	[hbm4b:s5+s2] =	stream.indirect_vreg.scatter [tilespmem:s7], [sflag:$0x2], $0x80, v3, vm0, $0xb8;
	[tilespmem:$0x18400] =	vst v63  }
0x120: {  	s8 =	simm.s32 $0xE800  }
0x121: {  	[hbm4b:s6+s2] =	stream.indirect_vreg.scatter [tilespmem:s8], [sflag:$0x2], $0x80, v3, vm0, $0xb8;
	[tilespmem:$0x18400] =	vst v63  }
0x122: {  	v3 =	vld [tilespmem:$0x18290];
	_ =	sdelay $0x4  }
0x123: {  	v45 =	vshrl.u32 v3, $0x3  }
0x124: {  	v4 =	vmul.u32 $0x30, v45  }
0x125: {  	v3 =	vand.u32 $0x7, v3  }
0x126: {  	v3 =	vor.u32 v3, v4  }
0x127: {  	v4 =	vperm.xlane v3, v0;
	_ =	sdelay $0x1  }
0x128: {  	v4 =	vadd.s32 v1, v4;
	_ =	sdelay $0x3  }
0x129: {  	s9 =	simm.s32 $0xF000;
	v3 =	vperm.xlane v3, v2  }
0x12a: {  	[hbm4b:s3+s2] =	stream.indirect_vreg.scatter [tilespmem:s9], [sflag:$0x2], $0x80, v4, vm0, $0xb8;
	[tilespmem:$0x18400] =	vst v63  }
0x12b: {  	s12 =	simm.s32 $0xF800;
	v3 =	vadd.s32 v1, v3  }
0x12c: {  	[hbm4b:s5+s2] =	stream.indirect_vreg.scatter [tilespmem:s12], [sflag:$0x2], $0x80, v4, vm0, $0xb8;
	[tilespmem:$0x18400] =	vst v63  }
0x12d: {  	s14 =	simm.s32 $0x10000  }
0x12e: {  	[hbm4b:s6+s2] =	stream.indirect_vreg.scatter [tilespmem:s14], [sflag:$0x2], $0x80, v4, vm0, $0xb8;
	[tilespmem:$0x18400] =	vst v63  }
0x12f: {  	s15 =	simm.s32 $0x10800  }
0x130: {  	[hbm4b:s3+s2] =	stream.indirect_vreg.scatter [tilespmem:s15], [sflag:$0x2], $0x80, v3, vm0, $0xb8;
	[tilespmem:$0x18400] =	vst v63  }
0x131: {  	s16 =	simm.s32 $0x11000  }
0x132: {  	[hbm4b:s5+s2] =	stream.indirect_vreg.scatter [tilespmem:s16], [sflag:$0x2], $0x80, v3, vm0, $0xb8;
	[tilespmem:$0x18400] =	vst v63  }
0x133: {  	s17 =	simm.s32 $0x11800  }
0x134: {  	[hbm4b:s6+s2] =	stream.indirect_vreg.scatter [tilespmem:s17], [sflag:$0x2], $0x80, v3, vm0, $0xb8;
	[tilespmem:$0x18400] =	vst v63  }
0x135: {  	v3 =	vld [tilespmem:$0x182A0];
	_ =	sdelay $0x4  }
0x136: {  	v46 =	vshrl.u32 v3, $0x3  }
0x137: {  	v4 =	vmul.u32 $0x30, v46  }
0x138: {  	v3 =	vand.u32 $0x7, v3  }
0x139: {  	v3 =	vor.u32 v3, v4  }
0x13a: {  	v4 =	vperm.xlane v3, v0;
	_ =	sdelay $0x1  }
0x13b: {  	v4 =	vadd.s32 v1, v4;
	_ =	sdelay $0x3  }
0x13c: {  	s18 =	simm.s32 $0x12000;
	v3 =	vperm.xlane v3, v2  }
0x13d: {  	[hbm4b:s3+s2] =	stream.indirect_vreg.scatter [tilespmem:s18], [sflag:$0x2], $0x80, v4, vm0, $0xb8;
	[tilespmem:$0x18400] =	vst v63  }
0x13e: {  	s19 =	simm.s32 $0x12800;
	v3 =	vadd.s32 v1, v3  }
0x13f: {  	[hbm4b:s5+s2] =	stream.indirect_vreg.scatter [tilespmem:s19], [sflag:$0x2], $0x80, v4, vm0, $0xb8;
	[tilespmem:$0x18400] =	vst v63  }
0x140: {  	s20 =	simm.s32 $0x13000  }
0x141: {  	[hbm4b:s6+s2] =	stream.indirect_vreg.scatter [tilespmem:s20], [sflag:$0x2], $0x80, v4, vm0, $0xb8;
	[tilespmem:$0x18400] =	vst v63  }
0x142: {  	s21 =	simm.s32 $0x13800  }
0x143: {  	[hbm4b:s3+s2] =	stream.indirect_vreg.scatter [tilespmem:s21], [sflag:$0x2], $0x80, v3, vm0, $0xb8;
	[tilespmem:$0x18400] =	vst v63  }
0x144: {  	s22 =	simm.s32 $0x14000  }
0x145: {  	[hbm4b:s5+s2] =	stream.indirect_vreg.scatter [tilespmem:s22], [sflag:$0x2], $0x80, v3, vm0, $0xb8;
	[tilespmem:$0x18400] =	vst v63  }
0x146: {  	s23 =	simm.s32 $0x14800  }
0x147: {  	[hbm4b:s6+s2] =	stream.indirect_vreg.scatter [tilespmem:s23], [sflag:$0x2], $0x80, v3, vm0, $0xb8;
	[tilespmem:$0x18400] =	vst v63  }
0x148: {  	v3 =	vld [tilespmem:$0x182B0];
	_ =	sdelay $0x4  }
0x149: {  	v47 =	vshrl.u32 v3, $0x3  }
0x14a: {  	v4 =	vmul.u32 $0x30, v47  }
0x14b: {  	v3 =	vand.u32 $0x7, v3  }
0x14c: {  	v3 =	vor.u32 v3, v4  }
0x14d: {  	v4 =	vperm.xlane v3, v0;
	_ =	sdelay $0x1  }
0x14e: {  	v4 =	vadd.s32 v1, v4;
	_ =	sdelay $0x3  }
0x14f: {  	s24 =	simm.s32 $0x15000;
	v3 =	vperm.xlane v3, v2  }
0x150: {  	[hbm4b:s3+s2] =	stream.indirect_vreg.scatter [tilespmem:s24], [sflag:$0x2], $0x80, v4, vm0, $0xb8;
	[tilespmem:$0x18400] =	vst v63  }
0x151: {  	s25 =	simm.s32 $0x15800;
	v3 =	vadd.s32 v1, v3  }
0x152: {  	[hbm4b:s5+s2] =	stream.indirect_vreg.scatter [tilespmem:s25], [sflag:$0x2], $0x80, v4, vm0, $0xb8;
	[tilespmem:$0x18400] =	vst v63  }
0x153: {  	s26 =	simm.s32 $0x16000  }
0x154: {  	[hbm4b:s6+s2] =	stream.indirect_vreg.scatter [tilespmem:s26], [sflag:$0x2], $0x80, v4, vm0, $0xb8;
	[tilespmem:$0x18400] =	vst v63  }
0x155: {  	_ = 	snop  }
0x156: {  	[hbm4b:s3+s2] =	stream.indirect_vreg.scatter [tilespmem:s29], [sflag:$0x2], $0x80, v3, vm0, $0xb8;
	[tilespmem:$0x18400] =	vst v63  }
0x157: {  	_ = 	snop  }
0x158: {  	[hbm4b:s5+s2] =	stream.indirect_vreg.scatter [tilespmem:s30], [sflag:$0x2], $0x80, v3, vm0, $0xb8;
	[tilespmem:$0x18400] =	vst v63  }
0x159: {  	s10 =	simm.s32 $0x17800  }
0x15a: {  	[hbm4b:s6+s2] =	stream.indirect_vreg.scatter [tilespmem:s10], [sflag:$0x2], $0x80, v3, vm0, $0xb8;
	[tilespmem:$0x18400] =	vst v63  }
0x15b: {  	_ =	swait.ge [sflag:s11], $0xC000  }
0x15c: {  	[sflag:s11] =	ssyncset.done $0x0  }
0x15d: {  	[sflag:s11] =	ssyncadd.s32 $0xFFFF4000  }
0x15e: {  	_ =	swait.ge [sflag:s11], $0xC000  }
0x15f: {  	[sflag:s11] =	ssyncset.done $0x0  }
0x160: {  	s31 =	simm.s32 $0xC000;
	s26 =	rddreg [dreg:$0x7];
	[sflag:s11] =	ssyncadd.s32 $0xFFFF4000  }
0x161: {  	[tilespmem:s31], [sflag:$0x1] =	stream.linear.gather [hbm4b:s26+s2], $0xC000, $0x38;
	[tilespmem:$0x18400] =	vst v63  }
0x162: {  	_ =	swait.ge [sflag:s28], $0xC000  }
0x163: {  	[sflag:s28] =	ssyncset.done $0x0  }
0x164: {  	[sflag:s28] =	ssyncadd.s32 $0xFFFF4000  }
0x165: {  	v3 =	vld [tilespmem:$0x18100];
	_ =	sdelay $0x4  }
0x166: {  	v48 =	vshrl.u32 v3, $0x3  }
0x167: {  	v4 =	vmul.u32 $0x30, v48  }
0x168: {  	v3 =	vand.u32 $0x7, v3  }
0x169: {  	v3 =	vor.u32 v3, v4  }
0x16a: {  	v4 =	vperm.xlane v3, v0;
	_ =	sdelay $0x1  }
0x16b: {  	v4 =	vadd.s32 v1, v4;
	_ =	sdelay $0x3  }
0x16c: {  	v3 =	vperm.xlane v3, v2  }
0x16d: {  	[hbm4b:s3+s2] =	stream.indirect_vreg.scatter [tilespmem:s2], [sflag:$0x2], $0x80, v4, vm0, $0xb8;
	[tilespmem:$0x18400] =	vst v63  }
0x16e: {  	s13 =	simm.s32 $0x800;
	v3 =	vadd.s32 v1, v3  }
0x16f: {  	[hbm4b:s5+s2] =	stream.indirect_vreg.scatter [tilespmem:s13], [sflag:$0x2], $0x80, v4, vm0, $0xb8;
	[tilespmem:$0x18400] =	vst v63  }
0x170: {  	s0 =	simm.s32 $0x1000  }
0x171: {  	[hbm4b:s6+s2] =	stream.indirect_vreg.scatter [tilespmem:s0], [sflag:$0x2], $0x80, v4, vm0, $0xb8;
	[tilespmem:$0x18400] =	vst v63  }
0x172: {  	s1 =	simm.s32 $0x1800  }
0x173: {  	[hbm4b:s3+s2] =	stream.indirect_vreg.scatter [tilespmem:s1], [sflag:$0x2], $0x80, v3, vm0, $0xb8;
	[tilespmem:$0x18400] =	vst v63  }
0x174: {  	s4 =	simm.s32 $0x2000  }
0x175: {  	[hbm4b:s5+s2] =	stream.indirect_vreg.scatter [tilespmem:s4], [sflag:$0x2], $0x80, v3, vm0, $0xb8;
	[tilespmem:$0x18400] =	vst v63  }
0x176: {  	s20 =	simm.s32 $0x2800  }
0x177: {  	[hbm4b:s6+s2] =	stream.indirect_vreg.scatter [tilespmem:s20], [sflag:$0x2], $0x80, v3, vm0, $0xb8;
	[tilespmem:$0x18400] =	vst v63  }
0x178: {  	v3 =	vld [tilespmem:$0x18110];
	_ =	sdelay $0x4  }
0x179: {  	v49 =	vshrl.u32 v3, $0x3  }
0x17a: {  	v4 =	vmul.u32 $0x30, v49  }
0x17b: {  	v3 =	vand.u32 $0x7, v3  }
0x17c: {  	v3 =	vor.u32 v3, v4  }
0x17d: {  	v4 =	vperm.xlane v3, v0;
	_ =	sdelay $0x1  }
0x17e: {  	v4 =	vadd.s32 v1, v4;
	_ =	sdelay $0x3  }
0x17f: {  	s21 =	simm.s32 $0x3000;
	v3 =	vperm.xlane v3, v2  }
0x180: {  	[hbm4b:s3+s2] =	stream.indirect_vreg.scatter [tilespmem:s21], [sflag:$0x2], $0x80, v4, vm0, $0xb8;
	[tilespmem:$0x18400] =	vst v63  }
0x181: {  	s10 =	simm.s32 $0x3800;
	v3 =	vadd.s32 v1, v3  }
0x182: {  	[hbm4b:s5+s2] =	stream.indirect_vreg.scatter [tilespmem:s10], [sflag:$0x2], $0x80, v4, vm0, $0xb8;
	[tilespmem:$0x18400] =	vst v63  }
0x183: {  	s31 =	simm.s32 $0x4000  }
0x184: {  	[hbm4b:s6+s2] =	stream.indirect_vreg.scatter [tilespmem:s31], [sflag:$0x2], $0x80, v4, vm0, $0xb8;
	[tilespmem:$0x18400] =	vst v63  }
0x185: {  	s7 =	simm.s32 $0x4800  }
0x186: {  	[hbm4b:s3+s2] =	stream.indirect_vreg.scatter [tilespmem:s7], [sflag:$0x2], $0x80, v3, vm0, $0xb8;
	[tilespmem:$0x18400] =	vst v63  }
0x187: {  	s8 =	simm.s32 $0x5000  }
0x188: {  	[hbm4b:s5+s2] =	stream.indirect_vreg.scatter [tilespmem:s8], [sflag:$0x2], $0x80, v3, vm0, $0xb8;
	[tilespmem:$0x18400] =	vst v63  }
0x189: {  	s22 =	simm.s32 $0x5800  }
0x18a: {  	[hbm4b:s6+s2] =	stream.indirect_vreg.scatter [tilespmem:s22], [sflag:$0x2], $0x80, v3, vm0, $0xb8;
	[tilespmem:$0x18400] =	vst v63  }
0x18b: {  	v3 =	vld [tilespmem:$0x18120];
	_ =	sdelay $0x4  }
0x18c: {  	v50 =	vshrl.u32 v3, $0x3  }
0x18d: {  	v4 =	vmul.u32 $0x30, v50  }
0x18e: {  	v3 =	vand.u32 $0x7, v3  }
0x18f: {  	v3 =	vor.u32 v3, v4  }
0x190: {  	v4 =	vperm.xlane v3, v0;
	_ =	sdelay $0x1  }
0x191: {  	v4 =	vadd.s32 v1, v4;
	_ =	sdelay $0x3  }
0x192: {  	s23 =	simm.s32 $0x6000;
	v3 =	vperm.xlane v3, v2  }
0x193: {  	[hbm4b:s3+s2] =	stream.indirect_vreg.scatter [tilespmem:s23], [sflag:$0x2], $0x80, v4, vm0, $0xb8;
	[tilespmem:$0x18400] =	vst v63  }
0x194: {  	s9 =	simm.s32 $0x6800;
	v3 =	vadd.s32 v1, v3  }
0x195: {  	[hbm4b:s5+s2] =	stream.indirect_vreg.scatter [tilespmem:s9], [sflag:$0x2], $0x80, v4, vm0, $0xb8;
	[tilespmem:$0x18400] =	vst v63  }
0x196: {  	s12 =	simm.s32 $0x7000  }
0x197: {  	[hbm4b:s6+s2] =	stream.indirect_vreg.scatter [tilespmem:s12], [sflag:$0x2], $0x80, v4, vm0, $0xb8;
	[tilespmem:$0x18400] =	vst v63  }
0x198: {  	s14 =	simm.s32 $0x7800  }
0x199: {  	[hbm4b:s3+s2] =	stream.indirect_vreg.scatter [tilespmem:s14], [sflag:$0x2], $0x80, v3, vm0, $0xb8;
	[tilespmem:$0x18400] =	vst v63  }
0x19a: {  	s15 =	simm.s32 $0x8000  }
0x19b: {  	[hbm4b:s5+s2] =	stream.indirect_vreg.scatter [tilespmem:s15], [sflag:$0x2], $0x80, v3, vm0, $0xb8;
	[tilespmem:$0x18400] =	vst v63  }
0x19c: {  	s24 =	simm.s32 $0x8800  }
0x19d: {  	[hbm4b:s6+s2] =	stream.indirect_vreg.scatter [tilespmem:s24], [sflag:$0x2], $0x80, v3, vm0, $0xb8;
	[tilespmem:$0x18400] =	vst v63  }
0x19e: {  	v3 =	vld [tilespmem:$0x18130];
	_ =	sdelay $0x4  }
0x19f: {  	v51 =	vshrl.u32 v3, $0x3  }
0x1a0: {  	v4 =	vmul.u32 $0x30, v51  }
0x1a1: {  	v3 =	vand.u32 $0x7, v3  }
0x1a2: {  	v3 =	vor.u32 v3, v4  }
0x1a3: {  	v4 =	vperm.xlane v3, v0;
	_ =	sdelay $0x1  }
0x1a4: {  	v4 =	vadd.s32 v1, v4;
	_ =	sdelay $0x3  }
0x1a5: {  	s25 =	simm.s32 $0x9000;
	v3 =	vperm.xlane v3, v2  }
0x1a6: {  	[hbm4b:s3+s2] =	stream.indirect_vreg.scatter [tilespmem:s25], [sflag:$0x2], $0x80, v4, vm0, $0xb8;
	[tilespmem:$0x18400] =	vst v63  }
0x1a7: {  	s16 =	simm.s32 $0x9800;
	v3 =	vadd.s32 v1, v3  }
0x1a8: {  	[hbm4b:s5+s2] =	stream.indirect_vreg.scatter [tilespmem:s16], [sflag:$0x2], $0x80, v4, vm0, $0xb8;
	[tilespmem:$0x18400] =	vst v63  }
0x1a9: {  	s17 =	simm.s32 $0xA000  }
0x1aa: {  	[hbm4b:s6+s2] =	stream.indirect_vreg.scatter [tilespmem:s17], [sflag:$0x2], $0x80, v4, vm0, $0xb8;
	[tilespmem:$0x18400] =	vst v63  }
0x1ab: {  	s18 =	simm.s32 $0xA800  }
0x1ac: {  	[hbm4b:s3+s2] =	stream.indirect_vreg.scatter [tilespmem:s18], [sflag:$0x2], $0x80, v3, vm0, $0xb8;
	[tilespmem:$0x18400] =	vst v63  }
0x1ad: {  	s19 =	simm.s32 $0xB000  }
0x1ae: {  	[hbm4b:s5+s2] =	stream.indirect_vreg.scatter [tilespmem:s19], [sflag:$0x2], $0x80, v3, vm0, $0xb8;
	[tilespmem:$0x18400] =	vst v63  }
0x1af: {  	s26 =	simm.s32 $0xB800  }
0x1b0: {  	[hbm4b:s6+s2] =	stream.indirect_vreg.scatter [tilespmem:s26], [sflag:$0x2], $0x80, v3, vm0, $0xb8;
	[tilespmem:$0x18400] =	vst v63  }
0x1b1: {  	v3 =	vld [tilespmem:$0x18300];
	_ =	sdelay $0x4  }
0x1b2: {  	v52 =	vshrl.u32 v3, $0x3  }
0x1b3: {  	v4 =	vmul.u32 $0x30, v52  }
0x1b4: {  	v3 =	vand.u32 $0x7, v3  }
0x1b5: {  	v3 =	vor.u32 v3, v4  }
0x1b6: {  	v4 =	vperm.xlane v3, v0;
	_ =	sdelay $0x1  }
0x1b7: {  	v4 =	vadd.s32 v1, v4;
	_ =	sdelay $0x3  }
0x1b8: {  	v3 =	vperm.xlane v3, v2  }
0x1b9: {  	[hbm4b:s3+s2] =	stream.indirect_vreg.scatter [tilespmem:s2], [sflag:$0x2], $0x80, v4, vm0, $0xb8;
	[tilespmem:$0x18400] =	vst v63  }
0x1ba: {  	v3 =	vadd.s32 v1, v3  }
0x1bb: {  	[hbm4b:s5+s2] =	stream.indirect_vreg.scatter [tilespmem:s13], [sflag:$0x2], $0x80, v4, vm0, $0xb8;
	[tilespmem:$0x18400] =	vst v63  }
0x1bc: {  	_ = 	snop  }
0x1bd: {  	[hbm4b:s6+s2] =	stream.indirect_vreg.scatter [tilespmem:s0], [sflag:$0x2], $0x80, v4, vm0, $0xb8;
	[tilespmem:$0x18400] =	vst v63  }
0x1be: {  	_ = 	snop  }
0x1bf: {  	[hbm4b:s3+s2] =	stream.indirect_vreg.scatter [tilespmem:s1], [sflag:$0x2], $0x80, v3, vm0, $0xb8;
	[tilespmem:$0x18400] =	vst v63  }
0x1c0: {  	_ = 	snop  }
0x1c1: {  	[hbm4b:s5+s2] =	stream.indirect_vreg.scatter [tilespmem:s4], [sflag:$0x2], $0x80, v3, vm0, $0xb8;
	[tilespmem:$0x18400] =	vst v63  }
0x1c2: {  	_ = 	snop  }
0x1c3: {  	[hbm4b:s6+s2] =	stream.indirect_vreg.scatter [tilespmem:s20], [sflag:$0x2], $0x80, v3, vm0, $0xb8;
	[tilespmem:$0x18400] =	vst v63  }
0x1c4: {  	v3 =	vld [tilespmem:$0x18310];
	_ =	sdelay $0x4  }
0x1c5: {  	v53 =	vshrl.u32 v3, $0x3  }
0x1c6: {  	v4 =	vmul.u32 $0x30, v53  }
0x1c7: {  	v3 =	vand.u32 $0x7, v3  }
0x1c8: {  	v3 =	vor.u32 v3, v4  }
0x1c9: {  	v4 =	vperm.xlane v3, v0;
	_ =	sdelay $0x1  }
0x1ca: {  	v4 =	vadd.s32 v1, v4;
	_ =	sdelay $0x3  }
0x1cb: {  	v3 =	vperm.xlane v3, v2  }
0x1cc: {  	[hbm4b:s3+s2] =	stream.indirect_vreg.scatter [tilespmem:s21], [sflag:$0x2], $0x80, v4, vm0, $0xb8;
	[tilespmem:$0x18400] =	vst v63  }
0x1cd: {  	v3 =	vadd.s32 v1, v3  }
0x1ce: {  	[hbm4b:s5+s2] =	stream.indirect_vreg.scatter [tilespmem:s10], [sflag:$0x2], $0x80, v4, vm0, $0xb8;
	[tilespmem:$0x18400] =	vst v63  }
0x1cf: {  	_ = 	snop  }
0x1d0: {  	[hbm4b:s6+s2] =	stream.indirect_vreg.scatter [tilespmem:s31], [sflag:$0x2], $0x80, v4, vm0, $0xb8;
	[tilespmem:$0x18400] =	vst v63  }
0x1d1: {  	_ = 	snop  }
0x1d2: {  	[hbm4b:s3+s2] =	stream.indirect_vreg.scatter [tilespmem:s7], [sflag:$0x2], $0x80, v3, vm0, $0xb8;
	[tilespmem:$0x18400] =	vst v63  }
0x1d3: {  	_ = 	snop  }
0x1d4: {  	[hbm4b:s5+s2] =	stream.indirect_vreg.scatter [tilespmem:s8], [sflag:$0x2], $0x80, v3, vm0, $0xb8;
	[tilespmem:$0x18400] =	vst v63  }
0x1d5: {  	_ = 	snop  }
0x1d6: {  	[hbm4b:s6+s2] =	stream.indirect_vreg.scatter [tilespmem:s22], [sflag:$0x2], $0x80, v3, vm0, $0xb8;
	[tilespmem:$0x18400] =	vst v63  }
0x1d7: {  	v3 =	vld [tilespmem:$0x18320];
	_ =	sdelay $0x4  }
0x1d8: {  	v54 =	vshrl.u32 v3, $0x3  }
0x1d9: {  	v4 =	vmul.u32 $0x30, v54  }
0x1da: {  	v3 =	vand.u32 $0x7, v3  }
0x1db: {  	v3 =	vor.u32 v3, v4  }
0x1dc: {  	v4 =	vperm.xlane v3, v0;
	_ =	sdelay $0x1  }
0x1dd: {  	v4 =	vadd.s32 v1, v4;
	_ =	sdelay $0x3  }
0x1de: {  	v3 =	vperm.xlane v3, v2  }
0x1df: {  	[hbm4b:s3+s2] =	stream.indirect_vreg.scatter [tilespmem:s23], [sflag:$0x2], $0x80, v4, vm0, $0xb8;
	[tilespmem:$0x18400] =	vst v63  }
0x1e0: {  	v3 =	vadd.s32 v1, v3  }
0x1e1: {  	[hbm4b:s5+s2] =	stream.indirect_vreg.scatter [tilespmem:s9], [sflag:$0x2], $0x80, v4, vm0, $0xb8;
	[tilespmem:$0x18400] =	vst v63  }
0x1e2: {  	_ = 	snop  }
0x1e3: {  	[hbm4b:s6+s2] =	stream.indirect_vreg.scatter [tilespmem:s12], [sflag:$0x2], $0x80, v4, vm0, $0xb8;
	[tilespmem:$0x18400] =	vst v63  }
0x1e4: {  	_ = 	snop  }
0x1e5: {  	[hbm4b:s3+s2] =	stream.indirect_vreg.scatter [tilespmem:s14], [sflag:$0x2], $0x80, v3, vm0, $0xb8;
	[tilespmem:$0x18400] =	vst v63  }
0x1e6: {  	_ = 	snop  }
0x1e7: {  	[hbm4b:s5+s2] =	stream.indirect_vreg.scatter [tilespmem:s15], [sflag:$0x2], $0x80, v3, vm0, $0xb8;
	[tilespmem:$0x18400] =	vst v63  }
0x1e8: {  	_ = 	snop  }
0x1e9: {  	[hbm4b:s6+s2] =	stream.indirect_vreg.scatter [tilespmem:s24], [sflag:$0x2], $0x80, v3, vm0, $0xb8;
	[tilespmem:$0x18400] =	vst v63  }
0x1ea: {  	v3 =	vld [tilespmem:$0x18330];
	_ =	sdelay $0x4  }
0x1eb: {  	v55 =	vshrl.u32 v3, $0x3  }
0x1ec: {  	v4 =	vmul.u32 $0x30, v55  }
0x1ed: {  	v3 =	vand.u32 $0x7, v3  }
0x1ee: {  	v3 =	vor.u32 v3, v4  }
0x1ef: {  	v4 =	vperm.xlane v3, v0;
	_ =	sdelay $0x1  }
0x1f0: {  	v4 =	vadd.s32 v1, v4;
	_ =	sdelay $0x3  }
0x1f1: {  	v3 =	vperm.xlane v3, v2  }
0x1f2: {  	[hbm4b:s3+s2] =	stream.indirect_vreg.scatter [tilespmem:s25], [sflag:$0x2], $0x80, v4, vm0, $0xb8;
	[tilespmem:$0x18400] =	vst v63  }
0x1f3: {  	v3 =	vadd.s32 v1, v3  }
0x1f4: {  	[hbm4b:s5+s2] =	stream.indirect_vreg.scatter [tilespmem:s16], [sflag:$0x2], $0x80, v4, vm0, $0xb8;
	[tilespmem:$0x18400] =	vst v63  }
0x1f5: {  	_ = 	snop  }
0x1f6: {  	[hbm4b:s6+s2] =	stream.indirect_vreg.scatter [tilespmem:s17], [sflag:$0x2], $0x80, v4, vm0, $0xb8;
	[tilespmem:$0x18400] =	vst v63  }
0x1f7: {  	_ = 	snop  }
0x1f8: {  	[hbm4b:s3+s2] =	stream.indirect_vreg.scatter [tilespmem:s18], [sflag:$0x2], $0x80, v3, vm0, $0xb8;
	[tilespmem:$0x18400] =	vst v63  }
0x1f9: {  	_ = 	snop  }
0x1fa: {  	[hbm4b:s5+s2] =	stream.indirect_vreg.scatter [tilespmem:s19], [sflag:$0x2], $0x80, v3, vm0, $0xb8;
	[tilespmem:$0x18400] =	vst v63  }
0x1fb: {  	_ = 	snop  }
0x1fc: {  	[hbm4b:s6+s2] =	stream.indirect_vreg.scatter [tilespmem:s26], [sflag:$0x2], $0x80, v3, vm0, $0xb8;
	[tilespmem:$0x18400] =	vst v63  }
0x1fd: {  	_ =	swait.ge [sflag:s11], $0xC000  }
0x1fe: {  	[sflag:s11] =	ssyncset.done $0x0  }
0x1ff: {  	[sflag:s11] =	ssyncadd.s32 $0xFFFF4000  }
0x200: {  	_ =	swait.ge [sflag:s11], $0xC000  }
0x201: {  	[sflag:s11] =	ssyncset.done $0x0  }
0x202: {  	[sflag:s11] =	ssyncadd.s32 $0xFFFF4000  }
0x203: {  	_ =	swait.ge [sflag:s28], $0xC000  }
0x204: {  	[sflag:s28] =	ssyncset.done $0x0  }
0x205: {  	[sflag:s28] =	ssyncadd.s32 $0xFFFF4000  }
0x206: {  	v3 =	vld [tilespmem:$0x18180];
	_ =	sdelay $0x4  }
0x207: {  	v56 =	vshrl.u32 v3, $0x3  }
0x208: {  	v4 =	vmul.u32 $0x30, v56  }
0x209: {  	v3 =	vand.u32 $0x7, v3  }
0x20a: {  	v3 =	vor.u32 v3, v4  }
0x20b: {  	v4 =	vperm.xlane v3, v0;
	_ =	sdelay $0x1  }
0x20c: {  	v4 =	vadd.s32 v1, v4;
	_ =	sdelay $0x3  }
0x20d: {  	s0 =	simm.s32 $0xC000;
	v3 =	vperm.xlane v3, v2  }
0x20e: {  	[hbm4b:s3+s2] =	stream.indirect_vreg.scatter [tilespmem:s0], [sflag:$0x2], $0x80, v4, vm0, $0xb8;
	[tilespmem:$0x18400] =	vst v63  }
0x20f: {  	s1 =	simm.s32 $0xC800;
	v3 =	vadd.s32 v1, v3  }
0x210: {  	[hbm4b:s5+s2] =	stream.indirect_vreg.scatter [tilespmem:s1], [sflag:$0x2], $0x80, v4, vm0, $0xb8;
	[tilespmem:$0x18400] =	vst v63  }
0x211: {  	s31 =	simm.s32 $0xD000  }
0x212: {  	[hbm4b:s6+s2] =	stream.indirect_vreg.scatter [tilespmem:s31], [sflag:$0x2], $0x80, v4, vm0, $0xb8;
	[tilespmem:$0x18400] =	vst v63  }
0x213: {  	s4 =	simm.s32 $0xD800  }
0x214: {  	[hbm4b:s3+s2] =	stream.indirect_vreg.scatter [tilespmem:s4], [sflag:$0x2], $0x80, v3, vm0, $0xb8;
	[tilespmem:$0x18400] =	vst v63  }
0x215: {  	s7 =	simm.s32 $0xE000  }
0x216: {  	[hbm4b:s5+s2] =	stream.indirect_vreg.scatter [tilespmem:s7], [sflag:$0x2], $0x80, v3, vm0, $0xb8;
	[tilespmem:$0x18400] =	vst v63  }
0x217: {  	s8 =	simm.s32 $0xE800  }
0x218: {  	[hbm4b:s6+s2] =	stream.indirect_vreg.scatter [tilespmem:s8], [sflag:$0x2], $0x80, v3, vm0, $0xb8;
	[tilespmem:$0x18400] =	vst v63  }
0x219: {  	v3 =	vld [tilespmem:$0x18190];
	_ =	sdelay $0x4  }
0x21a: {  	v57 =	vshrl.u32 v3, $0x3  }
0x21b: {  	v4 =	vmul.u32 $0x30, v57  }
0x21c: {  	v3 =	vand.u32 $0x7, v3  }
0x21d: {  	v3 =	vor.u32 v3, v4  }
0x21e: {  	v4 =	vperm.xlane v3, v0;
	_ =	sdelay $0x1  }
0x21f: {  	v4 =	vadd.s32 v1, v4;
	_ =	sdelay $0x3  }
0x220: {  	s9 =	simm.s32 $0xF000;
	v3 =	vperm.xlane v3, v2  }
0x221: {  	[hbm4b:s3+s2] =	stream.indirect_vreg.scatter [tilespmem:s9], [sflag:$0x2], $0x80, v4, vm0, $0xb8;
	[tilespmem:$0x18400] =	vst v63  }
0x222: {  	s12 =	simm.s32 $0xF800;
	v3 =	vadd.s32 v1, v3  }
0x223: {  	[hbm4b:s5+s2] =	stream.indirect_vreg.scatter [tilespmem:s12], [sflag:$0x2], $0x80, v4, vm0, $0xb8;
	[tilespmem:$0x18400] =	vst v63  }
0x224: {  	s13 =	simm.s32 $0x10000  }
0x225: {  	[hbm4b:s6+s2] =	stream.indirect_vreg.scatter [tilespmem:s13], [sflag:$0x2], $0x80, v4, vm0, $0xb8;
	[tilespmem:$0x18400] =	vst v63  }
0x226: {  	s14 =	simm.s32 $0x10800  }
0x227: {  	[hbm4b:s3+s2] =	stream.indirect_vreg.scatter [tilespmem:s14], [sflag:$0x2], $0x80, v3, vm0, $0xb8;
	[tilespmem:$0x18400] =	vst v63  }
0x228: {  	s15 =	simm.s32 $0x11000  }
0x229: {  	[hbm4b:s5+s2] =	stream.indirect_vreg.scatter [tilespmem:s15], [sflag:$0x2], $0x80, v3, vm0, $0xb8;
	[tilespmem:$0x18400] =	vst v63  }
0x22a: {  	s16 =	simm.s32 $0x11800  }
0x22b: {  	[hbm4b:s6+s2] =	stream.indirect_vreg.scatter [tilespmem:s16], [sflag:$0x2], $0x80, v3, vm0, $0xb8;
	[tilespmem:$0x18400] =	vst v63  }
0x22c: {  	v3 =	vld [tilespmem:$0x181A0];
	_ =	sdelay $0x4  }
0x22d: {  	v58 =	vshrl.u32 v3, $0x3  }
0x22e: {  	v4 =	vmul.u32 $0x30, v58  }
0x22f: {  	v3 =	vand.u32 $0x7, v3  }
0x230: {  	v3 =	vor.u32 v3, v4  }
0x231: {  	v4 =	vperm.xlane v3, v0;
	_ =	sdelay $0x1  }
0x232: {  	v4 =	vadd.s32 v1, v4;
	_ =	sdelay $0x3  }
0x233: {  	s17 =	simm.s32 $0x12000;
	v3 =	vperm.xlane v3, v2  }
0x234: {  	[hbm4b:s3+s2] =	stream.indirect_vreg.scatter [tilespmem:s17], [sflag:$0x2], $0x80, v4, vm0, $0xb8;
	[tilespmem:$0x18400] =	vst v63  }
0x235: {  	s18 =	simm.s32 $0x12800;
	v3 =	vadd.s32 v1, v3  }
0x236: {  	[hbm4b:s5+s2] =	stream.indirect_vreg.scatter [tilespmem:s18], [sflag:$0x2], $0x80, v4, vm0, $0xb8;
	[tilespmem:$0x18400] =	vst v63  }
0x237: {  	s19 =	simm.s32 $0x13000  }
0x238: {  	[hbm4b:s6+s2] =	stream.indirect_vreg.scatter [tilespmem:s19], [sflag:$0x2], $0x80, v4, vm0, $0xb8;
	[tilespmem:$0x18400] =	vst v63  }
0x239: {  	s20 =	simm.s32 $0x13800  }
0x23a: {  	[hbm4b:s3+s2] =	stream.indirect_vreg.scatter [tilespmem:s20], [sflag:$0x2], $0x80, v3, vm0, $0xb8;
	[tilespmem:$0x18400] =	vst v63  }
0x23b: {  	s21 =	simm.s32 $0x14000  }
0x23c: {  	[hbm4b:s5+s2] =	stream.indirect_vreg.scatter [tilespmem:s21], [sflag:$0x2], $0x80, v3, vm0, $0xb8;
	[tilespmem:$0x18400] =	vst v63  }
0x23d: {  	s22 =	simm.s32 $0x14800  }
0x23e: {  	[hbm4b:s6+s2] =	stream.indirect_vreg.scatter [tilespmem:s22], [sflag:$0x2], $0x80, v3, vm0, $0xb8;
	[tilespmem:$0x18400] =	vst v63  }
0x23f: {  	v3 =	vld [tilespmem:$0x181B0];
	_ =	sdelay $0x4  }
0x240: {  	v59 =	vshrl.u32 v3, $0x3  }
0x241: {  	v4 =	vmul.u32 $0x30, v59  }
0x242: {  	v3 =	vand.u32 $0x7, v3  }
0x243: {  	v3 =	vor.u32 v3, v4  }
0x244: {  	v4 =	vperm.xlane v3, v0;
	_ =	sdelay $0x1  }
0x245: {  	v4 =	vadd.s32 v1, v4;
	_ =	sdelay $0x3  }
0x246: {  	s23 =	simm.s32 $0x15000;
	v3 =	vperm.xlane v3, v2  }
0x247: {  	[hbm4b:s3+s2] =	stream.indirect_vreg.scatter [tilespmem:s23], [sflag:$0x2], $0x80, v4, vm0, $0xb8;
	[tilespmem:$0x18400] =	vst v63  }
0x248: {  	s24 =	simm.s32 $0x15800;
	v3 =	vadd.s32 v1, v3  }
0x249: {  	[hbm4b:s5+s2] =	stream.indirect_vreg.scatter [tilespmem:s24], [sflag:$0x2], $0x80, v4, vm0, $0xb8;
	[tilespmem:$0x18400] =	vst v63  }
0x24a: {  	s25 =	simm.s32 $0x16000  }
0x24b: {  	[hbm4b:s6+s2] =	stream.indirect_vreg.scatter [tilespmem:s25], [sflag:$0x2], $0x80, v4, vm0, $0xb8;
	[tilespmem:$0x18400] =	vst v63  }
0x24c: {  	_ = 	snop  }
0x24d: {  	[hbm4b:s3+s2] =	stream.indirect_vreg.scatter [tilespmem:s29], [sflag:$0x2], $0x80, v3, vm0, $0xb8;
	[tilespmem:$0x18400] =	vst v63  }
0x24e: {  	_ = 	snop  }
0x24f: {  	[hbm4b:s5+s2] =	stream.indirect_vreg.scatter [tilespmem:s30], [sflag:$0x2], $0x80, v3, vm0, $0xb8;
	[tilespmem:$0x18400] =	vst v63  }
0x250: {  	s10 =	simm.s32 $0x17800  }
0x251: {  	[hbm4b:s6+s2] =	stream.indirect_vreg.scatter [tilespmem:s10], [sflag:$0x2], $0x80, v3, vm0, $0xb8;
	[tilespmem:$0x18400] =	vst v63  }
0x252: {  	v3 =	vld [tilespmem:$0x18380];
	_ =	sdelay $0x4  }
0x253: {  	v60 =	vshrl.u32 v3, $0x3  }
0x254: {  	v4 =	vmul.u32 $0x30, v60  }
0x255: {  	v3 =	vand.u32 $0x7, v3  }
0x256: {  	v3 =	vor.u32 v3, v4  }
0x257: {  	v4 =	vperm.xlane v3, v0;
	_ =	sdelay $0x1  }
0x258: {  	v4 =	vadd.s32 v1, v4;
	_ =	sdelay $0x3  }
0x259: {  	v3 =	vperm.xlane v3, v2  }
0x25a: {  	[hbm4b:s3+s2] =	stream.indirect_vreg.scatter [tilespmem:s0], [sflag:$0x2], $0x80, v4, vm0, $0xb8;
	[tilespmem:$0x18400] =	vst v63  }
0x25b: {  	v3 =	vadd.s32 v1, v3  }
0x25c: {  	[hbm4b:s5+s2] =	stream.indirect_vreg.scatter [tilespmem:s1], [sflag:$0x2], $0x80, v4, vm0, $0xb8;
	[tilespmem:$0x18400] =	vst v63  }
0x25d: {  	_ = 	snop  }
0x25e: {  	[hbm4b:s6+s2] =	stream.indirect_vreg.scatter [tilespmem:s31], [sflag:$0x2], $0x80, v4, vm0, $0xb8;
	[tilespmem:$0x18400] =	vst v63  }
0x25f: {  	_ = 	snop  }
0x260: {  	[hbm4b:s3+s2] =	stream.indirect_vreg.scatter [tilespmem:s4], [sflag:$0x2], $0x80, v3, vm0, $0xb8;
	[tilespmem:$0x18400] =	vst v63  }
0x261: {  	_ = 	snop  }
0x262: {  	[hbm4b:s5+s2] =	stream.indirect_vreg.scatter [tilespmem:s7], [sflag:$0x2], $0x80, v3, vm0, $0xb8;
	[tilespmem:$0x18400] =	vst v63  }
0x263: {  	_ = 	snop  }
0x264: {  	[hbm4b:s6+s2] =	stream.indirect_vreg.scatter [tilespmem:s8], [sflag:$0x2], $0x80, v3, vm0, $0xb8;
	[tilespmem:$0x18400] =	vst v63  }
0x265: {  	v3 =	vld [tilespmem:$0x18390];
	_ =	sdelay $0x4  }
0x266: {  	v61 =	vshrl.u32 v3, $0x3  }
0x267: {  	v4 =	vmul.u32 $0x30, v61  }
0x268: {  	v3 =	vand.u32 $0x7, v3  }
0x269: {  	v3 =	vor.u32 v3, v4  }
0x26a: {  	v4 =	vperm.xlane v3, v0;
	_ =	sdelay $0x1  }
0x26b: {  	v4 =	vadd.s32 v1, v4;
	_ =	sdelay $0x3  }
0x26c: {  	v3 =	vperm.xlane v3, v2  }
0x26d: {  	[hbm4b:s3+s2] =	stream.indirect_vreg.scatter [tilespmem:s9], [sflag:$0x2], $0x80, v4, vm0, $0xb8;
	[tilespmem:$0x18400] =	vst v63  }
0x26e: {  	v3 =	vadd.s32 v1, v3  }
0x26f: {  	[hbm4b:s5+s2] =	stream.indirect_vreg.scatter [tilespmem:s12], [sflag:$0x2], $0x80, v4, vm0, $0xb8;
	[tilespmem:$0x18400] =	vst v63  }
0x270: {  	_ = 	snop  }
0x271: {  	[hbm4b:s6+s2] =	stream.indirect_vreg.scatter [tilespmem:s13], [sflag:$0x2], $0x80, v4, vm0, $0xb8;
	[tilespmem:$0x18400] =	vst v63  }
0x272: {  	_ = 	snop  }
0x273: {  	[hbm4b:s3+s2] =	stream.indirect_vreg.scatter [tilespmem:s14], [sflag:$0x2], $0x80, v3, vm0, $0xb8;
	[tilespmem:$0x18400] =	vst v63  }
0x274: {  	_ = 	snop  }
0x275: {  	[hbm4b:s5+s2] =	stream.indirect_vreg.scatter [tilespmem:s15], [sflag:$0x2], $0x80, v3, vm0, $0xb8;
	[tilespmem:$0x18400] =	vst v63  }
0x276: {  	_ = 	snop  }
0x277: {  	[hbm4b:s6+s2] =	stream.indirect_vreg.scatter [tilespmem:s16], [sflag:$0x2], $0x80, v3, vm0, $0xb8;
	[tilespmem:$0x18400] =	vst v63  }
0x278: {  	v3 =	vld [tilespmem:$0x183A0];
	_ =	sdelay $0x4  }
0x279: {  	v62 =	vshrl.u32 v3, $0x3  }
0x27a: {  	v4 =	vmul.u32 $0x30, v62  }
0x27b: {  	v3 =	vand.u32 $0x7, v3  }
0x27c: {  	v3 =	vor.u32 v3, v4  }
0x27d: {  	v4 =	vperm.xlane v3, v0;
	_ =	sdelay $0x1  }
0x27e: {  	v4 =	vadd.s32 v1, v4;
	_ =	sdelay $0x3  }
0x27f: {  	v3 =	vperm.xlane v3, v2  }
0x280: {  	[hbm4b:s3+s2] =	stream.indirect_vreg.scatter [tilespmem:s17], [sflag:$0x2], $0x80, v4, vm0, $0xb8;
	[tilespmem:$0x18400] =	vst v63  }
0x281: {  	v3 =	vadd.s32 v1, v3  }
0x282: {  	[hbm4b:s5+s2] =	stream.indirect_vreg.scatter [tilespmem:s18], [sflag:$0x2], $0x80, v4, vm0, $0xb8;
	[tilespmem:$0x18400] =	vst v63  }
0x283: {  	_ = 	snop  }
0x284: {  	[hbm4b:s6+s2] =	stream.indirect_vreg.scatter [tilespmem:s19], [sflag:$0x2], $0x80, v4, vm0, $0xb8;
	[tilespmem:$0x18400] =	vst v63  }
0x285: {  	_ = 	snop  }
0x286: {  	[hbm4b:s3+s2] =	stream.indirect_vreg.scatter [tilespmem:s20], [sflag:$0x2], $0x80, v3, vm0, $0xb8;
	[tilespmem:$0x18400] =	vst v63  }
0x287: {  	_ = 	snop  }
0x288: {  	[hbm4b:s5+s2] =	stream.indirect_vreg.scatter [tilespmem:s21], [sflag:$0x2], $0x80, v3, vm0, $0xb8;
	[tilespmem:$0x18400] =	vst v63  }
0x289: {  	_ = 	snop  }
0x28a: {  	[hbm4b:s6+s2] =	stream.indirect_vreg.scatter [tilespmem:s22], [sflag:$0x2], $0x80, v3, vm0, $0xb8;
	[tilespmem:$0x18400] =	vst v63  }
0x28b: {  	v3 =	vld [tilespmem:$0x183B0];
	_ =	sdelay $0x4  }
0x28c: {  	v63 =	vshrl.u32 v3, $0x3  }
0x28d: {  	v4 =	vmul.u32 $0x30, v63  }
0x28e: {  	v3 =	vand.u32 $0x7, v3  }
0x28f: {  	v3 =	vor.u32 v3, v4  }
0x290: {  	v4 =	vperm.xlane v3, v0;
	_ =	sdelay $0x1  }
0x291: {  	v4 =	vadd.s32 v1, v4;
	_ =	sdelay $0x3  }
0x292: {  	v3 =	vperm.xlane v3, v2  }
0x293: {  	[hbm4b:s3+s2] =	stream.indirect_vreg.scatter [tilespmem:s23], [sflag:$0x2], $0x80, v4, vm0, $0xb8;
	[tilespmem:$0x18400] =	vst v63  }
0x294: {  	v3 =	vadd.s32 v1, v3  }
0x295: {  	[hbm4b:s5+s2] =	stream.indirect_vreg.scatter [tilespmem:s24], [sflag:$0x2], $0x80, v4, vm0, $0xb8;
	[tilespmem:$0x18400] =	vst v63  }
0x296: {  	_ = 	snop  }
0x297: {  	[hbm4b:s6+s2] =	stream.indirect_vreg.scatter [tilespmem:s25], [sflag:$0x2], $0x80, v4, vm0, $0xb8;
	[tilespmem:$0x18400] =	vst v63  }
0x298: {  	_ = 	snop  }
0x299: {  	[hbm4b:s3+s2] =	stream.indirect_vreg.scatter [tilespmem:s29], [sflag:$0x2], $0x80, v3, vm0, $0xb8;
	[tilespmem:$0x18400] =	vst v63  }
0x29a: {  	_ = 	snop  }
0x29b: {  	[hbm4b:s5+s2] =	stream.indirect_vreg.scatter [tilespmem:s30], [sflag:$0x2], $0x80, v3, vm0, $0xb8;
	[tilespmem:$0x18400] =	vst v63  }
0x29c: {  	s31 =	rddreg [dreg:$0xb]  }
0x29d: {  	[hbm4b:s6+s2] =	stream.indirect_vreg.scatter [tilespmem:s10], [sflag:$0x2], $0x80, v3, vm0, $0xb8;
	[tilespmem:$0x18400] =	vst v63  }
0x29e: {  	p0 =	sne.s32 s31, $0x1;
	_ =	swait.ge [sflag:s11], $0xC000  }
.Ltmp0:
0x29f: {  	[sflag:s11] =	ssyncset.done $0x0;
	(pc) =	sbr.rel @p0 .LBB2_1-.Ltmp0, $4  }
0x2a0: {  	[sflag:s11] =	ssyncadd.s32 $0xFFFF4000  }
0x2a1: {  	_ =	swait.ge [sflag:s11], $0xC000  }
0x2a2: {  	[sflag:s11] =	ssyncset.done $0x0  }
0x2a3: {  	s1 =	sadd.s32 $0xFFFFFFFF, s31;
	[sflag:s11] =	ssyncadd.s32 $0xFFFF4000  }
0x2a4: {  	_ =	sfence.sel $0x180000  }
0x2a5: {  	[bflag:$0x0] =	sbarrier.arrive $0xFFFF  }
0x2a6: {  	_ =	strace $0x90000047  }
0x2a7: {  	s0 =	stileid.u32;
	[bflag:$0x2] =	sbarrier.arrive $0xFFFF  }
0x2a8: {  	p0 =	sne.s32 s0, $0x0;
	s0 =	rddreg [dreg:$0x2]  }
0x2a9: {  	s0 =	sadd.s32 @!p0 $0x100000, s0  }
0x2aa: {  	[sflag:s0] =	ssyncadd.tile.s32 @!p0 $0x1;
	_ =	shalt  }
.Lfunc_end2:
_tile_overlayer_lowered:
.L_overlay_start_2:
0x2ab: {  	(tag) =	ssettag $0x2  }
0x2ac: {  	s0 =	rddreg [dreg:$0x0];
	s2 =	stileid.u32  }
0x2ad: {  	s1 =	rddreg [dreg:$0x1];
	p0 =	sne.s32 s2, $0x0  }
0x2ae: {  	s3 =	rddreg [dreg:$0x2];
	[bflag:$0x3] =	sbarrier.arrive $0xFFFF;
	s2 =	simm.s32 @!p0 $0x1C03  }
0x2af: {  	[timem:s3], [sflag:s2] =	dma.local @!p0 [hbm:s0], s1  }
0x2b0: {  	s0 =	simm.s32 @!p0 $0x3  }
0x2b1: {  	_ =	swait.ge @!p0 [sflag:s0], s1  }
0x2b2: {  	s1 =	ssub.s32 @!p0 $0x0, s1;
	[sflag:s0] =	ssyncset.done @!p0 $0x0  }
0x2b3: {  	[sflag:s0] =	ssyncadd.s32 @!p0 s1  }
0x2b4: {  	[bflag:$0x3] =	sbarrier.arrive $0xFFFF  }
0x2b5: {  	_ =	shalt  }

</sc_bundles>
